<compile_context>
chip_gen: v7x
topology: tpu7x:2x2x1
jax: 0.10.2.dev20260603
libtpu: 0.0.44.dev20260713+nightly
codegen_flags: <defaults>
</compile_context>

<pallas_src>
import functools

import jax
import jax.numpy as jnp
from jax import lax
from jax.experimental import pallas as pl
from jax.experimental.pallas import tpu as pltpu
from jax.experimental.pallas import tpu_sc as plsc

COILS = 8
NZ, NY, NX = 32, 256, 256
NTOT = NZ * NY * NX
NC, NS = 2, 16
NW = NC * NS
CP = 8

TV = 2048
TCHUNK = NTOT // NW // TV

GR = 16
NG = NY // GR

_MESH = dict(core_axis_name="c", subcore_axis_name="s")
_SC_PARAMS = dict(use_tc_tiling_on_sc=False, needs_layout_passes=False)


def _flat_index(idx_z, idx_y, idx_x):
    def body(iz_ref, iy_ref, ix_ref, o_ref):
        o_ref[...] = (
            (iz_ref[...] << 16) | (iy_ref[...] << 8) | ix_ref[...]
        )

    spec = pl.BlockSpec((1, NY, NX), lambda i: (i, 0, 0))
    return pl.pallas_call(
        body,
        out_shape=jax.ShapeDtypeStruct((NZ, NY, NX), jnp.int32),
        grid=(NZ,),
        in_specs=[spec, spec, spec],
        out_specs=spec,
    )(idx_z, idx_y, idx_x)


def _transpose(x2):
    @functools.partial(
        pl.kernel,
        out_type=jax.ShapeDtypeStruct((NTOT, CP), jnp.float32),
        mesh=plsc.VectorSubcoreMesh(**_MESH),
        compiler_params=pltpu.CompilerParams(**_SC_PARAMS),
        scratch_types=[
            pltpu.VMEM((2, COILS, TV), jnp.float32),
            pltpu.VMEM((2, TV, CP), jnp.float32),
            pltpu.SemaphoreType.DMA,
            pltpu.SemaphoreType.DMA,
        ],
    )
    def k(x_hbm, xt_hbm, xin, xout, isem, osem):
        wid = lax.axis_index("s") * NC + lax.axis_index("c")
        lanes = lax.iota(jnp.int32, 16)
        w0 = wid * TCHUNK * TV

        def in_cp(chunk, b):
            return pltpu.make_async_copy(
                x_hbm.at[:, pl.ds(w0 + chunk * TV, TV)], xin.at[b], isem
            )

        def out_cp(chunk, b):
            return pltpu.make_async_copy(
                xout.at[b], xt_hbm.at[pl.ds(w0 + chunk * TV, TV), :], osem
            )

        in_cp(0, 0).start()

        def tbody(chunk, _):
            b = chunk & 1
            in_cp(chunk, b).wait()

            @pl.when(chunk + 1 < TCHUNK)
            def _():
                in_cp(chunk + 1, 1 - b).start()

            @pl.when(chunk >= 2)
            def _():
                out_cp(chunk - 2, b).wait()

            for c in range(COILS):
                cvec = jnp.full((16,), c, jnp.int32)

                @plsc.parallel_loop(0, TV, 16, unroll=8)
                def body(v0, b=b, c=c, cvec=cvec):
                    val = xin[b, c, pl.ds(v0, 16)]
                    plsc.store_scatter(xout.at[b], [v0 + lanes, cvec], val)

            out_cp(chunk, b).start()
            return 0

        lax.fori_loop(0, TCHUNK, tbody, 0)
        out_cp(TCHUNK - 2, (TCHUNK - 2) % 2).wait()
        out_cp(TCHUNK - 1, (TCHUNK - 1) % 2).wait()

    return k(x2)


def _sc_gather(xt, flat3):
    @functools.partial(
        pl.kernel,
        out_type=jax.ShapeDtypeStruct((COILS, NZ, NY, NX), jnp.float32),
        mesh=plsc.VectorSubcoreMesh(**_MESH),
        compiler_params=pltpu.CompilerParams(**_SC_PARAMS),
        scratch_types=[
            pltpu.VMEM((3, GR, NX), jnp.int32),
            pltpu.VMEM((2, GR * NX, CP), jnp.float32),
            pltpu.VMEM((COILS, GR, NX), jnp.float32),
            pltpu.SemaphoreType.DMA,
            pltpu.SemaphoreType.DMA,
            pltpu.SemaphoreType.DMA,
        ],
    )
    def k(xt_hbm, flat_hbm, out_hbm, flat3b, g8, crows, fsem, gsem, osem):
        wid = lax.axis_index("s") * NC + lax.axis_index("c")
        lanes = lax.iota(jnp.int32, 16)

        def flat_cp(g):
            return pltpu.make_async_copy(
                flat_hbm.at[wid, pl.ds(g * GR, GR), :],
                flat3b.at[g % 3],
                fsem,
            )

        def gcp(g, rr):
            return pltpu.make_async_copy(
                xt_hbm.at[flat3b.at[g % 3, rr]],
                g8.at[g % 2, pl.ds(rr * NX, NX), :],
                gsem,
            )

        def fire(g):
            def f(rr, _):
                gcp(g, rr).start()
                return 0

            lax.fori_loop(0, GR, f, 0)

        def drain(g):
            def f(rr, _):
                gcp(g, rr).wait()
                return 0

            lax.fori_loop(0, GR, f, 0)

        def ocp(g, c):
            return pltpu.make_async_copy(
                crows.at[c],
                out_hbm.at[c, wid, pl.ds(g * GR, GR), :],
                osem,
            )

        flat_cp(0).start()
        flat_cp(1).start()
        flat_cp(0).wait()
        fire(0)

        def gbody(g, _):
            drain(g)

            @pl.when(g + 2 < NG)
            def _():
                flat_cp(g + 2).start()

            @pl.when(g + 1 < NG)
            def _():
                flat_cp(g + 1).wait()
                fire(g + 1)

            gbuf = g & 1
            for c in range(COILS):
                cvec = jnp.full((16,), c, jnp.int32)

                @plsc.parallel_loop(0, (GR * NX) // 16, unroll=8)
                def body2(i, gbuf=gbuf, c=c, cvec=cvec):
                    val = plsc.load_gather(
                        g8.at[gbuf], [i * 16 + lanes, cvec]
                    )
                    crows[c, i >> 4, pl.ds((i & 15) * 16, 16)] = val

                ocp(g, c).start()
            for c in range(COILS):
                ocp(g, c).wait()
            return 0

        lax.fori_loop(0, NG, gbody, 0)

    return k(xt, flat3)


def kernel(x, idx_z, idx_y, idx_x):
    flat3 = _flat_index(idx_z, idx_y, idx_x)
    xt = _transpose(x.reshape(COILS, NTOT))
    return (_sc_gather(xt, flat3),)

# --- scband reference (transcript-rebuilt; emitter-appended) ---
"""Pipeline reference for scband-cartesian-sampling-op-79310866088170 (READ-ONLY COPY).

The authoritative reference and input builder live on the scoring server;
editing this copy changes nothing except your own understanding.
"""

import jax, jax.numpy as jnp
import numpy as np

MATRIX_SIZE = (32, 256, 256)
COILS = 8
K_SHAPE = (32, 256, 256)


def setup_inputs(seed: int = 0) -> dict:
    key = jax.random.key(seed)
    k1, k2, k3, k4 = jax.random.split(key, 4)
    x = jax.random.normal(k1, (COILS, *MATRIX_SIZE), dtype=jnp.float32)
    idx_z = jax.random.randint(k2, K_SHAPE, 0, MATRIX_SIZE[0], dtype=jnp.int32)
    idx_y = jax.random.randint(k3, K_SHAPE, 0, MATRIX_SIZE[1], dtype=jnp.int32)
    idx_x = jax.random.randint(k4, K_SHAPE, 0, MATRIX_SIZE[2], dtype=jnp.int32)
    return {"x": x, "idx_z": idx_z, "idx_y": idx_y, "idx_x": idx_x}


def reference(x, idx_z, idx_y, idx_x):
    # CartesianSamplingOp.forward: gather image-space grid at k-space sample
    # locations given by the (rounded, in-bounds) trajectory indices.
    # x: (..., coils, z, y, x) -> out: (..., coils, k2, k1, k0)
    out = x[..., idx_z, idx_y, idx_x]
    return (out,)

if __name__ == "__main__":
    import jax
    _d = setup_inputs()
    print(jax.jit(kernel)(*tuple(_d.values())))

</pallas_src>

<mosaic_0001>
#map = affine_map<(d0, d1) -> (0, 0)>
module attributes {stable_mosaic.version = 14 : i64} {
  func.func @k(%arg0: i32, %arg1: i32, %arg2: memref<8x2097152xf32, #tpu.memory_space<hbm>>, %arg3: memref<2097152x8xf32, #tpu.memory_space<hbm>>, %arg4: memref<2x8x2048xf32, #tpu.memory_space<vmem>>, %arg5: memref<2x2048x8xf32, #tpu.memory_space<vmem>>, %arg6: memref<!tpu.dma_semaphore, #tpu.memory_space<semaphore_mem>>, %arg7: memref<!tpu.dma_semaphore, #tpu.memory_space<semaphore_mem>>) attributes {dimension_semantics = [#tpu.dimension_semantics<core_parallel>, #tpu.dimension_semantics<subcore_parallel>], iteration_bounds = array<i64: 2, 16>, scalar_prefetch = 0 : i64, scratch_operands = 4 : i64, tpu.core_type = #tpu.core_type<sc_vector_subcore>, window_params = [{transform_indices = #map}, {transform_indices = #map}]} {
    %mul3A = arith.constant 2 : i32
    %mul3A_0 = arith.muli %arg1, %mul3A : i32
    %add3A = arith.addi %mul3A_0, %arg0 : i32
    %iota3A = tpu.iota {dimensions = array<i32: 0>} : vector<16xi32>
    %mul3A_1 = arith.constant 32 : i32
    %mul3A_2 = arith.muli %add3A, %mul3A_1 : i32
    %mul3A_3 = arith.constant 2048 : i32
    %mul3A_4 = arith.muli %mul3A_2, %mul3A_3 : i32
    %add3A_5 = arith.constant 0 : i32
    %add3A_6 = arith.addi %mul3A_4, %add3A_5 : i32
    %dma_start3A = arith.constant 0 : i32
    %dma_start3A_7 = arith.constant 0 : i32
    %dma_start3A_8 = arith.constant 0 : i32
    %dma_start3A_9 = tpu.memref_slice %arg4[%dma_start3A, %dma_start3A_7, %dma_start3A_8] : memref<2x8x2048xf32, #tpu.memory_space<vmem>> -> memref<1x8x2048xf32, #tpu.memory_space<vmem>>
    %dma_start3A_10 = tpu.memref_squeeze %dma_start3A_9 : memref<1x8x2048xf32, #tpu.memory_space<vmem>> -> memref<8x2048xf32, #tpu.memory_space<vmem>>
    %dma_start3A_11 = arith.constant 0 : i32
    %dma_start3A_12 = tpu.memref_slice %arg2[%dma_start3A_11, %add3A_6] : memref<8x2097152xf32, #tpu.memory_space<hbm>> -> memref<8x2048xf32, #tpu.memory_space<hbm>>
    %dma_start3A_13 = arith.constant 0 : i32
    %dma_start3A_14 = arith.constant 0 : i32
    %dma_start3A_15 = tpu.memref_slice %arg4[%dma_start3A, %dma_start3A_13, %dma_start3A_14] : memref<2x8x2048xf32, #tpu.memory_space<vmem>> -> memref<1x8x2048xf32, #tpu.memory_space<vmem>>
    %dma_start3A_16 = tpu.memref_squeeze %dma_start3A_15 : memref<1x8x2048xf32, #tpu.memory_space<vmem>> -> memref<8x2048xf32, #tpu.memory_space<vmem>>
    %dma_start3A_17 = arith.constant 0 : i32
    %dma_start3A_18 = tpu.memref_slice %arg2[%dma_start3A_17, %add3A_6] : memref<8x2097152xf32, #tpu.memory_space<hbm>> -> memref<8x2048xf32, #tpu.memory_space<hbm>>
    tpu.enqueue_dma source(%dma_start3A_18 : memref<8x2048xf32, #tpu.memory_space<hbm>>) target(%dma_start3A_16 : memref<8x2048xf32, #tpu.memory_space<vmem>>) target_semaphore(%arg6 : memref<!tpu.dma_semaphore, #tpu.memory_space<semaphore_mem>>)
    %scan3A = arith.constant 0 : i32
    %scan3A_19 = arith.constant 0 : i32
    %scan3A_20 = arith.constant 32 : i32
    %scan3A_21 = arith.addi %scan3A_19, %scan3A_20 : i32
    %scan3A_22 = arith.constant 1 : i32
    %scan3A_23 = scf.for %scan3A_54 = %scan3A_19 to %scan3A_21 step %scan3A_22 iter_args(%scan3A_55 = %scan3A) -> (i32)  : i32 {
      %and3A = arith.constant 1 : i32
      %and3A_56 = arith.andi %scan3A_54, %and3A : i32
      %mul3A_57 = arith.constant 2048 : i32
      %mul3A_58 = arith.muli %scan3A_54, %mul3A_57 : i32
      %add3A_59 = arith.addi %mul3A_4, %mul3A_58 : i32
      %dma_wait3A_60 = arith.constant 0 : i32
      %dma_wait3A_61 = arith.constant 0 : i32
      %dma_wait3A_62 = tpu.memref_slice %arg4[%and3A_56, %dma_wait3A_60, %dma_wait3A_61] : memref<2x8x2048xf32, #tpu.memory_space<vmem>> -> memref<1x8x2048xf32, #tpu.memory_space<vmem>>
      %dma_wait3A_63 = tpu.memref_squeeze %dma_wait3A_62 : memref<1x8x2048xf32, #tpu.memory_space<vmem>> -> memref<8x2048xf32, #tpu.memory_space<vmem>>
      %dma_wait3A_64 = arith.constant 0 : i32
      %dma_wait3A_65 = tpu.memref_slice %arg2[%dma_wait3A_64, %add3A_59] : memref<8x2097152xf32, #tpu.memory_space<hbm>> -> memref<8x2048xf32, #tpu.memory_space<hbm>>
      %dma_wait3A_66 = arith.constant 0 : i32
      %dma_wait3A_67 = arith.constant 0 : i32
      %dma_wait3A_68 = tpu.memref_slice %arg4[%and3A_56, %dma_wait3A_66, %dma_wait3A_67] : memref<2x8x2048xf32, #tpu.memory_space<vmem>> -> memref<1x8x2048xf32, #tpu.memory_space<vmem>>
      %dma_wait3A_69 = tpu.memref_squeeze %dma_wait3A_68 : memref<1x8x2048xf32, #tpu.memory_space<vmem>> -> memref<8x2048xf32, #tpu.memory_space<vmem>>
      %dma_wait3A_70 = arith.constant 0 : i32
      %dma_wait3A_71 = tpu.memref_slice %arg2[%dma_wait3A_70, %add3A_59] : memref<8x2097152xf32, #tpu.memory_space<hbm>> -> memref<8x2048xf32, #tpu.memory_space<hbm>>
      tpu.wait_dma2 semaphore(%arg6 : memref<!tpu.dma_semaphore, #tpu.memory_space<semaphore_mem>>) src(%dma_wait3A_71 : memref<8x2048xf32, #tpu.memory_space<hbm>>) dst(%dma_wait3A_69 : memref<8x2048xf32, #tpu.memory_space<vmem>>)
      %add3A_72 = arith.constant 1 : i32
      %add3A_73 = arith.addi %scan3A_54, %add3A_72 : i32
      %lt3A = arith.constant 32 : i32
      %lt3A_74 = arith.cmpi slt, %add3A_73, %lt3A : i32
      %convert_element_type3A = arith.extui %lt3A_74 : i1 to i32
      %cond3A = arith.constant 0 : i32
      %cond3A_75 = arith.cmpi ne, %convert_element_type3A, %cond3A : i32
      scf.if %cond3A_75 {
        %add3A_134 = arith.constant 1 : i32
        %add3A_135 = arith.addi %scan3A_54, %add3A_134 : i32
        %sub3A = arith.constant 1 : i32
        %sub3A_136 = arith.subi %sub3A, %and3A_56 : i32
        %mul3A_137 = arith.constant 2048 : i32
        %mul3A_138 = arith.muli %add3A_135, %mul3A_137 : i32
        %add3A_139 = arith.addi %mul3A_4, %mul3A_138 : i32
        %dma_start3A_140 = arith.constant 0 : i32
        %dma_start3A_141 = arith.constant 0 : i32
        %dma_start3A_142 = tpu.memref_slice %arg4[%sub3A_136, %dma_start3A_140, %dma_start3A_141] : memref<2x8x2048xf32, #tpu.memory_space<vmem>> -> memref<1x8x2048xf32, #tpu.memory_space<vmem>>
        %dma_start3A_143 = tpu.memref_squeeze %dma_start3A_142 : memref<1x8x2048xf32, #tpu.memory_space<vmem>> -> memref<8x2048xf32, #tpu.memory_space<vmem>>
        %dma_start3A_144 = arith.constant 0 : i32
        %dma_start3A_145 = tpu.memref_slice %arg2[%dma_start3A_144, %add3A_139] : memref<8x2097152xf32, #tpu.memory_space<hbm>> -> memref<8x2048xf32, #tpu.memory_space<hbm>>
        %dma_start3A_146 = arith.constant 0 : i32
        %dma_start3A_147 = arith.constant 0 : i32
        %dma_start3A_148 = tpu.memref_slice %arg4[%sub3A_136, %dma_start3A_146, %dma_start3A_147] : memref<2x8x2048xf32, #tpu.memory_space<vmem>> -> memref<1x8x2048xf32, #tpu.memory_space<vmem>>
        %dma_start3A_149 = tpu.memref_squeeze %dma_start3A_148 : memref<1x8x2048xf32, #tpu.memory_space<vmem>> -> memref<8x2048xf32, #tpu.memory_space<vmem>>
        %dma_start3A_150 = arith.constant 0 : i32
        %dma_start3A_151 = tpu.memref_slice %arg2[%dma_start3A_150, %add3A_139] : memref<8x2097152xf32, #tpu.memory_space<hbm>> -> memref<8x2048xf32, #tpu.memory_space<hbm>>
        tpu.enqueue_dma source(%dma_start3A_151 : memref<8x2048xf32, #tpu.memory_space<hbm>>) target(%dma_start3A_149 : memref<8x2048xf32, #tpu.memory_space<vmem>>) target_semaphore(%arg6 : memref<!tpu.dma_semaphore, #tpu.memory_space<semaphore_mem>>)
      } else {
      }
      %ge3A = arith.constant 2 : i32
      %ge3A_76 = arith.cmpi sge, %scan3A_54, %ge3A : i32
      %convert_element_type3A_77 = arith.extui %ge3A_76 : i1 to i32
      %cond3A_78 = arith.constant 0 : i32
      %cond3A_79 = arith.cmpi ne, %convert_element_type3A_77, %cond3A_78 : i32
      scf.if %cond3A_79 {
        %sub3A = arith.constant 2 : i32
        %sub3A_134 = arith.subi %scan3A_54, %sub3A : i32
        %mul3A_135 = arith.constant 2048 : i32
        %mul3A_136 = arith.muli %sub3A_134, %mul3A_135 : i32
        %add3A_137 = arith.addi %mul3A_4, %mul3A_136 : i32
        %dma_wait3A_138 = arith.constant 0 : i32
        %dma_wait3A_139 = arith.constant 0 : i32
        %dma_wait3A_140 = tpu.memref_slice %arg5[%and3A_56, %dma_wait3A_138, %dma_wait3A_139] : memref<2x2048x8xf32, #tpu.memory_space<vmem>> -> memref<1x2048x8xf32, #tpu.memory_space<vmem>>
        %dma_wait3A_141 = tpu.memref_squeeze %dma_wait3A_140 : memref<1x2048x8xf32, #tpu.memory_space<vmem>> -> memref<2048x8xf32, #tpu.memory_space<vmem>>
        %dma_wait3A_142 = arith.constant 0 : i32
        %dma_wait3A_143 = tpu.memref_slice %arg3[%add3A_137, %dma_wait3A_142] : memref<2097152x8xf32, #tpu.memory_space<hbm>> -> memref<2048x8xf32, #tpu.memory_space<hbm>>
        %dma_wait3A_144 = arith.constant 0 : i32
        %dma_wait3A_145 = tpu.memref_slice %arg3[%add3A_137, %dma_wait3A_144] : memref<2097152x8xf32, #tpu.memory_space<hbm>> -> memref<2048x8xf32, #tpu.memory_space<hbm>>
        %dma_wait3A_146 = arith.constant 0 : i32
        %dma_wait3A_147 = arith.constant 0 : i32
        %dma_wait3A_148 = tpu.memref_slice %arg5[%and3A_56, %dma_wait3A_146, %dma_wait3A_147] : memref<2x2048x8xf32, #tpu.memory_space<vmem>> -> memref<1x2048x8xf32, #tpu.memory_space<vmem>>
        %dma_wait3A_149 = tpu.memref_squeeze %dma_wait3A_148 : memref<1x2048x8xf32, #tpu.memory_space<vmem>> -> memref<2048x8xf32, #tpu.memory_space<vmem>>
        tpu.wait_dma2 semaphore(%arg7 : memref<!tpu.dma_semaphore, #tpu.memory_space<semaphore_mem>>) src(%dma_wait3A_149 : memref<2048x8xf32, #tpu.memory_space<vmem>>) dst(%dma_wait3A_145 : memref<2048x8xf32, #tpu.memory_space<hbm>>)
      } else {
      }
      %broadcast_in_dim3A = arith.constant 0 : i32
      %broadcast_in_dim3A_80 = vector.broadcast %broadcast_in_dim3A : i32 to vector<16xi32>
      %parallel_loop3A = arith.constant 0 : i32
      %parallel_loop3A_81 = arith.constant 2048 : i32
      %parallel_loop3A_82 = arith.constant 16 : i32
      scf.for %parallel_loop3A_134 = %parallel_loop3A to %parallel_loop3A_81 step %parallel_loop3A_82  : i32 {
        %parallel_loop3A_135 = arith.constant 0 : i32
        %parallel_loop3A_136 = arith.index_cast %and3A_56 : i32 to index
        %parallel_loop3A_137 = arith.index_cast %parallel_loop3A_135 : i32 to index
        %parallel_loop3A_138 = arith.index_cast %parallel_loop3A_134 : i32 to index
        %parallel_loop3A_139 = tpu.vector_load %arg4[%parallel_loop3A_136, %parallel_loop3A_137, %parallel_loop3A_138] {strides = array<i32>} : memref<2x8x2048xf32, #tpu.memory_space<vmem>>, vector<16xf32>,
        %parallel_loop3A_140 = vector.broadcast %parallel_loop3A_134 : i32 to vector<16xi32>
        %parallel_loop3A_141 = arith.addi %parallel_loop3A_140, %iota3A : vector<16xi32>
        %parallel_loop3A_142 = arith.constant 0 : i32
        %parallel_loop3A_143 = arith.constant 0 : i32
        %parallel_loop3A_144 = tpu.memref_slice %arg5[%and3A_56, %parallel_loop3A_142, %parallel_loop3A_143] : memref<2x2048x8xf32, #tpu.memory_space<vmem>> -> memref<1x2048x8xf32, #tpu.memory_space<vmem>>
        %parallel_loop3A_145 = tpu.memref_squeeze %parallel_loop3A_144 : memref<1x2048x8xf32, #tpu.memory_space<vmem>> -> memref<2048x8xf32, #tpu.memory_space<vmem>>
        tpu.vector_store_idx %parallel_loop3A_145[%parallel_loop3A_141, %broadcast_in_dim3A_80], %parallel_loop3A_139 : memref<2048x8xf32, #tpu.memory_space<vmem>>[vector<16xi32>, vector<16xi32>], vector<16xf32>,
      } {sc.loop_unroll_factor = 8 : i64, sc.parallel_access}
      %broadcast_in_dim3A_83 = arith.constant 1 : i32
      %broadcast_in_dim3A_84 = vector.broadcast %broadcast_in_dim3A_83 : i32 to vector<16xi32>
      %parallel_loop3A_85 = arith.constant 0 : i32
      %parallel_loop3A_86 = arith.constant 2048 : i32
      %parallel_loop3A_87 = arith.constant 16 : i32
      scf.for %parallel_loop3A_134 = %parallel_loop3A_85 to %parallel_loop3A_86 step %parallel_loop3A_87  : i32 {
        %parallel_loop3A_135 = arith.constant 1 : i32
        %parallel_loop3A_136 = arith.index_cast %and3A_56 : i32 to index
        %parallel_loop3A_137 = arith.index_cast %parallel_loop3A_135 : i32 to index
        %parallel_loop3A_138 = arith.index_cast %parallel_loop3A_134 : i32 to index
        %parallel_loop3A_139 = tpu.vector_load %arg4[%parallel_loop3A_136, %parallel_loop3A_137, %parallel_loop3A_138] {strides = array<i32>} : memref<2x8x2048xf32, #tpu.memory_space<vmem>>, vector<16xf32>,
        %parallel_loop3A_140 = vector.broadcast %parallel_loop3A_134 : i32 to vector<16xi32>
        %parallel_loop3A_141 = arith.addi %parallel_loop3A_140, %iota3A : vector<16xi32>
        %parallel_loop3A_142 = arith.constant 0 : i32
        %parallel_loop3A_143 = arith.constant 0 : i32
        %parallel_loop3A_144 = tpu.memref_slice %arg5[%and3A_56, %parallel_loop3A_142, %parallel_loop3A_143] : memref<2x2048x8xf32, #tpu.memory_space<vmem>> -> memref<1x2048x8xf32, #tpu.memory_space<vmem>>
        %parallel_loop3A_145 = tpu.memref_squeeze %parallel_loop3A_144 : memref<1x2048x8xf32, #tpu.memory_space<vmem>> -> memref<2048x8xf32, #tpu.memory_space<vmem>>
        tpu.vector_store_idx %parallel_loop3A_145[%parallel_loop3A_141, %broadcast_in_dim3A_84], %parallel_loop3A_139 : memref<2048x8xf32, #tpu.memory_space<vmem>>[vector<16xi32>, vector<16xi32>], vector<16xf32>,
      } {sc.loop_unroll_factor = 8 : i64, sc.parallel_access}
      %broadcast_in_dim3A_88 = arith.constant 2 : i32
      %broadcast_in_dim3A_89 = vector.broadcast %broadcast_in_dim3A_88 : i32 to vector<16xi32>
      %parallel_loop3A_90 = arith.constant 0 : i32
      %parallel_loop3A_91 = arith.constant 2048 : i32
      %parallel_loop3A_92 = arith.constant 16 : i32
      scf.for %parallel_loop3A_134 = %parallel_loop3A_90 to %parallel_loop3A_91 step %parallel_loop3A_92  : i32 {
        %parallel_loop3A_135 = arith.constant 2 : i32
        %parallel_loop3A_136 = arith.index_cast %and3A_56 : i32 to index
        %parallel_loop3A_137 = arith.index_cast %parallel_loop3A_135 : i32 to index
        %parallel_loop3A_138 = arith.index_cast %parallel_loop3A_134 : i32 to index
        %parallel_loop3A_139 = tpu.vector_load %arg4[%parallel_loop3A_136, %parallel_loop3A_137, %parallel_loop3A_138] {strides = array<i32>} : memref<2x8x2048xf32, #tpu.memory_space<vmem>>, vector<16xf32>,
        %parallel_loop3A_140 = vector.broadcast %parallel_loop3A_134 : i32 to vector<16xi32>
        %parallel_loop3A_141 = arith.addi %parallel_loop3A_140, %iota3A : vector<16xi32>
        %parallel_loop3A_142 = arith.constant 0 : i32
        %parallel_loop3A_143 = arith.constant 0 : i32
        %parallel_loop3A_144 = tpu.memref_slice %arg5[%and3A_56, %parallel_loop3A_142, %parallel_loop3A_143] : memref<2x2048x8xf32, #tpu.memory_space<vmem>> -> memref<1x2048x8xf32, #tpu.memory_space<vmem>>
        %parallel_loop3A_145 = tpu.memref_squeeze %parallel_loop3A_144 : memref<1x2048x8xf32, #tpu.memory_space<vmem>> -> memref<2048x8xf32, #tpu.memory_space<vmem>>
        tpu.vector_store_idx %parallel_loop3A_145[%parallel_loop3A_141, %broadcast_in_dim3A_89], %parallel_loop3A_139 : memref<2048x8xf32, #tpu.memory_space<vmem>>[vector<16xi32>, vector<16xi32>], vector<16xf32>,
      } {sc.loop_unroll_factor = 8 : i64, sc.parallel_access}
      %broadcast_in_dim3A_93 = arith.constant 3 : i32
      %broadcast_in_dim3A_94 = vector.broadcast %broadcast_in_dim3A_93 : i32 to vector<16xi32>
      %parallel_loop3A_95 = arith.constant 0 : i32
      %parallel_loop3A_96 = arith.constant 2048 : i32
      %parallel_loop3A_97 = arith.constant 16 : i32
      scf.for %parallel_loop3A_134 = %parallel_loop3A_95 to %parallel_loop3A_96 step %parallel_loop3A_97  : i32 {
        %parallel_loop3A_135 = arith.constant 3 : i32
        %parallel_loop3A_136 = arith.index_cast %and3A_56 : i32 to index
        %parallel_loop3A_137 = arith.index_cast %parallel_loop3A_135 : i32 to index
        %parallel_loop3A_138 = arith.index_cast %parallel_loop3A_134 : i32 to index
        %parallel_loop3A_139 = tpu.vector_load %arg4[%parallel_loop3A_136, %parallel_loop3A_137, %parallel_loop3A_138] {strides = array<i32>} : memref<2x8x2048xf32, #tpu.memory_space<vmem>>, vector<16xf32>,
        %parallel_loop3A_140 = vector.broadcast %parallel_loop3A_134 : i32 to vector<16xi32>
        %parallel_loop3A_141 = arith.addi %parallel_loop3A_140, %iota3A : vector<16xi32>
        %parallel_loop3A_142 = arith.constant 0 : i32
        %parallel_loop3A_143 = arith.constant 0 : i32
        %parallel_loop3A_144 = tpu.memref_slice %arg5[%and3A_56, %parallel_loop3A_142, %parallel_loop3A_143] : memref<2x2048x8xf32, #tpu.memory_space<vmem>> -> memref<1x2048x8xf32, #tpu.memory_space<vmem>>
        %parallel_loop3A_145 = tpu.memref_squeeze %parallel_loop3A_144 : memref<1x2048x8xf32, #tpu.memory_space<vmem>> -> memref<2048x8xf32, #tpu.memory_space<vmem>>
        tpu.vector_store_idx %parallel_loop3A_145[%parallel_loop3A_141, %broadcast_in_dim3A_94], %parallel_loop3A_139 : memref<2048x8xf32, #tpu.memory_space<vmem>>[vector<16xi32>, vector<16xi32>], vector<16xf32>,
      } {sc.loop_unroll_factor = 8 : i64, sc.parallel_access}
      %broadcast_in_dim3A_98 = arith.constant 4 : i32
      %broadcast_in_dim3A_99 = vector.broadcast %broadcast_in_dim3A_98 : i32 to vector<16xi32>
      %parallel_loop3A_100 = arith.constant 0 : i32
      %parallel_loop3A_101 = arith.constant 2048 : i32
      %parallel_loop3A_102 = arith.constant 16 : i32
      scf.for %parallel_loop3A_134 = %parallel_loop3A_100 to %parallel_loop3A_101 step %parallel_loop3A_102  : i32 {
        %parallel_loop3A_135 = arith.constant 4 : i32
        %parallel_loop3A_136 = arith.index_cast %and3A_56 : i32 to index
        %parallel_loop3A_137 = arith.index_cast %parallel_loop3A_135 : i32 to index
        %parallel_loop3A_138 = arith.index_cast %parallel_loop3A_134 : i32 to index
        %parallel_loop3A_139 = tpu.vector_load %arg4[%parallel_loop3A_136, %parallel_loop3A_137, %parallel_loop3A_138] {strides = array<i32>} : memref<2x8x2048xf32, #tpu.memory_space<vmem>>, vector<16xf32>,
        %parallel_loop3A_140 = vector.broadcast %parallel_loop3A_134 : i32 to vector<16xi32>
        %parallel_loop3A_141 = arith.addi %parallel_loop3A_140, %iota3A : vector<16xi32>
        %parallel_loop3A_142 = arith.constant 0 : i32
        %parallel_loop3A_143 = arith.constant 0 : i32
        %parallel_loop3A_144 = tpu.memref_slice %arg5[%and3A_56, %parallel_loop3A_142, %parallel_loop3A_143] : memref<2x2048x8xf32, #tpu.memory_space<vmem>> -> memref<1x2048x8xf32, #tpu.memory_space<vmem>>
        %parallel_loop3A_145 = tpu.memref_squeeze %parallel_loop3A_144 : memref<1x2048x8xf32, #tpu.memory_space<vmem>> -> memref<2048x8xf32, #tpu.memory_space<vmem>>
        tpu.vector_store_idx %parallel_loop3A_145[%parallel_loop3A_141, %broadcast_in_dim3A_99], %parallel_loop3A_139 : memref<2048x8xf32, #tpu.memory_space<vmem>>[vector<16xi32>, vector<16xi32>], vector<16xf32>,
      } {sc.loop_unroll_factor = 8 : i64, sc.parallel_access}
      %broadcast_in_dim3A_103 = arith.constant 5 : i32
      %broadcast_in_dim3A_104 = vector.broadcast %broadcast_in_dim3A_103 : i32 to vector<16xi32>
      %parallel_loop3A_105 = arith.constant 0 : i32
      %parallel_loop3A_106 = arith.constant 2048 : i32
      %parallel_loop3A_107 = arith.constant 16 : i32
      scf.for %parallel_loop3A_134 = %parallel_loop3A_105 to %parallel_loop3A_106 step %parallel_loop3A_107  : i32 {
        %parallel_loop3A_135 = arith.constant 5 : i32
        %parallel_loop3A_136 = arith.index_cast %and3A_56 : i32 to index
        %parallel_loop3A_137 = arith.index_cast %parallel_loop3A_135 : i32 to index
        %parallel_loop3A_138 = arith.index_cast %parallel_loop3A_134 : i32 to index
        %parallel_loop3A_139 = tpu.vector_load %arg4[%parallel_loop3A_136, %parallel_loop3A_137, %parallel_loop3A_138] {strides = array<i32>} : memref<2x8x2048xf32, #tpu.memory_space<vmem>>, vector<16xf32>,
        %parallel_loop3A_140 = vector.broadcast %parallel_loop3A_134 : i32 to vector<16xi32>
        %parallel_loop3A_141 = arith.addi %parallel_loop3A_140, %iota3A : vector<16xi32>
        %parallel_loop3A_142 = arith.constant 0 : i32
        %parallel_loop3A_143 = arith.constant 0 : i32
        %parallel_loop3A_144 = tpu.memref_slice %arg5[%and3A_56, %parallel_loop3A_142, %parallel_loop3A_143] : memref<2x2048x8xf32, #tpu.memory_space<vmem>> -> memref<1x2048x8xf32, #tpu.memory_space<vmem>>
        %parallel_loop3A_145 = tpu.memref_squeeze %parallel_loop3A_144 : memref<1x2048x8xf32, #tpu.memory_space<vmem>> -> memref<2048x8xf32, #tpu.memory_space<vmem>>
        tpu.vector_store_idx %parallel_loop3A_145[%parallel_loop3A_141, %broadcast_in_dim3A_104], %parallel_loop3A_139 : memref<2048x8xf32, #tpu.memory_space<vmem>>[vector<16xi32>, vector<16xi32>], vector<16xf32>,
      } {sc.loop_unroll_factor = 8 : i64, sc.parallel_access}
      %broadcast_in_dim3A_108 = arith.constant 6 : i32
      %broadcast_in_dim3A_109 = vector.broadcast %broadcast_in_dim3A_108 : i32 to vector<16xi32>
      %parallel_loop3A_110 = arith.constant 0 : i32
      %parallel_loop3A_111 = arith.constant 2048 : i32
      %parallel_loop3A_112 = arith.constant 16 : i32
      scf.for %parallel_loop3A_134 = %parallel_loop3A_110 to %parallel_loop3A_111 step %parallel_loop3A_112  : i32 {
        %parallel_loop3A_135 = arith.constant 6 : i32
        %parallel_loop3A_136 = arith.index_cast %and3A_56 : i32 to index
        %parallel_loop3A_137 = arith.index_cast %parallel_loop3A_135 : i32 to index
        %parallel_loop3A_138 = arith.index_cast %parallel_loop3A_134 : i32 to index
        %parallel_loop3A_139 = tpu.vector_load %arg4[%parallel_loop3A_136, %parallel_loop3A_137, %parallel_loop3A_138] {strides = array<i32>} : memref<2x8x2048xf32, #tpu.memory_space<vmem>>, vector<16xf32>,
        %parallel_loop3A_140 = vector.broadcast %parallel_loop3A_134 : i32 to vector<16xi32>
        %parallel_loop3A_141 = arith.addi %parallel_loop3A_140, %iota3A : vector<16xi32>
        %parallel_loop3A_142 = arith.constant 0 : i32
        %parallel_loop3A_143 = arith.constant 0 : i32
        %parallel_loop3A_144 = tpu.memref_slice %arg5[%and3A_56, %parallel_loop3A_142, %parallel_loop3A_143] : memref<2x2048x8xf32, #tpu.memory_space<vmem>> -> memref<1x2048x8xf32, #tpu.memory_space<vmem>>
        %parallel_loop3A_145 = tpu.memref_squeeze %parallel_loop3A_144 : memref<1x2048x8xf32, #tpu.memory_space<vmem>> -> memref<2048x8xf32, #tpu.memory_space<vmem>>
        tpu.vector_store_idx %parallel_loop3A_145[%parallel_loop3A_141, %broadcast_in_dim3A_109], %parallel_loop3A_139 : memref<2048x8xf32, #tpu.memory_space<vmem>>[vector<16xi32>, vector<16xi32>], vector<16xf32>,
      } {sc.loop_unroll_factor = 8 : i64, sc.parallel_access}
      %broadcast_in_dim3A_113 = arith.constant 7 : i32
      %broadcast_in_dim3A_114 = vector.broadcast %broadcast_in_dim3A_113 : i32 to vector<16xi32>
      %parallel_loop3A_115 = arith.constant 0 : i32
      %parallel_loop3A_116 = arith.constant 2048 : i32
      %parallel_loop3A_117 = arith.constant 16 : i32
      scf.for %parallel_loop3A_134 = %parallel_loop3A_115 to %parallel_loop3A_116 step %parallel_loop3A_117  : i32 {
        %parallel_loop3A_135 = arith.constant 7 : i32
        %parallel_loop3A_136 = arith.index_cast %and3A_56 : i32 to index
        %parallel_loop3A_137 = arith.index_cast %parallel_loop3A_135 : i32 to index
        %parallel_loop3A_138 = arith.index_cast %parallel_loop3A_134 : i32 to index
        %parallel_loop3A_139 = tpu.vector_load %arg4[%parallel_loop3A_136, %parallel_loop3A_137, %parallel_loop3A_138] {strides = array<i32>} : memref<2x8x2048xf32, #tpu.memory_space<vmem>>, vector<16xf32>,
        %parallel_loop3A_140 = vector.broadcast %parallel_loop3A_134 : i32 to vector<16xi32>
        %parallel_loop3A_141 = arith.addi %parallel_loop3A_140, %iota3A : vector<16xi32>
        %parallel_loop3A_142 = arith.constant 0 : i32
        %parallel_loop3A_143 = arith.constant 0 : i32
        %parallel_loop3A_144 = tpu.memref_slice %arg5[%and3A_56, %parallel_loop3A_142, %parallel_loop3A_143] : memref<2x2048x8xf32, #tpu.memory_space<vmem>> -> memref<1x2048x8xf32, #tpu.memory_space<vmem>>
        %parallel_loop3A_145 = tpu.memref_squeeze %parallel_loop3A_144 : memref<1x2048x8xf32, #tpu.memory_space<vmem>> -> memref<2048x8xf32, #tpu.memory_space<vmem>>
        tpu.vector_store_idx %parallel_loop3A_145[%parallel_loop3A_141, %broadcast_in_dim3A_114], %parallel_loop3A_139 : memref<2048x8xf32, #tpu.memory_space<vmem>>[vector<16xi32>, vector<16xi32>], vector<16xf32>,
      } {sc.loop_unroll_factor = 8 : i64, sc.parallel_access}
      %mul3A_118 = arith.constant 2048 : i32
      %mul3A_119 = arith.muli %scan3A_54, %mul3A_118 : i32
      %add3A_120 = arith.addi %mul3A_4, %mul3A_119 : i32
      %dma_start3A_121 = arith.constant 0 : i32
      %dma_start3A_122 = arith.constant 0 : i32
      %dma_start3A_123 = tpu.memref_slice %arg5[%and3A_56, %dma_start3A_121, %dma_start3A_122] : memref<2x2048x8xf32, #tpu.memory_space<vmem>> -> memref<1x2048x8xf32, #tpu.memory_space<vmem>>
      %dma_start3A_124 = tpu.memref_squeeze %dma_start3A_123 : memref<1x2048x8xf32, #tpu.memory_space<vmem>> -> memref<2048x8xf32, #tpu.memory_space<vmem>>
      %dma_start3A_125 = arith.constant 0 : i32
      %dma_start3A_126 = tpu.memref_slice %arg3[%add3A_120, %dma_start3A_125] : memref<2097152x8xf32, #tpu.memory_space<hbm>> -> memref<2048x8xf32, #tpu.memory_space<hbm>>
      %dma_start3A_127 = arith.constant 0 : i32
      %dma_start3A_128 = tpu.memref_slice %arg3[%add3A_120, %dma_start3A_127] : memref<2097152x8xf32, #tpu.memory_space<hbm>> -> memref<2048x8xf32, #tpu.memory_space<hbm>>
      %dma_start3A_129 = arith.constant 0 : i32
      %dma_start3A_130 = arith.constant 0 : i32
      %dma_start3A_131 = tpu.memref_slice %arg5[%and3A_56, %dma_start3A_129, %dma_start3A_130] : memref<2x2048x8xf32, #tpu.memory_space<vmem>> -> memref<1x2048x8xf32, #tpu.memory_space<vmem>>
      %dma_start3A_132 = tpu.memref_squeeze %dma_start3A_131 : memref<1x2048x8xf32, #tpu.memory_space<vmem>> -> memref<2048x8xf32, #tpu.memory_space<vmem>>
      tpu.enqueue_dma source(%dma_start3A_132 : memref<2048x8xf32, #tpu.memory_space<vmem>>) target(%dma_start3A_128 : memref<2048x8xf32, #tpu.memory_space<hbm>>) target_semaphore(%arg7 : memref<!tpu.dma_semaphore, #tpu.memory_space<semaphore_mem>>)
      %scan3A_133 = arith.constant 0 : i32
      scf.yield %scan3A_133 : i32
    }
    %scan3A_24 = arith.constant 32 : i32
    %add3A_25 = arith.constant 61440 : i32
    %add3A_26 = arith.addi %mul3A_4, %add3A_25 : i32
    %dma_wait3A = arith.constant 0 : i32
    %dma_wait3A_27 = arith.constant 0 : i32
    %dma_wait3A_28 = arith.constant 0 : i32
    %dma_wait3A_29 = tpu.memref_slice %arg5[%dma_wait3A, %dma_wait3A_27, %dma_wait3A_28] : memref<2x2048x8xf32, #tpu.memory_space<vmem>> -> memref<1x2048x8xf32, #tpu.memory_space<vmem>>
    %dma_wait3A_30 = tpu.memref_squeeze %dma_wait3A_29 : memref<1x2048x8xf32, #tpu.memory_space<vmem>> -> memref<2048x8xf32, #tpu.memory_space<vmem>>
    %dma_wait3A_31 = arith.constant 0 : i32
    %dma_wait3A_32 = tpu.memref_slice %arg3[%add3A_26, %dma_wait3A_31] : memref<2097152x8xf32, #tpu.memory_space<hbm>> -> memref<2048x8xf32, #tpu.memory_space<hbm>>
    %dma_wait3A_33 = arith.constant 0 : i32
    %dma_wait3A_34 = tpu.memref_slice %arg3[%add3A_26, %dma_wait3A_33] : memref<2097152x8xf32, #tpu.memory_space<hbm>> -> memref<2048x8xf32, #tpu.memory_space<hbm>>
    %dma_wait3A_35 = arith.constant 0 : i32
    %dma_wait3A_36 = arith.constant 0 : i32
    %dma_wait3A_37 = tpu.memref_slice %arg5[%dma_wait3A, %dma_wait3A_35, %dma_wait3A_36] : memref<2x2048x8xf32, #tpu.memory_space<vmem>> -> memref<1x2048x8xf32, #tpu.memory_space<vmem>>
    %dma_wait3A_38 = tpu.memref_squeeze %dma_wait3A_37 : memref<1x2048x8xf32, #tpu.memory_space<vmem>> -> memref<2048x8xf32, #tpu.memory_space<vmem>>
    tpu.wait_dma2 semaphore(%arg7 : memref<!tpu.dma_semaphore, #tpu.memory_space<semaphore_mem>>) src(%dma_wait3A_38 : memref<2048x8xf32, #tpu.memory_space<vmem>>) dst(%dma_wait3A_34 : memref<2048x8xf32, #tpu.memory_space<hbm>>)
    %add3A_39 = arith.constant 63488 : i32
    %add3A_40 = arith.addi %mul3A_4, %add3A_39 : i32
    %dma_wait3A_41 = arith.constant 1 : i32
    %dma_wait3A_42 = arith.constant 0 : i32
    %dma_wait3A_43 = arith.constant 0 : i32
    %dma_wait3A_44 = tpu.memref_slice %arg5[%dma_wait3A_41, %dma_wait3A_42, %dma_wait3A_43] : memref<2x2048x8xf32, #tpu.memory_space<vmem>> -> memref<1x2048x8xf32, #tpu.memory_space<vmem>>
    %dma_wait3A_45 = tpu.memref_squeeze %dma_wait3A_44 : memref<1x2048x8xf32, #tpu.memory_space<vmem>> -> memref<2048x8xf32, #tpu.memory_space<vmem>>
    %dma_wait3A_46 = arith.constant 0 : i32
    %dma_wait3A_47 = tpu.memref_slice %arg3[%add3A_40, %dma_wait3A_46] : memref<2097152x8xf32, #tpu.memory_space<hbm>> -> memref<2048x8xf32, #tpu.memory_space<hbm>>
    %dma_wait3A_48 = arith.constant 0 : i32
    %dma_wait3A_49 = tpu.memref_slice %arg3[%add3A_40, %dma_wait3A_48] : memref<2097152x8xf32, #tpu.memory_space<hbm>> -> memref<2048x8xf32, #tpu.memory_space<hbm>>
    %dma_wait3A_50 = arith.constant 0 : i32
    %dma_wait3A_51 = arith.constant 0 : i32
    %dma_wait3A_52 = tpu.memref_slice %arg5[%dma_wait3A_41, %dma_wait3A_50, %dma_wait3A_51] : memref<2x2048x8xf32, #tpu.memory_space<vmem>> -> memref<1x2048x8xf32, #tpu.memory_space<vmem>>
    %dma_wait3A_53 = tpu.memref_squeeze %dma_wait3A_52 : memref<1x2048x8xf32, #tpu.memory_space<vmem>> -> memref<2048x8xf32, #tpu.memory_space<vmem>>
    tpu.wait_dma2 semaphore(%arg7 : memref<!tpu.dma_semaphore, #tpu.memory_space<semaphore_mem>>) src(%dma_wait3A_53 : memref<2048x8xf32, #tpu.memory_space<vmem>>) dst(%dma_wait3A_49 : memref<2048x8xf32, #tpu.memory_space<hbm>>)
    return
  }
}

#map = affine_map<(d0, d1) -> (0, 0)>
#map1 = affine_map<(d0, d1) -> (0, 0, 0)>
#map2 = affine_map<(d0, d1) -> (0, 0, 0, 0)>
module attributes {stable_mosaic.version = 14 : i64} {
  func.func @k(%arg0: i32, %arg1: i32, %arg2: memref<2097152x8xf32, #tpu.memory_space<hbm>>, %arg3: memref<32x256x256xi32, #tpu.memory_space<hbm>>, %arg4: memref<8x32x256x256xf32, #tpu.memory_space<hbm>>, %arg5: memref<3x16x256xi32, #tpu.memory_space<vmem>>, %arg6: memref<2x4096x8xf32, #tpu.memory_space<vmem>>, %arg7: memref<8x16x256xf32, #tpu.memory_space<vmem>>, %arg8: memref<!tpu.dma_semaphore, #tpu.memory_space<semaphore_mem>>, %arg9: memref<!tpu.dma_semaphore, #tpu.memory_space<semaphore_mem>>, %arg10: memref<!tpu.dma_semaphore, #tpu.memory_space<semaphore_mem>>) attributes {dimension_semantics = [#tpu.dimension_semantics<core_parallel>, #tpu.dimension_semantics<subcore_parallel>], iteration_bounds = array<i64: 2, 16>, scalar_prefetch = 0 : i64, scratch_operands = 6 : i64, tpu.core_type = #tpu.core_type<sc_vector_subcore>, window_params = [{transform_indices = #map}, {transform_indices = #map1}, {transform_indices = #map2}]} {
    %mul3A = arith.constant 2 : i32
    %mul3A_0 = arith.muli %arg1, %mul3A : i32
    %add3A = arith.addi %mul3A_0, %arg0 : i32
    %iota3A = tpu.iota {dimensions = array<i32: 0>} : vector<16xi32>
    %dma_start3A = arith.constant 0 : i32
    %dma_start3A_1 = arith.constant 0 : i32
    %dma_start3A_2 = arith.constant 0 : i32
    %dma_start3A_3 = tpu.memref_slice %arg5[%dma_start3A, %dma_start3A_1, %dma_start3A_2] : memref<3x16x256xi32, #tpu.memory_space<vmem>> -> memref<1x16x256xi32, #tpu.memory_space<vmem>>
    %dma_start3A_4 = tpu.memref_squeeze %dma_start3A_3 : memref<1x16x256xi32, #tpu.memory_space<vmem>> -> memref<16x256xi32, #tpu.memory_space<vmem>>
    %dma_start3A_5 = arith.constant 0 : i32
    %dma_start3A_6 = arith.constant 0 : i32
    %dma_start3A_7 = tpu.memref_slice %arg3[%add3A, %dma_start3A_5, %dma_start3A_6] : memref<32x256x256xi32, #tpu.memory_space<hbm>> -> memref<1x16x256xi32, #tpu.memory_space<hbm>>
    %dma_start3A_8 = tpu.memref_squeeze %dma_start3A_7 : memref<1x16x256xi32, #tpu.memory_space<hbm>> -> memref<16x256xi32, #tpu.memory_space<hbm>>
    %dma_start3A_9 = arith.constant 0 : i32
    %dma_start3A_10 = arith.constant 0 : i32
    %dma_start3A_11 = tpu.memref_slice %arg5[%dma_start3A, %dma_start3A_9, %dma_start3A_10] : memref<3x16x256xi32, #tpu.memory_space<vmem>> -> memref<1x16x256xi32, #tpu.memory_space<vmem>>
    %dma_start3A_12 = tpu.memref_squeeze %dma_start3A_11 : memref<1x16x256xi32, #tpu.memory_space<vmem>> -> memref<16x256xi32, #tpu.memory_space<vmem>>
    %dma_start3A_13 = arith.constant 0 : i32
    %dma_start3A_14 = arith.constant 0 : i32
    %dma_start3A_15 = tpu.memref_slice %arg3[%add3A, %dma_start3A_13, %dma_start3A_14] : memref<32x256x256xi32, #tpu.memory_space<hbm>> -> memref<1x16x256xi32, #tpu.memory_space<hbm>>
    %dma_start3A_16 = tpu.memref_squeeze %dma_start3A_15 : memref<1x16x256xi32, #tpu.memory_space<hbm>> -> memref<16x256xi32, #tpu.memory_space<hbm>>
    tpu.enqueue_dma source(%dma_start3A_16 : memref<16x256xi32, #tpu.memory_space<hbm>>) target(%dma_start3A_12 : memref<16x256xi32, #tpu.memory_space<vmem>>) target_semaphore(%arg8 : memref<!tpu.dma_semaphore, #tpu.memory_space<semaphore_mem>>)
    %dma_start3A_17 = arith.constant 1 : i32
    %dma_start3A_18 = arith.constant 0 : i32
    %dma_start3A_19 = arith.constant 0 : i32
    %dma_start3A_20 = tpu.memref_slice %arg5[%dma_start3A_17, %dma_start3A_18, %dma_start3A_19] : memref<3x16x256xi32, #tpu.memory_space<vmem>> -> memref<1x16x256xi32, #tpu.memory_space<vmem>>
    %dma_start3A_21 = tpu.memref_squeeze %dma_start3A_20 : memref<1x16x256xi32, #tpu.memory_space<vmem>> -> memref<16x256xi32, #tpu.memory_space<vmem>>
    %dma_start3A_22 = arith.constant 16 : i32
    %dma_start3A_23 = arith.constant 0 : i32
    %dma_start3A_24 = tpu.memref_slice %arg3[%add3A, %dma_start3A_22, %dma_start3A_23] : memref<32x256x256xi32, #tpu.memory_space<hbm>> -> memref<1x16x256xi32, #tpu.memory_space<hbm>>
    %dma_start3A_25 = tpu.memref_squeeze %dma_start3A_24 : memref<1x16x256xi32, #tpu.memory_space<hbm>> -> memref<16x256xi32, #tpu.memory_space<hbm>>
    %dma_start3A_26 = arith.constant 0 : i32
    %dma_start3A_27 = arith.constant 0 : i32
    %dma_start3A_28 = tpu.memref_slice %arg5[%dma_start3A_17, %dma_start3A_26, %dma_start3A_27] : memref<3x16x256xi32, #tpu.memory_space<vmem>> -> memref<1x16x256xi32, #tpu.memory_space<vmem>>
    %dma_start3A_29 = tpu.memref_squeeze %dma_start3A_28 : memref<1x16x256xi32, #tpu.memory_space<vmem>> -> memref<16x256xi32, #tpu.memory_space<vmem>>
    %dma_start3A_30 = arith.constant 16 : i32
    %dma_start3A_31 = arith.constant 0 : i32
    %dma_start3A_32 = tpu.memref_slice %arg3[%add3A, %dma_start3A_30, %dma_start3A_31] : memref<32x256x256xi32, #tpu.memory_space<hbm>> -> memref<1x16x256xi32, #tpu.memory_space<hbm>>
    %dma_start3A_33 = tpu.memref_squeeze %dma_start3A_32 : memref<1x16x256xi32, #tpu.memory_space<hbm>> -> memref<16x256xi32, #tpu.memory_space<hbm>>
    tpu.enqueue_dma source(%dma_start3A_33 : memref<16x256xi32, #tpu.memory_space<hbm>>) target(%dma_start3A_29 : memref<16x256xi32, #tpu.memory_space<vmem>>) target_semaphore(%arg8 : memref<!tpu.dma_semaphore, #tpu.memory_space<semaphore_mem>>)
    %dma_wait3A = arith.constant 0 : i32
    %dma_wait3A_34 = arith.constant 0 : i32
    %dma_wait3A_35 = arith.constant 0 : i32
    %dma_wait3A_36 = tpu.memref_slice %arg5[%dma_wait3A, %dma_wait3A_34, %dma_wait3A_35] : memref<3x16x256xi32, #tpu.memory_space<vmem>> -> memref<1x16x256xi32, #tpu.memory_space<vmem>>
    %dma_wait3A_37 = tpu.memref_squeeze %dma_wait3A_36 : memref<1x16x256xi32, #tpu.memory_space<vmem>> -> memref<16x256xi32, #tpu.memory_space<vmem>>
    %dma_wait3A_38 = arith.constant 0 : i32
    %dma_wait3A_39 = arith.constant 0 : i32
    %dma_wait3A_40 = tpu.memref_slice %arg3[%add3A, %dma_wait3A_38, %dma_wait3A_39] : memref<32x256x256xi32, #tpu.memory_space<hbm>> -> memref<1x16x256xi32, #tpu.memory_space<hbm>>
    %dma_wait3A_41 = tpu.memref_squeeze %dma_wait3A_40 : memref<1x16x256xi32, #tpu.memory_space<hbm>> -> memref<16x256xi32, #tpu.memory_space<hbm>>
    %dma_wait3A_42 = arith.constant 0 : i32
    %dma_wait3A_43 = arith.constant 0 : i32
    %dma_wait3A_44 = tpu.memref_slice %arg5[%dma_wait3A, %dma_wait3A_42, %dma_wait3A_43] : memref<3x16x256xi32, #tpu.memory_space<vmem>> -> memref<1x16x256xi32, #tpu.memory_space<vmem>>
    %dma_wait3A_45 = tpu.memref_squeeze %dma_wait3A_44 : memref<1x16x256xi32, #tpu.memory_space<vmem>> -> memref<16x256xi32, #tpu.memory_space<vmem>>
    %dma_wait3A_46 = arith.constant 0 : i32
    %dma_wait3A_47 = arith.constant 0 : i32
    %dma_wait3A_48 = tpu.memref_slice %arg3[%add3A, %dma_wait3A_46, %dma_wait3A_47] : memref<32x256x256xi32, #tpu.memory_space<hbm>> -> memref<1x16x256xi32, #tpu.memory_space<hbm>>
    %dma_wait3A_49 = tpu.memref_squeeze %dma_wait3A_48 : memref<1x16x256xi32, #tpu.memory_space<hbm>> -> memref<16x256xi32, #tpu.memory_space<hbm>>
    tpu.wait_dma2 semaphore(%arg8 : memref<!tpu.dma_semaphore, #tpu.memory_space<semaphore_mem>>) src(%dma_wait3A_49 : memref<16x256xi32, #tpu.memory_space<hbm>>) dst(%dma_wait3A_45 : memref<16x256xi32, #tpu.memory_space<vmem>>)
    %scan3A = arith.constant 0 : i32
    %scan3A_50 = arith.constant 0 : i32
    %scan3A_51 = arith.constant 16 : i32
    %scan3A_52 = arith.addi %scan3A_50, %scan3A_51 : i32
    %scan3A_53 = arith.constant 1 : i32
    %scan3A_54 = scf.for %scan3A_63 = %scan3A_50 to %scan3A_52 step %scan3A_53 iter_args(%scan3A_64 = %scan3A) -> (i32)  : i32 {
      %mul3A_65 = arith.constant 256 : i32
      %mul3A_66 = arith.muli %scan3A_63, %mul3A_65 : i32
      %dma_start3A_67 = arith.constant 0 : i32
      %dma_start3A_68 = arith.constant 0 : i32
      %dma_start3A_69 = arith.constant 0 : i32
      %dma_start3A_70 = tpu.memref_slice %arg6[%dma_start3A_68, %mul3A_66, %dma_start3A_69] : memref<2x4096x8xf32, #tpu.memory_space<vmem>> -> memref<1x256x8xf32, #tpu.memory_space<vmem>>
      %dma_start3A_71 = tpu.memref_squeeze %dma_start3A_70 : memref<1x256x8xf32, #tpu.memory_space<vmem>> -> memref<256x8xf32, #tpu.memory_space<vmem>>
      %dma_start3A_72 = arith.constant 0 : i32
      %dma_start3A_73 = tpu.memref_slice %arg5[%dma_start3A_67, %scan3A_63, %dma_start3A_72] : memref<3x16x256xi32, #tpu.memory_space<vmem>> -> memref<1x1x256xi32, #tpu.memory_space<vmem>>
      %dma_start3A_74 = tpu.memref_squeeze %dma_start3A_73 : memref<1x1x256xi32, #tpu.memory_space<vmem>> -> memref<256xi32, #tpu.memory_space<vmem>>
      %dma_start3A_75 = arith.constant 0 : i32
      %dma_start3A_76 = arith.constant 0 : i32
      %dma_start3A_77 = tpu.memref_slice %arg2[%dma_start3A_75, %dma_start3A_76] : memref<2097152x8xf32, #tpu.memory_space<hbm>> -> memref<2097152x8xf32, #tpu.memory_space<hbm>>
      tpu.enqueue_indirect_dma source(%dma_start3A_77 : memref<2097152x8xf32, #tpu.memory_space<hbm>>) target(%dma_start3A_71 : memref<256x8xf32, #tpu.memory_space<vmem>>) offsets(%dma_start3A_74 : memref<256xi32, #tpu.memory_space<vmem>>) semaphore(%arg9 : memref<!tpu.dma_semaphore, #tpu.memory_space<semaphore_mem>>)
      %scan3A_78 = arith.constant 0 : i32
      scf.yield %scan3A_78 : i32
    }
    %scan3A_55 = arith.constant 16 : i32
    %scan3A_56 = arith.constant 0 : i32
    %scan3A_57 = arith.constant 0 : i32
    %scan3A_58 = arith.constant 16 : i32
    %scan3A_59 = arith.addi %scan3A_57, %scan3A_58 : i32
    %scan3A_60 = arith.constant 1 : i32
    %scan3A_61 = scf.for %scan3A_63 = %scan3A_57 to %scan3A_59 step %scan3A_60 iter_args(%scan3A_64 = %scan3A_56) -> (i32)  : i32 {
      %scan3A_65 = arith.constant 0 : i32
      %scan3A_66 = arith.constant 0 : i32
      %scan3A_67 = arith.constant 16 : i32
      %scan3A_68 = arith.addi %scan3A_66, %scan3A_67 : i32
      %scan3A_69 = arith.constant 1 : i32
      %scan3A_70 = scf.for %scan3A_411 = %scan3A_66 to %scan3A_68 step %scan3A_69 iter_args(%scan3A_412 = %scan3A_65) -> (i32)  : i32 {
        %jit3A = arith.constant 3 : i32
        %eq3A = arith.constant 0 : i32
        %eq3A_413 = arith.cmpi eq, %jit3A, %eq3A : i32
        %jit3A_414 = arith.constant 1 : i32
        %select_n3A = arith.select %eq3A_413, %jit3A_414, %jit3A : i32
        %rem3A = arith.remsi %scan3A_63, %select_n3A : i32
        %ne3A = arith.constant 0 : i32
        %ne3A_415 = arith.cmpi ne, %rem3A, %ne3A : i32
        %lt3A_416 = arith.constant 0 : i32
        %lt3A_417 = arith.cmpi slt, %rem3A, %lt3A_416 : i32
        %lt3A_418 = arith.constant 0 : i32
        %lt3A_419 = arith.cmpi slt, %select_n3A, %lt3A_418 : i32
        %ne3A_420 = arith.xori %lt3A_417, %lt3A_419 : i1
        %and3A_421 = arith.andi %ne3A_420, %ne3A_415 : i1
        %add3A_422 = arith.addi %rem3A, %select_n3A : i32
        %select_n3A_423 = arith.select %and3A_421, %add3A_422, %rem3A : i32
        %jit3A_424 = arith.constant 2 : i32
        %eq3A_425 = arith.constant 0 : i32
        %eq3A_426 = arith.cmpi eq, %jit3A_424, %eq3A_425 : i32
        %jit3A_427 = arith.constant 1 : i32
        %select_n3A_428 = arith.select %eq3A_426, %jit3A_427, %jit3A_424 : i32
        %rem3A_429 = arith.remsi %scan3A_63, %select_n3A_428 : i32
        %ne3A_430 = arith.constant 0 : i32
        %ne3A_431 = arith.cmpi ne, %rem3A_429, %ne3A_430 : i32
        %lt3A_432 = arith.constant 0 : i32
        %lt3A_433 = arith.cmpi slt, %rem3A_429, %lt3A_432 : i32
        %lt3A_434 = arith.constant 0 : i32
        %lt3A_435 = arith.cmpi slt, %select_n3A_428, %lt3A_434 : i32
        %ne3A_436 = arith.xori %lt3A_433, %lt3A_435 : i1
        %and3A_437 = arith.andi %ne3A_436, %ne3A_431 : i1
        %add3A_438 = arith.addi %rem3A_429, %select_n3A_428 : i32
        %select_n3A_439 = arith.select %and3A_437, %add3A_438, %rem3A_429 : i32
        %mul3A_440 = arith.constant 256 : i32
        %mul3A_441 = arith.muli %scan3A_411, %mul3A_440 : i32
        %dma_wait3A_442 = arith.constant 0 : i32
        %dma_wait3A_443 = tpu.memref_slice %arg6[%select_n3A_439, %mul3A_441, %dma_wait3A_442] : memref<2x4096x8xf32, #tpu.memory_space<vmem>> -> memref<1x256x8xf32, #tpu.memory_space<vmem>>
        %dma_wait3A_444 = tpu.memref_squeeze %dma_wait3A_443 : memref<1x256x8xf32, #tpu.memory_space<vmem>> -> memref<256x8xf32, #tpu.memory_space<vmem>>
        %dma_wait3A_445 = arith.constant 0 : i32
        %dma_wait3A_446 = tpu.memref_slice %arg5[%select_n3A_423, %scan3A_411, %dma_wait3A_445] : memref<3x16x256xi32, #tpu.memory_space<vmem>> -> memref<1x1x256xi32, #tpu.memory_space<vmem>>
        %dma_wait3A_447 = tpu.memref_squeeze %dma_wait3A_446 : memref<1x1x256xi32, #tpu.memory_space<vmem>> -> memref<256xi32, #tpu.memory_space<vmem>>
        %dma_wait3A_448 = arith.constant 0 : i32
        %dma_wait3A_449 = arith.constant 0 : i32
        %dma_wait3A_450 = tpu.memref_slice %arg2[%dma_wait3A_448, %dma_wait3A_449] : memref<2097152x8xf32, #tpu.memory_space<hbm>> -> memref<2097152x8xf32, #tpu.memory_space<hbm>>
        tpu.wait_indirect_dma semaphore(%arg9 : memref<!tpu.dma_semaphore, #tpu.memory_space<semaphore_mem>>) src(%dma_wait3A_450 : memref<2097152x8xf32, #tpu.memory_space<hbm>>) dst(%dma_wait3A_444 : memref<256x8xf32, #tpu.memory_space<vmem>>)
        %scan3A_451 = arith.constant 0 : i32
        scf.yield %scan3A_451 : i32
      }
      %scan3A_71 = arith.constant 16 : i32
      %add3A_72 = arith.constant 2 : i32
      %add3A_73 = arith.addi %scan3A_63, %add3A_72 : i32
      %lt3A = arith.constant 16 : i32
      %lt3A_74 = arith.cmpi slt, %add3A_73, %lt3A : i32
      %convert_element_type3A = arith.extui %lt3A_74 : i1 to i32
      %cond3A = arith.constant 0 : i32
      %cond3A_75 = arith.cmpi ne, %convert_element_type3A, %cond3A : i32
      scf.if %cond3A_75 {
        %add3A_411 = arith.constant 2 : i32
        %add3A_412 = arith.addi %scan3A_63, %add3A_411 : i32
        %mul3A_413 = arith.constant 16 : i32
        %mul3A_414 = arith.muli %add3A_412, %mul3A_413 : i32
        %jit3A = arith.constant 3 : i32
        %eq3A = arith.constant 0 : i32
        %eq3A_415 = arith.cmpi eq, %jit3A, %eq3A : i32
        %jit3A_416 = arith.constant 1 : i32
        %select_n3A = arith.select %eq3A_415, %jit3A_416, %jit3A : i32
        %rem3A = arith.remsi %add3A_412, %select_n3A : i32
        %ne3A = arith.constant 0 : i32
        %ne3A_417 = arith.cmpi ne, %rem3A, %ne3A : i32
        %lt3A_418 = arith.constant 0 : i32
        %lt3A_419 = arith.cmpi slt, %rem3A, %lt3A_418 : i32
        %lt3A_420 = arith.constant 0 : i32
        %lt3A_421 = arith.cmpi slt, %select_n3A, %lt3A_420 : i32
        %ne3A_422 = arith.xori %lt3A_419, %lt3A_421 : i1
        %and3A_423 = arith.andi %ne3A_422, %ne3A_417 : i1
        %add3A_424 = arith.addi %rem3A, %select_n3A : i32
        %select_n3A_425 = arith.select %and3A_423, %add3A_424, %rem3A : i32
        %dma_start3A_426 = arith.constant 0 : i32
        %dma_start3A_427 = arith.constant 0 : i32
        %dma_start3A_428 = tpu.memref_slice %arg5[%select_n3A_425, %dma_start3A_426, %dma_start3A_427] : memref<3x16x256xi32, #tpu.memory_space<vmem>> -> memref<1x16x256xi32, #tpu.memory_space<vmem>>
        %dma_start3A_429 = tpu.memref_squeeze %dma_start3A_428 : memref<1x16x256xi32, #tpu.memory_space<vmem>> -> memref<16x256xi32, #tpu.memory_space<vmem>>
        %dma_start3A_430 = arith.constant 0 : i32
        %dma_start3A_431 = tpu.memref_slice %arg3[%add3A, %mul3A_414, %dma_start3A_430] : memref<32x256x256xi32, #tpu.memory_space<hbm>> -> memref<1x16x256xi32, #tpu.memory_space<hbm>>
        %dma_start3A_432 = tpu.memref_squeeze %dma_start3A_431 : memref<1x16x256xi32, #tpu.memory_space<hbm>> -> memref<16x256xi32, #tpu.memory_space<hbm>>
        %dma_start3A_433 = arith.constant 0 : i32
        %dma_start3A_434 = arith.constant 0 : i32
        %dma_start3A_435 = tpu.memref_slice %arg5[%select_n3A_425, %dma_start3A_433, %dma_start3A_434] : memref<3x16x256xi32, #tpu.memory_space<vmem>> -> memref<1x16x256xi32, #tpu.memory_space<vmem>>
        %dma_start3A_436 = tpu.memref_squeeze %dma_start3A_435 : memref<1x16x256xi32, #tpu.memory_space<vmem>> -> memref<16x256xi32, #tpu.memory_space<vmem>>
        %dma_start3A_437 = arith.constant 0 : i32
        %dma_start3A_438 = tpu.memref_slice %arg3[%add3A, %mul3A_414, %dma_start3A_437] : memref<32x256x256xi32, #tpu.memory_space<hbm>> -> memref<1x16x256xi32, #tpu.memory_space<hbm>>
        %dma_start3A_439 = tpu.memref_squeeze %dma_start3A_438 : memref<1x16x256xi32, #tpu.memory_space<hbm>> -> memref<16x256xi32, #tpu.memory_space<hbm>>
        tpu.enqueue_dma source(%dma_start3A_439 : memref<16x256xi32, #tpu.memory_space<hbm>>) target(%dma_start3A_436 : memref<16x256xi32, #tpu.memory_space<vmem>>) target_semaphore(%arg8 : memref<!tpu.dma_semaphore, #tpu.memory_space<semaphore_mem>>)
      } else {
      }
      %add3A_76 = arith.constant 1 : i32
      %add3A_77 = arith.addi %scan3A_63, %add3A_76 : i32
      %lt3A_78 = arith.constant 16 : i32
      %lt3A_79 = arith.cmpi slt, %add3A_77, %lt3A_78 : i32
      %convert_element_type3A_80 = arith.extui %lt3A_79 : i1 to i32
      %cond3A_81 = arith.constant 0 : i32
      %cond3A_82 = arith.cmpi ne, %convert_element_type3A_80, %cond3A_81 : i32
      scf.if %cond3A_82 {
        %add3A_411 = arith.constant 1 : i32
        %add3A_412 = arith.addi %scan3A_63, %add3A_411 : i32
        %mul3A_413 = arith.constant 16 : i32
        %mul3A_414 = arith.muli %add3A_412, %mul3A_413 : i32
        %jit3A = arith.constant 3 : i32
        %eq3A = arith.constant 0 : i32
        %eq3A_415 = arith.cmpi eq, %jit3A, %eq3A : i32
        %jit3A_416 = arith.constant 1 : i32
        %select_n3A = arith.select %eq3A_415, %jit3A_416, %jit3A : i32
        %rem3A = arith.remsi %add3A_412, %select_n3A : i32
        %ne3A = arith.constant 0 : i32
        %ne3A_417 = arith.cmpi ne, %rem3A, %ne3A : i32
        %lt3A_418 = arith.constant 0 : i32
        %lt3A_419 = arith.cmpi slt, %rem3A, %lt3A_418 : i32
        %lt3A_420 = arith.constant 0 : i32
        %lt3A_421 = arith.cmpi slt, %select_n3A, %lt3A_420 : i32
        %ne3A_422 = arith.xori %lt3A_419, %lt3A_421 : i1
        %and3A_423 = arith.andi %ne3A_422, %ne3A_417 : i1
        %add3A_424 = arith.addi %rem3A, %select_n3A : i32
        %select_n3A_425 = arith.select %and3A_423, %add3A_424, %rem3A : i32
        %dma_wait3A_426 = arith.constant 0 : i32
        %dma_wait3A_427 = arith.constant 0 : i32
        %dma_wait3A_428 = tpu.memref_slice %arg5[%select_n3A_425, %dma_wait3A_426, %dma_wait3A_427] : memref<3x16x256xi32, #tpu.memory_space<vmem>> -> memref<1x16x256xi32, #tpu.memory_space<vmem>>
        %dma_wait3A_429 = tpu.memref_squeeze %dma_wait3A_428 : memref<1x16x256xi32, #tpu.memory_space<vmem>> -> memref<16x256xi32, #tpu.memory_space<vmem>>
        %dma_wait3A_430 = arith.constant 0 : i32
        %dma_wait3A_431 = tpu.memref_slice %arg3[%add3A, %mul3A_414, %dma_wait3A_430] : memref<32x256x256xi32, #tpu.memory_space<hbm>> -> memref<1x16x256xi32, #tpu.memory_space<hbm>>
        %dma_wait3A_432 = tpu.memref_squeeze %dma_wait3A_431 : memref<1x16x256xi32, #tpu.memory_space<hbm>> -> memref<16x256xi32, #tpu.memory_space<hbm>>
        %dma_wait3A_433 = arith.constant 0 : i32
        %dma_wait3A_434 = arith.constant 0 : i32
        %dma_wait3A_435 = tpu.memref_slice %arg5[%select_n3A_425, %dma_wait3A_433, %dma_wait3A_434] : memref<3x16x256xi32, #tpu.memory_space<vmem>> -> memref<1x16x256xi32, #tpu.memory_space<vmem>>
        %dma_wait3A_436 = tpu.memref_squeeze %dma_wait3A_435 : memref<1x16x256xi32, #tpu.memory_space<vmem>> -> memref<16x256xi32, #tpu.memory_space<vmem>>
        %dma_wait3A_437 = arith.constant 0 : i32
        %dma_wait3A_438 = tpu.memref_slice %arg3[%add3A, %mul3A_414, %dma_wait3A_437] : memref<32x256x256xi32, #tpu.memory_space<hbm>> -> memref<1x16x256xi32, #tpu.memory_space<hbm>>
        %dma_wait3A_439 = tpu.memref_squeeze %dma_wait3A_438 : memref<1x16x256xi32, #tpu.memory_space<hbm>> -> memref<16x256xi32, #tpu.memory_space<hbm>>
        tpu.wait_dma2 semaphore(%arg8 : memref<!tpu.dma_semaphore, #tpu.memory_space<semaphore_mem>>) src(%dma_wait3A_439 : memref<16x256xi32, #tpu.memory_space<hbm>>) dst(%dma_wait3A_436 : memref<16x256xi32, #tpu.memory_space<vmem>>)
        %add3A_440 = arith.constant 1 : i32
        %add3A_441 = arith.addi %scan3A_63, %add3A_440 : i32
        %scan3A_442 = arith.constant 0 : i32
        %scan3A_443 = arith.constant 0 : i32
        %scan3A_444 = arith.constant 16 : i32
        %scan3A_445 = arith.addi %scan3A_443, %scan3A_444 : i32
        %scan3A_446 = arith.constant 1 : i32
        %scan3A_447 = scf.for %scan3A_449 = %scan3A_443 to %scan3A_445 step %scan3A_446 iter_args(%scan3A_450 = %scan3A_442) -> (i32)  : i32 {
          %jit3A_451 = arith.constant 3 : i32
          %eq3A_452 = arith.constant 0 : i32
          %eq3A_453 = arith.cmpi eq, %jit3A_451, %eq3A_452 : i32
          %jit3A_454 = arith.constant 1 : i32
          %select_n3A_455 = arith.select %eq3A_453, %jit3A_454, %jit3A_451 : i32
          %rem3A_456 = arith.remsi %add3A_441, %select_n3A_455 : i32
          %ne3A_457 = arith.constant 0 : i32
          %ne3A_458 = arith.cmpi ne, %rem3A_456, %ne3A_457 : i32
          %lt3A_459 = arith.constant 0 : i32
          %lt3A_460 = arith.cmpi slt, %rem3A_456, %lt3A_459 : i32
          %lt3A_461 = arith.constant 0 : i32
          %lt3A_462 = arith.cmpi slt, %select_n3A_455, %lt3A_461 : i32
          %ne3A_463 = arith.xori %lt3A_460, %lt3A_462 : i1
          %and3A_464 = arith.andi %ne3A_463, %ne3A_458 : i1
          %add3A_465 = arith.addi %rem3A_456, %select_n3A_455 : i32
          %select_n3A_466 = arith.select %and3A_464, %add3A_465, %rem3A_456 : i32
          %jit3A_467 = arith.constant 2 : i32
          %eq3A_468 = arith.constant 0 : i32
          %eq3A_469 = arith.cmpi eq, %jit3A_467, %eq3A_468 : i32
          %jit3A_470 = arith.constant 1 : i32
          %select_n3A_471 = arith.select %eq3A_469, %jit3A_470, %jit3A_467 : i32
          %rem3A_472 = arith.remsi %add3A_441, %select_n3A_471 : i32
          %ne3A_473 = arith.constant 0 : i32
          %ne3A_474 = arith.cmpi ne, %rem3A_472, %ne3A_473 : i32
          %lt3A_475 = arith.constant 0 : i32
          %lt3A_476 = arith.cmpi slt, %rem3A_472, %lt3A_475 : i32
          %lt3A_477 = arith.constant 0 : i32
          %lt3A_478 = arith.cmpi slt, %select_n3A_471, %lt3A_477 : i32
          %ne3A_479 = arith.xori %lt3A_476, %lt3A_478 : i1
          %and3A_480 = arith.andi %ne3A_479, %ne3A_474 : i1
          %add3A_481 = arith.addi %rem3A_472, %select_n3A_471 : i32
          %select_n3A_482 = arith.select %and3A_480, %add3A_481, %rem3A_472 : i32
          %mul3A_483 = arith.constant 256 : i32
          %mul3A_484 = arith.muli %scan3A_449, %mul3A_483 : i32
          %dma_start3A_485 = arith.constant 0 : i32
          %dma_start3A_486 = tpu.memref_slice %arg6[%select_n3A_482, %mul3A_484, %dma_start3A_485] : memref<2x4096x8xf32, #tpu.memory_space<vmem>> -> memref<1x256x8xf32, #tpu.memory_space<vmem>>
          %dma_start3A_487 = tpu.memref_squeeze %dma_start3A_486 : memref<1x256x8xf32, #tpu.memory_space<vmem>> -> memref<256x8xf32, #tpu.memory_space<vmem>>
          %dma_start3A_488 = arith.constant 0 : i32
          %dma_start3A_489 = tpu.memref_slice %arg5[%select_n3A_466, %scan3A_449, %dma_start3A_488] : memref<3x16x256xi32, #tpu.memory_space<vmem>> -> memref<1x1x256xi32, #tpu.memory_space<vmem>>
          %dma_start3A_490 = tpu.memref_squeeze %dma_start3A_489 : memref<1x1x256xi32, #tpu.memory_space<vmem>> -> memref<256xi32, #tpu.memory_space<vmem>>
          %dma_start3A_491 = arith.constant 0 : i32
          %dma_start3A_492 = arith.constant 0 : i32
          %dma_start3A_493 = tpu.memref_slice %arg2[%dma_start3A_491, %dma_start3A_492] : memref<2097152x8xf32, #tpu.memory_space<hbm>> -> memref<2097152x8xf32, #tpu.memory_space<hbm>>
          tpu.enqueue_indirect_dma source(%dma_start3A_493 : memref<2097152x8xf32, #tpu.memory_space<hbm>>) target(%dma_start3A_487 : memref<256x8xf32, #tpu.memory_space<vmem>>) offsets(%dma_start3A_490 : memref<256xi32, #tpu.memory_space<vmem>>) semaphore(%arg9 : memref<!tpu.dma_semaphore, #tpu.memory_space<semaphore_mem>>)
          %scan3A_494 = arith.constant 0 : i32
          scf.yield %scan3A_494 : i32
        }
        %scan3A_448 = arith.constant 16 : i32
      } else {
      }
      %and3A = arith.constant 1 : i32
      %and3A_83 = arith.andi %scan3A_63, %and3A : i32
      %broadcast_in_dim3A = arith.constant 0 : i32
      %broadcast_in_dim3A_84 = vector.broadcast %broadcast_in_dim3A : i32 to vector<16xi32>
      %parallel_loop3A = arith.constant 0 : i32
      %parallel_loop3A_85 = arith.constant 256 : i32
      %parallel_loop3A_86 = arith.constant 1 : i32
      scf.for %parallel_loop3A_411 = %parallel_loop3A to %parallel_loop3A_85 step %parallel_loop3A_86  : i32 {
        %parallel_loop3A_412 = arith.constant 16 : i32
        %parallel_loop3A_413 = arith.muli %parallel_loop3A_411, %parallel_loop3A_412 : i32
        %parallel_loop3A_414 = vector.broadcast %parallel_loop3A_413 : i32 to vector<16xi32>
        %parallel_loop3A_415 = arith.addi %parallel_loop3A_414, %iota3A : vector<16xi32>
        %parallel_loop3A_416 = arith.constant 0 : i32
        %parallel_loop3A_417 = arith.constant 0 : i32
        %parallel_loop3A_418 = tpu.memref_slice %arg6[%and3A_83, %parallel_loop3A_416, %parallel_loop3A_417] : memref<2x4096x8xf32, #tpu.memory_space<vmem>> -> memref<1x4096x8xf32, #tpu.memory_space<vmem>>
        %parallel_loop3A_419 = tpu.memref_squeeze %parallel_loop3A_418 : memref<1x4096x8xf32, #tpu.memory_space<vmem>> -> memref<4096x8xf32, #tpu.memory_space<vmem>>
        %parallel_loop3A_420 = tpu.vector_load_idx %parallel_loop3A_419[%parallel_loop3A_415, %broadcast_in_dim3A_84] : memref<4096x8xf32, #tpu.memory_space<vmem>>[vector<16xi32>, vector<16xi32>], vector<16xf32>,
        %parallel_loop3A_421 = arith.constant 4 : i32
        %parallel_loop3A_422 = arith.shrsi %parallel_loop3A_411, %parallel_loop3A_421 : i32
        %parallel_loop3A_423 = arith.constant 15 : i32
        %parallel_loop3A_424 = arith.andi %parallel_loop3A_411, %parallel_loop3A_423 : i32
        %parallel_loop3A_425 = arith.constant 16 : i32
        %parallel_loop3A_426 = arith.muli %parallel_loop3A_424, %parallel_loop3A_425 : i32
        %parallel_loop3A_427 = arith.constant 0 : i32
        %parallel_loop3A_428 = arith.index_cast %parallel_loop3A_427 : i32 to index
        %parallel_loop3A_429 = arith.index_cast %parallel_loop3A_422 : i32 to index
        %parallel_loop3A_430 = arith.index_cast %parallel_loop3A_426 : i32 to index
        %parallel_loop3A_431 = tpu.vector_load %arg7[%parallel_loop3A_428, %parallel_loop3A_429, %parallel_loop3A_430] {strides = array<i32>} : memref<8x16x256xf32, #tpu.memory_space<vmem>>, vector<16xf32>,
        tpu.vector_store %arg7[%parallel_loop3A_428, %parallel_loop3A_429, %parallel_loop3A_430], %parallel_loop3A_420 {strides = array<i32>} : memref<8x16x256xf32, #tpu.memory_space<vmem>>, vector<16xf32>,
      } {sc.loop_unroll_factor = 8 : i64, sc.parallel_access}
      %mul3A_87 = arith.constant 16 : i32
      %mul3A_88 = arith.muli %scan3A_63, %mul3A_87 : i32
      %dma_start3A_89 = arith.constant 0 : i32
      %dma_start3A_90 = arith.constant 0 : i32
      %dma_start3A_91 = arith.constant 0 : i32
      %dma_start3A_92 = arith.constant 0 : i32
      %dma_start3A_93 = tpu.memref_slice %arg7[%dma_start3A_89, %dma_start3A_91, %dma_start3A_92] : memref<8x16x256xf32, #tpu.memory_space<vmem>> -> memref<1x16x256xf32, #tpu.memory_space<vmem>>
      %dma_start3A_94 = tpu.memref_squeeze %dma_start3A_93 : memref<1x16x256xf32, #tpu.memory_space<vmem>> -> memref<16x256xf32, #tpu.memory_space<vmem>>
      %dma_start3A_95 = arith.constant 0 : i32
      %dma_start3A_96 = tpu.memref_slice %arg4[%dma_start3A_90, %add3A, %mul3A_88, %dma_start3A_95] : memref<8x32x256x256xf32, #tpu.memory_space<hbm>> -> memref<1x1x16x256xf32, #tpu.memory_space<hbm>>
      %dma_start3A_97 = tpu.memref_squeeze %dma_start3A_96 : memref<1x1x16x256xf32, #tpu.memory_space<hbm>> -> memref<16x256xf32, #tpu.memory_space<hbm>>
      %dma_start3A_98 = arith.constant 0 : i32
      %dma_start3A_99 = tpu.memref_slice %arg4[%dma_start3A_90, %add3A, %mul3A_88, %dma_start3A_98] : memref<8x32x256x256xf32, #tpu.memory_space<hbm>> -> memref<1x1x16x256xf32, #tpu.memory_space<hbm>>
      %dma_start3A_100 = tpu.memref_squeeze %dma_start3A_99 : memref<1x1x16x256xf32, #tpu.memory_space<hbm>> -> memref<16x256xf32, #tpu.memory_space<hbm>>
      %dma_start3A_101 = arith.constant 0 : i32
      %dma_start3A_102 = arith.constant 0 : i32
      %dma_start3A_103 = tpu.memref_slice %arg7[%dma_start3A_89, %dma_start3A_101, %dma_start3A_102] : memref<8x16x256xf32, #tpu.memory_space<vmem>> -> memref<1x16x256xf32, #tpu.memory_space<vmem>>
      %dma_start3A_104 = tpu.memref_squeeze %dma_start3A_103 : memref<1x16x256xf32, #tpu.memory_space<vmem>> -> memref<16x256xf32, #tpu.memory_space<vmem>>
      tpu.enqueue_dma source(%dma_start3A_104 : memref<16x256xf32, #tpu.memory_space<vmem>>) target(%dma_start3A_100 : memref<16x256xf32, #tpu.memory_space<hbm>>) target_semaphore(%arg10 : memref<!tpu.dma_semaphore, #tpu.memory_space<semaphore_mem>>)
      %broadcast_in_dim3A_105 = arith.constant 1 : i32
      %broadcast_in_dim3A_106 = vector.broadcast %broadcast_in_dim3A_105 : i32 to vector<16xi32>
      %parallel_loop3A_107 = arith.constant 0 : i32
      %parallel_loop3A_108 = arith.constant 256 : i32
      %parallel_loop3A_109 = arith.constant 1 : i32
      scf.for %parallel_loop3A_411 = %parallel_loop3A_107 to %parallel_loop3A_108 step %parallel_loop3A_109  : i32 {
        %parallel_loop3A_412 = arith.constant 16 : i32
        %parallel_loop3A_413 = arith.muli %parallel_loop3A_411, %parallel_loop3A_412 : i32
        %parallel_loop3A_414 = vector.broadcast %parallel_loop3A_413 : i32 to vector<16xi32>
        %parallel_loop3A_415 = arith.addi %parallel_loop3A_414, %iota3A : vector<16xi32>
        %parallel_loop3A_416 = arith.constant 0 : i32
        %parallel_loop3A_417 = arith.constant 0 : i32
        %parallel_loop3A_418 = tpu.memref_slice %arg6[%and3A_83, %parallel_loop3A_416, %parallel_loop3A_417] : memref<2x4096x8xf32, #tpu.memory_space<vmem>> -> memref<1x4096x8xf32, #tpu.memory_space<vmem>>
        %parallel_loop3A_419 = tpu.memref_squeeze %parallel_loop3A_418 : memref<1x4096x8xf32, #tpu.memory_space<vmem>> -> memref<4096x8xf32, #tpu.memory_space<vmem>>
        %parallel_loop3A_420 = tpu.vector_load_idx %parallel_loop3A_419[%parallel_loop3A_415, %broadcast_in_dim3A_106] : memref<4096x8xf32, #tpu.memory_space<vmem>>[vector<16xi32>, vector<16xi32>], vector<16xf32>,
        %parallel_loop3A_421 = arith.constant 4 : i32
        %parallel_loop3A_422 = arith.shrsi %parallel_loop3A_411, %parallel_loop3A_421 : i32
        %parallel_loop3A_423 = arith.constant 15 : i32
        %parallel_loop3A_424 = arith.andi %parallel_loop3A_411, %parallel_loop3A_423 : i32
        %parallel_loop3A_425 = arith.constant 16 : i32
        %parallel_loop3A_426 = arith.muli %parallel_loop3A_424, %parallel_loop3A_425 : i32
        %parallel_loop3A_427 = arith.constant 1 : i32
        %parallel_loop3A_428 = arith.index_cast %parallel_loop3A_427 : i32 to index
        %parallel_loop3A_429 = arith.index_cast %parallel_loop3A_422 : i32 to index
        %parallel_loop3A_430 = arith.index_cast %parallel_loop3A_426 : i32 to index
        %parallel_loop3A_431 = tpu.vector_load %arg7[%parallel_loop3A_428, %parallel_loop3A_429, %parallel_loop3A_430] {strides = array<i32>} : memref<8x16x256xf32, #tpu.memory_space<vmem>>, vector<16xf32>,
        tpu.vector_store %arg7[%parallel_loop3A_428, %parallel_loop3A_429, %parallel_loop3A_430], %parallel_loop3A_420 {strides = array<i32>} : memref<8x16x256xf32, #tpu.memory_space<vmem>>, vector<16xf32>,
      } {sc.loop_unroll_factor = 8 : i64, sc.parallel_access}
      %mul3A_110 = arith.constant 16 : i32
      %mul3A_111 = arith.muli %scan3A_63, %mul3A_110 : i32
      %dma_start3A_112 = arith.constant 1 : i32
      %dma_start3A_113 = arith.constant 1 : i32
      %dma_start3A_114 = arith.constant 0 : i32
      %dma_start3A_115 = arith.constant 0 : i32
      %dma_start3A_116 = tpu.memref_slice %arg7[%dma_start3A_112, %dma_start3A_114, %dma_start3A_115] : memref<8x16x256xf32, #tpu.memory_space<vmem>> -> memref<1x16x256xf32, #tpu.memory_space<vmem>>
      %dma_start3A_117 = tpu.memref_squeeze %dma_start3A_116 : memref<1x16x256xf32, #tpu.memory_space<vmem>> -> memref<16x256xf32, #tpu.memory_space<vmem>>
      %dma_start3A_118 = arith.constant 0 : i32
      %dma_start3A_119 = tpu.memref_slice %arg4[%dma_start3A_113, %add3A, %mul3A_111, %dma_start3A_118] : memref<8x32x256x256xf32, #tpu.memory_space<hbm>> -> memref<1x1x16x256xf32, #tpu.memory_space<hbm>>
      %dma_start3A_120 = tpu.memref_squeeze %dma_start3A_119 : memref<1x1x16x256xf32, #tpu.memory_space<hbm>> -> memref<16x256xf32, #tpu.memory_space<hbm>>
      %dma_start3A_121 = arith.constant 0 : i32
      %dma_start3A_122 = tpu.memref_slice %arg4[%dma_start3A_113, %add3A, %mul3A_111, %dma_start3A_121] : memref<8x32x256x256xf32, #tpu.memory_space<hbm>> -> memref<1x1x16x256xf32, #tpu.memory_space<hbm>>
      %dma_start3A_123 = tpu.memref_squeeze %dma_start3A_122 : memref<1x1x16x256xf32, #tpu.memory_space<hbm>> -> memref<16x256xf32, #tpu.memory_space<hbm>>
      %dma_start3A_124 = arith.constant 0 : i32
      %dma_start3A_125 = arith.constant 0 : i32
      %dma_start3A_126 = tpu.memref_slice %arg7[%dma_start3A_112, %dma_start3A_124, %dma_start3A_125] : memref<8x16x256xf32, #tpu.memory_space<vmem>> -> memref<1x16x256xf32, #tpu.memory_space<vmem>>
      %dma_start3A_127 = tpu.memref_squeeze %dma_start3A_126 : memref<1x16x256xf32, #tpu.memory_space<vmem>> -> memref<16x256xf32, #tpu.memory_space<vmem>>
      tpu.enqueue_dma source(%dma_start3A_127 : memref<16x256xf32, #tpu.memory_space<vmem>>) target(%dma_start3A_123 : memref<16x256xf32, #tpu.memory_space<hbm>>) target_semaphore(%arg10 : memref<!tpu.dma_semaphore, #tpu.memory_space<semaphore_mem>>)
      %broadcast_in_dim3A_128 = arith.constant 2 : i32
      %broadcast_in_dim3A_129 = vector.broadcast %broadcast_in_dim3A_128 : i32 to vector<16xi32>
      %parallel_loop3A_130 = arith.constant 0 : i32
      %parallel_loop3A_131 = arith.constant 256 : i32
      %parallel_loop3A_132 = arith.constant 1 : i32
      scf.for %parallel_loop3A_411 = %parallel_loop3A_130 to %parallel_loop3A_131 step %parallel_loop3A_132  : i32 {
        %parallel_loop3A_412 = arith.constant 16 : i32
        %parallel_loop3A_413 = arith.muli %parallel_loop3A_411, %parallel_loop3A_412 : i32
        %parallel_loop3A_414 = vector.broadcast %parallel_loop3A_413 : i32 to vector<16xi32>
        %parallel_loop3A_415 = arith.addi %parallel_loop3A_414, %iota3A : vector<16xi32>
        %parallel_loop3A_416 = arith.constant 0 : i32
        %parallel_loop3A_417 = arith.constant 0 : i32
        %parallel_loop3A_418 = tpu.memref_slice %arg6[%and3A_83, %parallel_loop3A_416, %parallel_loop3A_417] : memref<2x4096x8xf32, #tpu.memory_space<vmem>> -> memref<1x4096x8xf32, #tpu.memory_space<vmem>>
        %parallel_loop3A_419 = tpu.memref_squeeze %parallel_loop3A_418 : memref<1x4096x8xf32, #tpu.memory_space<vmem>> -> memref<4096x8xf32, #tpu.memory_space<vmem>>
        %parallel_loop3A_420 = tpu.vector_load_idx %parallel_loop3A_419[%parallel_loop3A_415, %broadcast_in_dim3A_129] : memref<4096x8xf32, #tpu.memory_space<vmem>>[vector<16xi32>, vector<16xi32>], vector<16xf32>,
        %parallel_loop3A_421 = arith.constant 4 : i32
        %parallel_loop3A_422 = arith.shrsi %parallel_loop3A_411, %parallel_loop3A_421 : i32
        %parallel_loop3A_423 = arith.constant 15 : i32
        %parallel_loop3A_424 = arith.andi %parallel_loop3A_411, %parallel_loop3A_423 : i32
        %parallel_loop3A_425 = arith.constant 16 : i32
        %parallel_loop3A_426 = arith.muli %parallel_loop3A_424, %parallel_loop3A_425 : i32
        %parallel_loop3A_427 = arith.constant 2 : i32
        %parallel_loop3A_428 = arith.index_cast %parallel_loop3A_427 : i32 to index
        %parallel_loop3A_429 = arith.index_cast %parallel_loop3A_422 : i32 to index
        %parallel_loop3A_430 = arith.index_cast %parallel_loop3A_426 : i32 to index
        %parallel_loop3A_431 = tpu.vector_load %arg7[%parallel_loop3A_428, %parallel_loop3A_429, %parallel_loop3A_430] {strides = array<i32>} : memref<8x16x256xf32, #tpu.memory_space<vmem>>, vector<16xf32>,
        tpu.vector_store %arg7[%parallel_loop3A_428, %parallel_loop3A_429, %parallel_loop3A_430], %parallel_loop3A_420 {strides = array<i32>} : memref<8x16x256xf32, #tpu.memory_space<vmem>>, vector<16xf32>,
      } {sc.loop_unroll_factor = 8 : i64, sc.parallel_access}
      %mul3A_133 = arith.constant 16 : i32
      %mul3A_134 = arith.muli %scan3A_63, %mul3A_133 : i32
      %dma_start3A_135 = arith.constant 2 : i32
      %dma_start3A_136 = arith.constant 2 : i32
      %dma_start3A_137 = arith.constant 0 : i32
      %dma_start3A_138 = arith.constant 0 : i32
      %dma_start3A_139 = tpu.memref_slice %arg7[%dma_start3A_135, %dma_start3A_137, %dma_start3A_138] : memref<8x16x256xf32, #tpu.memory_space<vmem>> -> memref<1x16x256xf32, #tpu.memory_space<vmem>>
      %dma_start3A_140 = tpu.memref_squeeze %dma_start3A_139 : memref<1x16x256xf32, #tpu.memory_space<vmem>> -> memref<16x256xf32, #tpu.memory_space<vmem>>
      %dma_start3A_141 = arith.constant 0 : i32
      %dma_start3A_142 = tpu.memref_slice %arg4[%dma_start3A_136, %add3A, %mul3A_134, %dma_start3A_141] : memref<8x32x256x256xf32, #tpu.memory_space<hbm>> -> memref<1x1x16x256xf32, #tpu.memory_space<hbm>>
      %dma_start3A_143 = tpu.memref_squeeze %dma_start3A_142 : memref<1x1x16x256xf32, #tpu.memory_space<hbm>> -> memref<16x256xf32, #tpu.memory_space<hbm>>
      %dma_start3A_144 = arith.constant 0 : i32
      %dma_start3A_145 = tpu.memref_slice %arg4[%dma_start3A_136, %add3A, %mul3A_134, %dma_start3A_144] : memref<8x32x256x256xf32, #tpu.memory_space<hbm>> -> memref<1x1x16x256xf32, #tpu.memory_space<hbm>>
      %dma_start3A_146 = tpu.memref_squeeze %dma_start3A_145 : memref<1x1x16x256xf32, #tpu.memory_space<hbm>> -> memref<16x256xf32, #tpu.memory_space<hbm>>
      %dma_start3A_147 = arith.constant 0 : i32
      %dma_start3A_148 = arith.constant 0 : i32
      %dma_start3A_149 = tpu.memref_slice %arg7[%dma_start3A_135, %dma_start3A_147, %dma_start3A_148] : memref<8x16x256xf32, #tpu.memory_space<vmem>> -> memref<1x16x256xf32, #tpu.memory_space<vmem>>
      %dma_start3A_150 = tpu.memref_squeeze %dma_start3A_149 : memref<1x16x256xf32, #tpu.memory_space<vmem>> -> memref<16x256xf32, #tpu.memory_space<vmem>>
      tpu.enqueue_dma source(%dma_start3A_150 : memref<16x256xf32, #tpu.memory_space<vmem>>) target(%dma_start3A_146 : memref<16x256xf32, #tpu.memory_space<hbm>>) target_semaphore(%arg10 : memref<!tpu.dma_semaphore, #tpu.memory_space<semaphore_mem>>)
      %broadcast_in_dim3A_151 = arith.constant 3 : i32
      %broadcast_in_dim3A_152 = vector.broadcast %broadcast_in_dim3A_151 : i32 to vector<16xi32>
      %parallel_loop3A_153 = arith.constant 0 : i32
      %parallel_loop3A_154 = arith.constant 256 : i32
      %parallel_loop3A_155 = arith.constant 1 : i32
      scf.for %parallel_loop3A_411 = %parallel_loop3A_153 to %parallel_loop3A_154 step %parallel_loop3A_155  : i32 {
        %parallel_loop3A_412 = arith.constant 16 : i32
        %parallel_loop3A_413 = arith.muli %parallel_loop3A_411, %parallel_loop3A_412 : i32
        %parallel_loop3A_414 = vector.broadcast %parallel_loop3A_413 : i32 to vector<16xi32>
        %parallel_loop3A_415 = arith.addi %parallel_loop3A_414, %iota3A : vector<16xi32>
        %parallel_loop3A_416 = arith.constant 0 : i32
        %parallel_loop3A_417 = arith.constant 0 : i32
        %parallel_loop3A_418 = tpu.memref_slice %arg6[%and3A_83, %parallel_loop3A_416, %parallel_loop3A_417] : memref<2x4096x8xf32, #tpu.memory_space<vmem>> -> memref<1x4096x8xf32, #tpu.memory_space<vmem>>
        %parallel_loop3A_419 = tpu.memref_squeeze %parallel_loop3A_418 : memref<1x4096x8xf32, #tpu.memory_space<vmem>> -> memref<4096x8xf32, #tpu.memory_space<vmem>>
        %parallel_loop3A_420 = tpu.vector_load_idx %parallel_loop3A_419[%parallel_loop3A_415, %broadcast_in_dim3A_152] : memref<4096x8xf32, #tpu.memory_space<vmem>>[vector<16xi32>, vector<16xi32>], vector<16xf32>,
        %parallel_loop3A_421 = arith.constant 4 : i32
        %parallel_loop3A_422 = arith.shrsi %parallel_loop3A_411, %parallel_loop3A_421 : i32
        %parallel_loop3A_423 = arith.constant 15 : i32
        %parallel_loop3A_424 = arith.andi %parallel_loop3A_411, %parallel_loop3A_423 : i32
        %parallel_loop3A_425 = arith.constant 16 : i32
        %parallel_loop3A_426 = arith.muli %parallel_loop3A_424, %parallel_loop3A_425 : i32
        %parallel_loop3A_427 = arith.constant 3 : i32
        %parallel_loop3A_428 = arith.index_cast %parallel_loop3A_427 : i32 to index
        %parallel_loop3A_429 = arith.index_cast %parallel_loop3A_422 : i32 to index
        %parallel_loop3A_430 = arith.index_cast %parallel_loop3A_426 : i32 to index
        %parallel_loop3A_431 = tpu.vector_load %arg7[%parallel_loop3A_428, %parallel_loop3A_429, %parallel_loop3A_430] {strides = array<i32>} : memref<8x16x256xf32, #tpu.memory_space<vmem>>, vector<16xf32>,
        tpu.vector_store %arg7[%parallel_loop3A_428, %parallel_loop3A_429, %parallel_loop3A_430], %parallel_loop3A_420 {strides = array<i32>} : memref<8x16x256xf32, #tpu.memory_space<vmem>>, vector<16xf32>,
      } {sc.loop_unroll_factor = 8 : i64, sc.parallel_access}
      %mul3A_156 = arith.constant 16 : i32
      %mul3A_157 = arith.muli %scan3A_63, %mul3A_156 : i32
      %dma_start3A_158 = arith.constant 3 : i32
      %dma_start3A_159 = arith.constant 3 : i32
      %dma_start3A_160 = arith.constant 0 : i32
      %dma_start3A_161 = arith.constant 0 : i32
      %dma_start3A_162 = tpu.memref_slice %arg7[%dma_start3A_158, %dma_start3A_160, %dma_start3A_161] : memref<8x16x256xf32, #tpu.memory_space<vmem>> -> memref<1x16x256xf32, #tpu.memory_space<vmem>>
      %dma_start3A_163 = tpu.memref_squeeze %dma_start3A_162 : memref<1x16x256xf32, #tpu.memory_space<vmem>> -> memref<16x256xf32, #tpu.memory_space<vmem>>
      %dma_start3A_164 = arith.constant 0 : i32
      %dma_start3A_165 = tpu.memref_slice %arg4[%dma_start3A_159, %add3A, %mul3A_157, %dma_start3A_164] : memref<8x32x256x256xf32, #tpu.memory_space<hbm>> -> memref<1x1x16x256xf32, #tpu.memory_space<hbm>>
      %dma_start3A_166 = tpu.memref_squeeze %dma_start3A_165 : memref<1x1x16x256xf32, #tpu.memory_space<hbm>> -> memref<16x256xf32, #tpu.memory_space<hbm>>
      %dma_start3A_167 = arith.constant 0 : i32
      %dma_start3A_168 = tpu.memref_slice %arg4[%dma_start3A_159, %add3A, %mul3A_157, %dma_start3A_167] : memref<8x32x256x256xf32, #tpu.memory_space<hbm>> -> memref<1x1x16x256xf32, #tpu.memory_space<hbm>>
      %dma_start3A_169 = tpu.memref_squeeze %dma_start3A_168 : memref<1x1x16x256xf32, #tpu.memory_space<hbm>> -> memref<16x256xf32, #tpu.memory_space<hbm>>
      %dma_start3A_170 = arith.constant 0 : i32
      %dma_start3A_171 = arith.constant 0 : i32
      %dma_start3A_172 = tpu.memref_slice %arg7[%dma_start3A_158, %dma_start3A_170, %dma_start3A_171] : memref<8x16x256xf32, #tpu.memory_space<vmem>> -> memref<1x16x256xf32, #tpu.memory_space<vmem>>
      %dma_start3A_173 = tpu.memref_squeeze %dma_start3A_172 : memref<1x16x256xf32, #tpu.memory_space<vmem>> -> memref<16x256xf32, #tpu.memory_space<vmem>>
      tpu.enqueue_dma source(%dma_start3A_173 : memref<16x256xf32, #tpu.memory_space<vmem>>) target(%dma_start3A_169 : memref<16x256xf32, #tpu.memory_space<hbm>>) target_semaphore(%arg10 : memref<!tpu.dma_semaphore, #tpu.memory_space<semaphore_mem>>)
      %broadcast_in_dim3A_174 = arith.constant 4 : i32
      %broadcast_in_dim3A_175 = vector.broadcast %broadcast_in_dim3A_174 : i32 to vector<16xi32>
      %parallel_loop3A_176 = arith.constant 0 : i32
      %parallel_loop3A_177 = arith.constant 256 : i32
      %parallel_loop3A_178 = arith.constant 1 : i32
      scf.for %parallel_loop3A_411 = %parallel_loop3A_176 to %parallel_loop3A_177 step %parallel_loop3A_178  : i32 {
        %parallel_loop3A_412 = arith.constant 16 : i32
        %parallel_loop3A_413 = arith.muli %parallel_loop3A_411, %parallel_loop3A_412 : i32
        %parallel_loop3A_414 = vector.broadcast %parallel_loop3A_413 : i32 to vector<16xi32>
        %parallel_loop3A_415 = arith.addi %parallel_loop3A_414, %iota3A : vector<16xi32>
        %parallel_loop3A_416 = arith.constant 0 : i32
        %parallel_loop3A_417 = arith.constant 0 : i32
        %parallel_loop3A_418 = tpu.memref_slice %arg6[%and3A_83, %parallel_loop3A_416, %parallel_loop3A_417] : memref<2x4096x8xf32, #tpu.memory_space<vmem>> -> memref<1x4096x8xf32, #tpu.memory_space<vmem>>
        %parallel_loop3A_419 = tpu.memref_squeeze %parallel_loop3A_418 : memref<1x4096x8xf32, #tpu.memory_space<vmem>> -> memref<4096x8xf32, #tpu.memory_space<vmem>>
        %parallel_loop3A_420 = tpu.vector_load_idx %parallel_loop3A_419[%parallel_loop3A_415, %broadcast_in_dim3A_175] : memref<4096x8xf32, #tpu.memory_space<vmem>>[vector<16xi32>, vector<16xi32>], vector<16xf32>,
        %parallel_loop3A_421 = arith.constant 4 : i32
        %parallel_loop3A_422 = arith.shrsi %parallel_loop3A_411, %parallel_loop3A_421 : i32
        %parallel_loop3A_423 = arith.constant 15 : i32
        %parallel_loop3A_424 = arith.andi %parallel_loop3A_411, %parallel_loop3A_423 : i32
        %parallel_loop3A_425 = arith.constant 16 : i32
        %parallel_loop3A_426 = arith.muli %parallel_loop3A_424, %parallel_loop3A_425 : i32
        %parallel_loop3A_427 = arith.constant 4 : i32
        %parallel_loop3A_428 = arith.index_cast %parallel_loop3A_427 : i32 to index
        %parallel_loop3A_429 = arith.index_cast %parallel_loop3A_422 : i32 to index
        %parallel_loop3A_430 = arith.index_cast %parallel_loop3A_426 : i32 to index
        %parallel_loop3A_431 = tpu.vector_load %arg7[%parallel_loop3A_428, %parallel_loop3A_429, %parallel_loop3A_430] {strides = array<i32>} : memref<8x16x256xf32, #tpu.memory_space<vmem>>, vector<16xf32>,
        tpu.vector_store %arg7[%parallel_loop3A_428, %parallel_loop3A_429, %parallel_loop3A_430], %parallel_loop3A_420 {strides = array<i32>} : memref<8x16x256xf32, #tpu.memory_space<vmem>>, vector<16xf32>,
      } {sc.loop_unroll_factor = 8 : i64, sc.parallel_access}
      %mul3A_179 = arith.constant 16 : i32
      %mul3A_180 = arith.muli %scan3A_63, %mul3A_179 : i32
      %dma_start3A_181 = arith.constant 4 : i32
      %dma_start3A_182 = arith.constant 4 : i32
      %dma_start3A_183 = arith.constant 0 : i32
      %dma_start3A_184 = arith.constant 0 : i32
      %dma_start3A_185 = tpu.memref_slice %arg7[%dma_start3A_181, %dma_start3A_183, %dma_start3A_184] : memref<8x16x256xf32, #tpu.memory_space<vmem>> -> memref<1x16x256xf32, #tpu.memory_space<vmem>>
      %dma_start3A_186 = tpu.memref_squeeze %dma_start3A_185 : memref<1x16x256xf32, #tpu.memory_space<vmem>> -> memref<16x256xf32, #tpu.memory_space<vmem>>
      %dma_start3A_187 = arith.constant 0 : i32
      %dma_start3A_188 = tpu.memref_slice %arg4[%dma_start3A_182, %add3A, %mul3A_180, %dma_start3A_187] : memref<8x32x256x256xf32, #tpu.memory_space<hbm>> -> memref<1x1x16x256xf32, #tpu.memory_space<hbm>>
      %dma_start3A_189 = tpu.memref_squeeze %dma_start3A_188 : memref<1x1x16x256xf32, #tpu.memory_space<hbm>> -> memref<16x256xf32, #tpu.memory_space<hbm>>
      %dma_start3A_190 = arith.constant 0 : i32
      %dma_start3A_191 = tpu.memref_slice %arg4[%dma_start3A_182, %add3A, %mul3A_180, %dma_start3A_190] : memref<8x32x256x256xf32, #tpu.memory_space<hbm>> -> memref<1x1x16x256xf32, #tpu.memory_space<hbm>>
      %dma_start3A_192 = tpu.memref_squeeze %dma_start3A_191 : memref<1x1x16x256xf32, #tpu.memory_space<hbm>> -> memref<16x256xf32, #tpu.memory_space<hbm>>
      %dma_start3A_193 = arith.constant 0 : i32
      %dma_start3A_194 = arith.constant 0 : i32
      %dma_start3A_195 = tpu.memref_slice %arg7[%dma_start3A_181, %dma_start3A_193, %dma_start3A_194] : memref<8x16x256xf32, #tpu.memory_space<vmem>> -> memref<1x16x256xf32, #tpu.memory_space<vmem>>
      %dma_start3A_196 = tpu.memref_squeeze %dma_start3A_195 : memref<1x16x256xf32, #tpu.memory_space<vmem>> -> memref<16x256xf32, #tpu.memory_space<vmem>>
      tpu.enqueue_dma source(%dma_start3A_196 : memref<16x256xf32, #tpu.memory_space<vmem>>) target(%dma_start3A_192 : memref<16x256xf32, #tpu.memory_space<hbm>>) target_semaphore(%arg10 : memref<!tpu.dma_semaphore, #tpu.memory_space<semaphore_mem>>)
      %broadcast_in_dim3A_197 = arith.constant 5 : i32
      %broadcast_in_dim3A_198 = vector.broadcast %broadcast_in_dim3A_197 : i32 to vector<16xi32>
      %parallel_loop3A_199 = arith.constant 0 : i32
      %parallel_loop3A_200 = arith.constant 256 : i32
      %parallel_loop3A_201 = arith.constant 1 : i32
      scf.for %parallel_loop3A_411 = %parallel_loop3A_199 to %parallel_loop3A_200 step %parallel_loop3A_201  : i32 {
        %parallel_loop3A_412 = arith.constant 16 : i32
        %parallel_loop3A_413 = arith.muli %parallel_loop3A_411, %parallel_loop3A_412 : i32
        %parallel_loop3A_414 = vector.broadcast %parallel_loop3A_413 : i32 to vector<16xi32>
        %parallel_loop3A_415 = arith.addi %parallel_loop3A_414, %iota3A : vector<16xi32>
        %parallel_loop3A_416 = arith.constant 0 : i32
        %parallel_loop3A_417 = arith.constant 0 : i32
        %parallel_loop3A_418 = tpu.memref_slice %arg6[%and3A_83, %parallel_loop3A_416, %parallel_loop3A_417] : memref<2x4096x8xf32, #tpu.memory_space<vmem>> -> memref<1x4096x8xf32, #tpu.memory_space<vmem>>
        %parallel_loop3A_419 = tpu.memref_squeeze %parallel_loop3A_418 : memref<1x4096x8xf32, #tpu.memory_space<vmem>> -> memref<4096x8xf32, #tpu.memory_space<vmem>>
        %parallel_loop3A_420 = tpu.vector_load_idx %parallel_loop3A_419[%parallel_loop3A_415, %broadcast_in_dim3A_198] : memref<4096x8xf32, #tpu.memory_space<vmem>>[vector<16xi32>, vector<16xi32>], vector<16xf32>,
        %parallel_loop3A_421 = arith.constant 4 : i32
        %parallel_loop3A_422 = arith.shrsi %parallel_loop3A_411, %parallel_loop3A_421 : i32
        %parallel_loop3A_423 = arith.constant 15 : i32
        %parallel_loop3A_424 = arith.andi %parallel_loop3A_411, %parallel_loop3A_423 : i32
        %parallel_loop3A_425 = arith.constant 16 : i32
        %parallel_loop3A_426 = arith.muli %parallel_loop3A_424, %parallel_loop3A_425 : i32
        %parallel_loop3A_427 = arith.constant 5 : i32
        %parallel_loop3A_428 = arith.index_cast %parallel_loop3A_427 : i32 to index
        %parallel_loop3A_429 = arith.index_cast %parallel_loop3A_422 : i32 to index
        %parallel_loop3A_430 = arith.index_cast %parallel_loop3A_426 : i32 to index
        %parallel_loop3A_431 = tpu.vector_load %arg7[%parallel_loop3A_428, %parallel_loop3A_429, %parallel_loop3A_430] {strides = array<i32>} : memref<8x16x256xf32, #tpu.memory_space<vmem>>, vector<16xf32>,
        tpu.vector_store %arg7[%parallel_loop3A_428, %parallel_loop3A_429, %parallel_loop3A_430], %parallel_loop3A_420 {strides = array<i32>} : memref<8x16x256xf32, #tpu.memory_space<vmem>>, vector<16xf32>,
      } {sc.loop_unroll_factor = 8 : i64, sc.parallel_access}
      %mul3A_202 = arith.constant 16 : i32
      %mul3A_203 = arith.muli %scan3A_63, %mul3A_202 : i32
      %dma_start3A_204 = arith.constant 5 : i32
      %dma_start3A_205 = arith.constant 5 : i32
      %dma_start3A_206 = arith.constant 0 : i32
      %dma_start3A_207 = arith.constant 0 : i32
      %dma_start3A_208 = tpu.memref_slice %arg7[%dma_start3A_204, %dma_start3A_206, %dma_start3A_207] : memref<8x16x256xf32, #tpu.memory_space<vmem>> -> memref<1x16x256xf32, #tpu.memory_space<vmem>>
      %dma_start3A_209 = tpu.memref_squeeze %dma_start3A_208 : memref<1x16x256xf32, #tpu.memory_space<vmem>> -> memref<16x256xf32, #tpu.memory_space<vmem>>
      %dma_start3A_210 = arith.constant 0 : i32
      %dma_start3A_211 = tpu.memref_slice %arg4[%dma_start3A_205, %add3A, %mul3A_203, %dma_start3A_210] : memref<8x32x256x256xf32, #tpu.memory_space<hbm>> -> memref<1x1x16x256xf32, #tpu.memory_space<hbm>>
      %dma_start3A_212 = tpu.memref_squeeze %dma_start3A_211 : memref<1x1x16x256xf32, #tpu.memory_space<hbm>> -> memref<16x256xf32, #tpu.memory_space<hbm>>
      %dma_start3A_213 = arith.constant 0 : i32
      %dma_start3A_214 = tpu.memref_slice %arg4[%dma_start3A_205, %add3A, %mul3A_203, %dma_start3A_213] : memref<8x32x256x256xf32, #tpu.memory_space<hbm>> -> memref<1x1x16x256xf32, #tpu.memory_space<hbm>>
      %dma_start3A_215 = tpu.memref_squeeze %dma_start3A_214 : memref<1x1x16x256xf32, #tpu.memory_space<hbm>> -> memref<16x256xf32, #tpu.memory_space<hbm>>
      %dma_start3A_216 = arith.constant 0 : i32
      %dma_start3A_217 = arith.constant 0 : i32
      %dma_start3A_218 = tpu.memref_slice %arg7[%dma_start3A_204, %dma_start3A_216, %dma_start3A_217] : memref<8x16x256xf32, #tpu.memory_space<vmem>> -> memref<1x16x256xf32, #tpu.memory_space<vmem>>
      %dma_start3A_219 = tpu.memref_squeeze %dma_start3A_218 : memref<1x16x256xf32, #tpu.memory_space<vmem>> -> memref<16x256xf32, #tpu.memory_space<vmem>>
      tpu.enqueue_dma source(%dma_start3A_219 : memref<16x256xf32, #tpu.memory_space<vmem>>) target(%dma_start3A_215 : memref<16x256xf32, #tpu.memory_space<hbm>>) target_semaphore(%arg10 : memref<!tpu.dma_semaphore, #tpu.memory_space<semaphore_mem>>)
      %broadcast_in_dim3A_220 = arith.constant 6 : i32
      %broadcast_in_dim3A_221 = vector.broadcast %broadcast_in_dim3A_220 : i32 to vector<16xi32>
      %parallel_loop3A_222 = arith.constant 0 : i32
      %parallel_loop3A_223 = arith.constant 256 : i32
      %parallel_loop3A_224 = arith.constant 1 : i32
      scf.for %parallel_loop3A_411 = %parallel_loop3A_222 to %parallel_loop3A_223 step %parallel_loop3A_224  : i32 {
        %parallel_loop3A_412 = arith.constant 16 : i32
        %parallel_loop3A_413 = arith.muli %parallel_loop3A_411, %parallel_loop3A_412 : i32
        %parallel_loop3A_414 = vector.broadcast %parallel_loop3A_413 : i32 to vector<16xi32>
        %parallel_loop3A_415 = arith.addi %parallel_loop3A_414, %iota3A : vector<16xi32>
        %parallel_loop3A_416 = arith.constant 0 : i32
        %parallel_loop3A_417 = arith.constant 0 : i32
        %parallel_loop3A_418 = tpu.memref_slice %arg6[%and3A_83, %parallel_loop3A_416, %parallel_loop3A_417] : memref<2x4096x8xf32, #tpu.memory_space<vmem>> -> memref<1x4096x8xf32, #tpu.memory_space<vmem>>
        %parallel_loop3A_419 = tpu.memref_squeeze %parallel_loop3A_418 : memref<1x4096x8xf32, #tpu.memory_space<vmem>> -> memref<4096x8xf32, #tpu.memory_space<vmem>>
        %parallel_loop3A_420 = tpu.vector_load_idx %parallel_loop3A_419[%parallel_loop3A_415, %broadcast_in_dim3A_221] : memref<4096x8xf32, #tpu.memory_space<vmem>>[vector<16xi32>, vector<16xi32>], vector<16xf32>,
        %parallel_loop3A_421 = arith.constant 4 : i32
        %parallel_loop3A_422 = arith.shrsi %parallel_loop3A_411, %parallel_loop3A_421 : i32
        %parallel_loop3A_423 = arith.constant 15 : i32
        %parallel_loop3A_424 = arith.andi %parallel_loop3A_411, %parallel_loop3A_423 : i32
        %parallel_loop3A_425 = arith.constant 16 : i32
        %parallel_loop3A_426 = arith.muli %parallel_loop3A_424, %parallel_loop3A_425 : i32
        %parallel_loop3A_427 = arith.constant 6 : i32
        %parallel_loop3A_428 = arith.index_cast %parallel_loop3A_427 : i32 to index
        %parallel_loop3A_429 = arith.index_cast %parallel_loop3A_422 : i32 to index
        %parallel_loop3A_430 = arith.index_cast %parallel_loop3A_426 : i32 to index
        %parallel_loop3A_431 = tpu.vector_load %arg7[%parallel_loop3A_428, %parallel_loop3A_429, %parallel_loop3A_430] {strides = array<i32>} : memref<8x16x256xf32, #tpu.memory_space<vmem>>, vector<16xf32>,
        tpu.vector_store %arg7[%parallel_loop3A_428, %parallel_loop3A_429, %parallel_loop3A_430], %parallel_loop3A_420 {strides = array<i32>} : memref<8x16x256xf32, #tpu.memory_space<vmem>>, vector<16xf32>,
      } {sc.loop_unroll_factor = 8 : i64, sc.parallel_access}
      %mul3A_225 = arith.constant 16 : i32
      %mul3A_226 = arith.muli %scan3A_63, %mul3A_225 : i32
      %dma_start3A_227 = arith.constant 6 : i32
      %dma_start3A_228 = arith.constant 6 : i32
      %dma_start3A_229 = arith.constant 0 : i32
      %dma_start3A_230 = arith.constant 0 : i32
      %dma_start3A_231 = tpu.memref_slice %arg7[%dma_start3A_227, %dma_start3A_229, %dma_start3A_230] : memref<8x16x256xf32, #tpu.memory_space<vmem>> -> memref<1x16x256xf32, #tpu.memory_space<vmem>>
      %dma_start3A_232 = tpu.memref_squeeze %dma_start3A_231 : memref<1x16x256xf32, #tpu.memory_space<vmem>> -> memref<16x256xf32, #tpu.memory_space<vmem>>
      %dma_start3A_233 = arith.constant 0 : i32
      %dma_start3A_234 = tpu.memref_slice %arg4[%dma_start3A_228, %add3A, %mul3A_226, %dma_start3A_233] : memref<8x32x256x256xf32, #tpu.memory_space<hbm>> -> memref<1x1x16x256xf32, #tpu.memory_space<hbm>>
      %dma_start3A_235 = tpu.memref_squeeze %dma_start3A_234 : memref<1x1x16x256xf32, #tpu.memory_space<hbm>> -> memref<16x256xf32, #tpu.memory_space<hbm>>
      %dma_start3A_236 = arith.constant 0 : i32
      %dma_start3A_237 = tpu.memref_slice %arg4[%dma_start3A_228, %add3A, %mul3A_226, %dma_start3A_236] : memref<8x32x256x256xf32, #tpu.memory_space<hbm>> -> memref<1x1x16x256xf32, #tpu.memory_space<hbm>>
      %dma_start3A_238 = tpu.memref_squeeze %dma_start3A_237 : memref<1x1x16x256xf32, #tpu.memory_space<hbm>> -> memref<16x256xf32, #tpu.memory_space<hbm>>
      %dma_start3A_239 = arith.constant 0 : i32
      %dma_start3A_240 = arith.constant 0 : i32
      %dma_start3A_241 = tpu.memref_slice %arg7[%dma_start3A_227, %dma_start3A_239, %dma_start3A_240] : memref<8x16x256xf32, #tpu.memory_space<vmem>> -> memref<1x16x256xf32, #tpu.memory_space<vmem>>
      %dma_start3A_242 = tpu.memref_squeeze %dma_start3A_241 : memref<1x16x256xf32, #tpu.memory_space<vmem>> -> memref<16x256xf32, #tpu.memory_space<vmem>>
      tpu.enqueue_dma source(%dma_start3A_242 : memref<16x256xf32, #tpu.memory_space<vmem>>) target(%dma_start3A_238 : memref<16x256xf32, #tpu.memory_space<hbm>>) target_semaphore(%arg10 : memref<!tpu.dma_semaphore, #tpu.memory_space<semaphore_mem>>)
      %broadcast_in_dim3A_243 = arith.constant 7 : i32
      %broadcast_in_dim3A_244 = vector.broadcast %broadcast_in_dim3A_243 : i32 to vector<16xi32>
      %parallel_loop3A_245 = arith.constant 0 : i32
      %parallel_loop3A_246 = arith.constant 256 : i32
      %parallel_loop3A_247 = arith.constant 1 : i32
      scf.for %parallel_loop3A_411 = %parallel_loop3A_245 to %parallel_loop3A_246 step %parallel_loop3A_247  : i32 {
        %parallel_loop3A_412 = arith.constant 16 : i32
        %parallel_loop3A_413 = arith.muli %parallel_loop3A_411, %parallel_loop3A_412 : i32
        %parallel_loop3A_414 = vector.broadcast %parallel_loop3A_413 : i32 to vector<16xi32>
        %parallel_loop3A_415 = arith.addi %parallel_loop3A_414, %iota3A : vector<16xi32>
        %parallel_loop3A_416 = arith.constant 0 : i32
        %parallel_loop3A_417 = arith.constant 0 : i32
        %parallel_loop3A_418 = tpu.memref_slice %arg6[%and3A_83, %parallel_loop3A_416, %parallel_loop3A_417] : memref<2x4096x8xf32, #tpu.memory_space<vmem>> -> memref<1x4096x8xf32, #tpu.memory_space<vmem>>
        %parallel_loop3A_419 = tpu.memref_squeeze %parallel_loop3A_418 : memref<1x4096x8xf32, #tpu.memory_space<vmem>> -> memref<4096x8xf32, #tpu.memory_space<vmem>>
        %parallel_loop3A_420 = tpu.vector_load_idx %parallel_loop3A_419[%parallel_loop3A_415, %broadcast_in_dim3A_244] : memref<4096x8xf32, #tpu.memory_space<vmem>>[vector<16xi32>, vector<16xi32>], vector<16xf32>,
        %parallel_loop3A_421 = arith.constant 4 : i32
        %parallel_loop3A_422 = arith.shrsi %parallel_loop3A_411, %parallel_loop3A_421 : i32
        %parallel_loop3A_423 = arith.constant 15 : i32
        %parallel_loop3A_424 = arith.andi %parallel_loop3A_411, %parallel_loop3A_423 : i32
        %parallel_loop3A_425 = arith.constant 16 : i32
        %parallel_loop3A_426 = arith.muli %parallel_loop3A_424, %parallel_loop3A_425 : i32
        %parallel_loop3A_427 = arith.constant 7 : i32
        %parallel_loop3A_428 = arith.index_cast %parallel_loop3A_427 : i32 to index
        %parallel_loop3A_429 = arith.index_cast %parallel_loop3A_422 : i32 to index
        %parallel_loop3A_430 = arith.index_cast %parallel_loop3A_426 : i32 to index
        %parallel_loop3A_431 = tpu.vector_load %arg7[%parallel_loop3A_428, %parallel_loop3A_429, %parallel_loop3A_430] {strides = array<i32>} : memref<8x16x256xf32, #tpu.memory_space<vmem>>, vector<16xf32>,
        tpu.vector_store %arg7[%parallel_loop3A_428, %parallel_loop3A_429, %parallel_loop3A_430], %parallel_loop3A_420 {strides = array<i32>} : memref<8x16x256xf32, #tpu.memory_space<vmem>>, vector<16xf32>,
      } {sc.loop_unroll_factor = 8 : i64, sc.parallel_access}
      %mul3A_248 = arith.constant 16 : i32
      %mul3A_249 = arith.muli %scan3A_63, %mul3A_248 : i32
      %dma_start3A_250 = arith.constant 7 : i32
      %dma_start3A_251 = arith.constant 7 : i32
      %dma_start3A_252 = arith.constant 0 : i32
      %dma_start3A_253 = arith.constant 0 : i32
      %dma_start3A_254 = tpu.memref_slice %arg7[%dma_start3A_250, %dma_start3A_252, %dma_start3A_253] : memref<8x16x256xf32, #tpu.memory_space<vmem>> -> memref<1x16x256xf32, #tpu.memory_space<vmem>>
      %dma_start3A_255 = tpu.memref_squeeze %dma_start3A_254 : memref<1x16x256xf32, #tpu.memory_space<vmem>> -> memref<16x256xf32, #tpu.memory_space<vmem>>
      %dma_start3A_256 = arith.constant 0 : i32
      %dma_start3A_257 = tpu.memref_slice %arg4[%dma_start3A_251, %add3A, %mul3A_249, %dma_start3A_256] : memref<8x32x256x256xf32, #tpu.memory_space<hbm>> -> memref<1x1x16x256xf32, #tpu.memory_space<hbm>>
      %dma_start3A_258 = tpu.memref_squeeze %dma_start3A_257 : memref<1x1x16x256xf32, #tpu.memory_space<hbm>> -> memref<16x256xf32, #tpu.memory_space<hbm>>
      %dma_start3A_259 = arith.constant 0 : i32
      %dma_start3A_260 = tpu.memref_slice %arg4[%dma_start3A_251, %add3A, %mul3A_249, %dma_start3A_259] : memref<8x32x256x256xf32, #tpu.memory_space<hbm>> -> memref<1x1x16x256xf32, #tpu.memory_space<hbm>>
      %dma_start3A_261 = tpu.memref_squeeze %dma_start3A_260 : memref<1x1x16x256xf32, #tpu.memory_space<hbm>> -> memref<16x256xf32, #tpu.memory_space<hbm>>
      %dma_start3A_262 = arith.constant 0 : i32
      %dma_start3A_263 = arith.constant 0 : i32
      %dma_start3A_264 = tpu.memref_slice %arg7[%dma_start3A_250, %dma_start3A_262, %dma_start3A_263] : memref<8x16x256xf32, #tpu.memory_space<vmem>> -> memref<1x16x256xf32, #tpu.memory_space<vmem>>
      %dma_start3A_265 = tpu.memref_squeeze %dma_start3A_264 : memref<1x16x256xf32, #tpu.memory_space<vmem>> -> memref<16x256xf32, #tpu.memory_space<vmem>>
      tpu.enqueue_dma source(%dma_start3A_265 : memref<16x256xf32, #tpu.memory_space<vmem>>) target(%dma_start3A_261 : memref<16x256xf32, #tpu.memory_space<hbm>>) target_semaphore(%arg10 : memref<!tpu.dma_semaphore, #tpu.memory_space<semaphore_mem>>)
      %mul3A_266 = arith.constant 16 : i32
      %mul3A_267 = arith.muli %scan3A_63, %mul3A_266 : i32
      %dma_wait3A_268 = arith.constant 0 : i32
      %dma_wait3A_269 = arith.constant 0 : i32
      %dma_wait3A_270 = arith.constant 0 : i32
      %dma_wait3A_271 = arith.constant 0 : i32
      %dma_wait3A_272 = tpu.memref_slice %arg7[%dma_wait3A_268, %dma_wait3A_270, %dma_wait3A_271] : memref<8x16x256xf32, #tpu.memory_space<vmem>> -> memref<1x16x256xf32, #tpu.memory_space<vmem>>
      %dma_wait3A_273 = tpu.memref_squeeze %dma_wait3A_272 : memref<1x16x256xf32, #tpu.memory_space<vmem>> -> memref<16x256xf32, #tpu.memory_space<vmem>>
      %dma_wait3A_274 = arith.constant 0 : i32
      %dma_wait3A_275 = tpu.memref_slice %arg4[%dma_wait3A_269, %add3A, %mul3A_267, %dma_wait3A_274] : memref<8x32x256x256xf32, #tpu.memory_space<hbm>> -> memref<1x1x16x256xf32, #tpu.memory_space<hbm>>
      %dma_wait3A_276 = tpu.memref_squeeze %dma_wait3A_275 : memref<1x1x16x256xf32, #tpu.memory_space<hbm>> -> memref<16x256xf32, #tpu.memory_space<hbm>>
      %dma_wait3A_277 = arith.constant 0 : i32
      %dma_wait3A_278 = tpu.memref_slice %arg4[%dma_wait3A_269, %add3A, %mul3A_267, %dma_wait3A_277] : memref<8x32x256x256xf32, #tpu.memory_space<hbm>> -> memref<1x1x16x256xf32, #tpu.memory_space<hbm>>
      %dma_wait3A_279 = tpu.memref_squeeze %dma_wait3A_278 : memref<1x1x16x256xf32, #tpu.memory_space<hbm>> -> memref<16x256xf32, #tpu.memory_space<hbm>>
      %dma_wait3A_280 = arith.constant 0 : i32
      %dma_wait3A_281 = arith.constant 0 : i32
      %dma_wait3A_282 = tpu.memref_slice %arg7[%dma_wait3A_268, %dma_wait3A_280, %dma_wait3A_281] : memref<8x16x256xf32, #tpu.memory_space<vmem>> -> memref<1x16x256xf32, #tpu.memory_space<vmem>>
      %dma_wait3A_283 = tpu.memref_squeeze %dma_wait3A_282 : memref<1x16x256xf32, #tpu.memory_space<vmem>> -> memref<16x256xf32, #tpu.memory_space<vmem>>
      tpu.wait_dma2 semaphore(%arg10 : memref<!tpu.dma_semaphore, #tpu.memory_space<semaphore_mem>>) src(%dma_wait3A_283 : memref<16x256xf32, #tpu.memory_space<vmem>>) dst(%dma_wait3A_279 : memref<16x256xf32, #tpu.memory_space<hbm>>)
      %mul3A_284 = arith.constant 16 : i32
      %mul3A_285 = arith.muli %scan3A_63, %mul3A_284 : i32
      %dma_wait3A_286 = arith.constant 1 : i32
      %dma_wait3A_287 = arith.constant 1 : i32
      %dma_wait3A_288 = arith.constant 0 : i32
      %dma_wait3A_289 = arith.constant 0 : i32
      %dma_wait3A_290 = tpu.memref_slice %arg7[%dma_wait3A_286, %dma_wait3A_288, %dma_wait3A_289] : memref<8x16x256xf32, #tpu.memory_space<vmem>> -> memref<1x16x256xf32, #tpu.memory_space<vmem>>
      %dma_wait3A_291 = tpu.memref_squeeze %dma_wait3A_290 : memref<1x16x256xf32, #tpu.memory_space<vmem>> -> memref<16x256xf32, #tpu.memory_space<vmem>>
      %dma_wait3A_292 = arith.constant 0 : i32
      %dma_wait3A_293 = tpu.memref_slice %arg4[%dma_wait3A_287, %add3A, %mul3A_285, %dma_wait3A_292] : memref<8x32x256x256xf32, #tpu.memory_space<hbm>> -> memref<1x1x16x256xf32, #tpu.memory_space<hbm>>
      %dma_wait3A_294 = tpu.memref_squeeze %dma_wait3A_293 : memref<1x1x16x256xf32, #tpu.memory_space<hbm>> -> memref<16x256xf32, #tpu.memory_space<hbm>>
      %dma_wait3A_295 = arith.constant 0 : i32
      %dma_wait3A_296 = tpu.memref_slice %arg4[%dma_wait3A_287, %add3A, %mul3A_285, %dma_wait3A_295] : memref<8x32x256x256xf32, #tpu.memory_space<hbm>> -> memref<1x1x16x256xf32, #tpu.memory_space<hbm>>
      %dma_wait3A_297 = tpu.memref_squeeze %dma_wait3A_296 : memref<1x1x16x256xf32, #tpu.memory_space<hbm>> -> memref<16x256xf32, #tpu.memory_space<hbm>>
      %dma_wait3A_298 = arith.constant 0 : i32
      %dma_wait3A_299 = arith.constant 0 : i32
      %dma_wait3A_300 = tpu.memref_slice %arg7[%dma_wait3A_286, %dma_wait3A_298, %dma_wait3A_299] : memref<8x16x256xf32, #tpu.memory_space<vmem>> -> memref<1x16x256xf32, #tpu.memory_space<vmem>>
      %dma_wait3A_301 = tpu.memref_squeeze %dma_wait3A_300 : memref<1x16x256xf32, #tpu.memory_space<vmem>> -> memref<16x256xf32, #tpu.memory_space<vmem>>
      tpu.wait_dma2 semaphore(%arg10 : memref<!tpu.dma_semaphore, #tpu.memory_space<semaphore_mem>>) src(%dma_wait3A_301 : memref<16x256xf32, #tpu.memory_space<vmem>>) dst(%dma_wait3A_297 : memref<16x256xf32, #tpu.memory_space<hbm>>)
      %mul3A_302 = arith.constant 16 : i32
      %mul3A_303 = arith.muli %scan3A_63, %mul3A_302 : i32
      %dma_wait3A_304 = arith.constant 2 : i32
      %dma_wait3A_305 = arith.constant 2 : i32
      %dma_wait3A_306 = arith.constant 0 : i32
      %dma_wait3A_307 = arith.constant 0 : i32
      %dma_wait3A_308 = tpu.memref_slice %arg7[%dma_wait3A_304, %dma_wait3A_306, %dma_wait3A_307] : memref<8x16x256xf32, #tpu.memory_space<vmem>> -> memref<1x16x256xf32, #tpu.memory_space<vmem>>
      %dma_wait3A_309 = tpu.memref_squeeze %dma_wait3A_308 : memref<1x16x256xf32, #tpu.memory_space<vmem>> -> memref<16x256xf32, #tpu.memory_space<vmem>>
      %dma_wait3A_310 = arith.constant 0 : i32
      %dma_wait3A_311 = tpu.memref_slice %arg4[%dma_wait3A_305, %add3A, %mul3A_303, %dma_wait3A_310] : memref<8x32x256x256xf32, #tpu.memory_space<hbm>> -> memref<1x1x16x256xf32, #tpu.memory_space<hbm>>
      %dma_wait3A_312 = tpu.memref_squeeze %dma_wait3A_311 : memref<1x1x16x256xf32, #tpu.memory_space<hbm>> -> memref<16x256xf32, #tpu.memory_space<hbm>>
      %dma_wait3A_313 = arith.constant 0 : i32
      %dma_wait3A_314 = tpu.memref_slice %arg4[%dma_wait3A_305, %add3A, %mul3A_303, %dma_wait3A_313] : memref<8x32x256x256xf32, #tpu.memory_space<hbm>> -> memref<1x1x16x256xf32, #tpu.memory_space<hbm>>
      %dma_wait3A_315 = tpu.memref_squeeze %dma_wait3A_314 : memref<1x1x16x256xf32, #tpu.memory_space<hbm>> -> memref<16x256xf32, #tpu.memory_space<hbm>>
      %dma_wait3A_316 = arith.constant 0 : i32
      %dma_wait3A_317 = arith.constant 0 : i32
      %dma_wait3A_318 = tpu.memref_slice %arg7[%dma_wait3A_304, %dma_wait3A_316, %dma_wait3A_317] : memref<8x16x256xf32, #tpu.memory_space<vmem>> -> memref<1x16x256xf32, #tpu.memory_space<vmem>>
      %dma_wait3A_319 = tpu.memref_squeeze %dma_wait3A_318 : memref<1x16x256xf32, #tpu.memory_space<vmem>> -> memref<16x256xf32, #tpu.memory_space<vmem>>
      tpu.wait_dma2 semaphore(%arg10 : memref<!tpu.dma_semaphore, #tpu.memory_space<semaphore_mem>>) src(%dma_wait3A_319 : memref<16x256xf32, #tpu.memory_space<vmem>>) dst(%dma_wait3A_315 : memref<16x256xf32, #tpu.memory_space<hbm>>)
      %mul3A_320 = arith.constant 16 : i32
      %mul3A_321 = arith.muli %scan3A_63, %mul3A_320 : i32
      %dma_wait3A_322 = arith.constant 3 : i32
      %dma_wait3A_323 = arith.constant 3 : i32
      %dma_wait3A_324 = arith.constant 0 : i32
      %dma_wait3A_325 = arith.constant 0 : i32
      %dma_wait3A_326 = tpu.memref_slice %arg7[%dma_wait3A_322, %dma_wait3A_324, %dma_wait3A_325] : memref<8x16x256xf32, #tpu.memory_space<vmem>> -> memref<1x16x256xf32, #tpu.memory_space<vmem>>
      %dma_wait3A_327 = tpu.memref_squeeze %dma_wait3A_326 : memref<1x16x256xf32, #tpu.memory_space<vmem>> -> memref<16x256xf32, #tpu.memory_space<vmem>>
      %dma_wait3A_328 = arith.constant 0 : i32
      %dma_wait3A_329 = tpu.memref_slice %arg4[%dma_wait3A_323, %add3A, %mul3A_321, %dma_wait3A_328] : memref<8x32x256x256xf32, #tpu.memory_space<hbm>> -> memref<1x1x16x256xf32, #tpu.memory_space<hbm>>
      %dma_wait3A_330 = tpu.memref_squeeze %dma_wait3A_329 : memref<1x1x16x256xf32, #tpu.memory_space<hbm>> -> memref<16x256xf32, #tpu.memory_space<hbm>>
      %dma_wait3A_331 = arith.constant 0 : i32
      %dma_wait3A_332 = tpu.memref_slice %arg4[%dma_wait3A_323, %add3A, %mul3A_321, %dma_wait3A_331] : memref<8x32x256x256xf32, #tpu.memory_space<hbm>> -> memref<1x1x16x256xf32, #tpu.memory_space<hbm>>
      %dma_wait3A_333 = tpu.memref_squeeze %dma_wait3A_332 : memref<1x1x16x256xf32, #tpu.memory_space<hbm>> -> memref<16x256xf32, #tpu.memory_space<hbm>>
      %dma_wait3A_334 = arith.constant 0 : i32
      %dma_wait3A_335 = arith.constant 0 : i32
      %dma_wait3A_336 = tpu.memref_slice %arg7[%dma_wait3A_322, %dma_wait3A_334, %dma_wait3A_335] : memref<8x16x256xf32, #tpu.memory_space<vmem>> -> memref<1x16x256xf32, #tpu.memory_space<vmem>>
      %dma_wait3A_337 = tpu.memref_squeeze %dma_wait3A_336 : memref<1x16x256xf32, #tpu.memory_space<vmem>> -> memref<16x256xf32, #tpu.memory_space<vmem>>
      tpu.wait_dma2 semaphore(%arg10 : memref<!tpu.dma_semaphore, #tpu.memory_space<semaphore_mem>>) src(%dma_wait3A_337 : memref<16x256xf32, #tpu.memory_space<vmem>>) dst(%dma_wait3A_333 : memref<16x256xf32, #tpu.memory_space<hbm>>)
      %mul3A_338 = arith.constant 16 : i32
      %mul3A_339 = arith.muli %scan3A_63, %mul3A_338 : i32
      %dma_wait3A_340 = arith.constant 4 : i32
      %dma_wait3A_341 = arith.constant 4 : i32
      %dma_wait3A_342 = arith.constant 0 : i32
      %dma_wait3A_343 = arith.constant 0 : i32
      %dma_wait3A_344 = tpu.memref_slice %arg7[%dma_wait3A_340, %dma_wait3A_342, %dma_wait3A_343] : memref<8x16x256xf32, #tpu.memory_space<vmem>> -> memref<1x16x256xf32, #tpu.memory_space<vmem>>
      %dma_wait3A_345 = tpu.memref_squeeze %dma_wait3A_344 : memref<1x16x256xf32, #tpu.memory_space<vmem>> -> memref<16x256xf32, #tpu.memory_space<vmem>>
      %dma_wait3A_346 = arith.constant 0 : i32
      %dma_wait3A_347 = tpu.memref_slice %arg4[%dma_wait3A_341, %add3A, %mul3A_339, %dma_wait3A_346] : memref<8x32x256x256xf32, #tpu.memory_space<hbm>> -> memref<1x1x16x256xf32, #tpu.memory_space<hbm>>
      %dma_wait3A_348 = tpu.memref_squeeze %dma_wait3A_347 : memref<1x1x16x256xf32, #tpu.memory_space<hbm>> -> memref<16x256xf32, #tpu.memory_space<hbm>>
      %dma_wait3A_349 = arith.constant 0 : i32
      %dma_wait3A_350 = tpu.memref_slice %arg4[%dma_wait3A_341, %add3A, %mul3A_339, %dma_wait3A_349] : memref<8x32x256x256xf32, #tpu.memory_space<hbm>> -> memref<1x1x16x256xf32, #tpu.memory_space<hbm>>
      %dma_wait3A_351 = tpu.memref_squeeze %dma_wait3A_350 : memref<1x1x16x256xf32, #tpu.memory_space<hbm>> -> memref<16x256xf32, #tpu.memory_space<hbm>>
      %dma_wait3A_352 = arith.constant 0 : i32
      %dma_wait3A_353 = arith.constant 0 : i32
      %dma_wait3A_354 = tpu.memref_slice %arg7[%dma_wait3A_340, %dma_wait3A_352, %dma_wait3A_353] : memref<8x16x256xf32, #tpu.memory_space<vmem>> -> memref<1x16x256xf32, #tpu.memory_space<vmem>>
      %dma_wait3A_355 = tpu.memref_squeeze %dma_wait3A_354 : memref<1x16x256xf32, #tpu.memory_space<vmem>> -> memref<16x256xf32, #tpu.memory_space<vmem>>
      tpu.wait_dma2 semaphore(%arg10 : memref<!tpu.dma_semaphore, #tpu.memory_space<semaphore_mem>>) src(%dma_wait3A_355 : memref<16x256xf32, #tpu.memory_space<vmem>>) dst(%dma_wait3A_351 : memref<16x256xf32, #tpu.memory_space<hbm>>)
      %mul3A_356 = arith.constant 16 : i32
      %mul3A_357 = arith.muli %scan3A_63, %mul3A_356 : i32
      %dma_wait3A_358 = arith.constant 5 : i32
      %dma_wait3A_359 = arith.constant 5 : i32
      %dma_wait3A_360 = arith.constant 0 : i32
      %dma_wait3A_361 = arith.constant 0 : i32
      %dma_wait3A_362 = tpu.memref_slice %arg7[%dma_wait3A_358, %dma_wait3A_360, %dma_wait3A_361] : memref<8x16x256xf32, #tpu.memory_space<vmem>> -> memref<1x16x256xf32, #tpu.memory_space<vmem>>
      %dma_wait3A_363 = tpu.memref_squeeze %dma_wait3A_362 : memref<1x16x256xf32, #tpu.memory_space<vmem>> -> memref<16x256xf32, #tpu.memory_space<vmem>>
      %dma_wait3A_364 = arith.constant 0 : i32
      %dma_wait3A_365 = tpu.memref_slice %arg4[%dma_wait3A_359, %add3A, %mul3A_357, %dma_wait3A_364] : memref<8x32x256x256xf32, #tpu.memory_space<hbm>> -> memref<1x1x16x256xf32, #tpu.memory_space<hbm>>
      %dma_wait3A_366 = tpu.memref_squeeze %dma_wait3A_365 : memref<1x1x16x256xf32, #tpu.memory_space<hbm>> -> memref<16x256xf32, #tpu.memory_space<hbm>>
      %dma_wait3A_367 = arith.constant 0 : i32
      %dma_wait3A_368 = tpu.memref_slice %arg4[%dma_wait3A_359, %add3A, %mul3A_357, %dma_wait3A_367] : memref<8x32x256x256xf32, #tpu.memory_space<hbm>> -> memref<1x1x16x256xf32, #tpu.memory_space<hbm>>
      %dma_wait3A_369 = tpu.memref_squeeze %dma_wait3A_368 : memref<1x1x16x256xf32, #tpu.memory_space<hbm>> -> memref<16x256xf32, #tpu.memory_space<hbm>>
      %dma_wait3A_370 = arith.constant 0 : i32
      %dma_wait3A_371 = arith.constant 0 : i32
      %dma_wait3A_372 = tpu.memref_slice %arg7[%dma_wait3A_358, %dma_wait3A_370, %dma_wait3A_371] : memref<8x16x256xf32, #tpu.memory_space<vmem>> -> memref<1x16x256xf32, #tpu.memory_space<vmem>>
      %dma_wait3A_373 = tpu.memref_squeeze %dma_wait3A_372 : memref<1x16x256xf32, #tpu.memory_space<vmem>> -> memref<16x256xf32, #tpu.memory_space<vmem>>
      tpu.wait_dma2 semaphore(%arg10 : memref<!tpu.dma_semaphore, #tpu.memory_space<semaphore_mem>>) src(%dma_wait3A_373 : memref<16x256xf32, #tpu.memory_space<vmem>>) dst(%dma_wait3A_369 : memref<16x256xf32, #tpu.memory_space<hbm>>)
      %mul3A_374 = arith.constant 16 : i32
      %mul3A_375 = arith.muli %scan3A_63, %mul3A_374 : i32
      %dma_wait3A_376 = arith.constant 6 : i32
      %dma_wait3A_377 = arith.constant 6 : i32
      %dma_wait3A_378 = arith.constant 0 : i32
      %dma_wait3A_379 = arith.constant 0 : i32
      %dma_wait3A_380 = tpu.memref_slice %arg7[%dma_wait3A_376, %dma_wait3A_378, %dma_wait3A_379] : memref<8x16x256xf32, #tpu.memory_space<vmem>> -> memref<1x16x256xf32, #tpu.memory_space<vmem>>
      %dma_wait3A_381 = tpu.memref_squeeze %dma_wait3A_380 : memref<1x16x256xf32, #tpu.memory_space<vmem>> -> memref<16x256xf32, #tpu.memory_space<vmem>>
      %dma_wait3A_382 = arith.constant 0 : i32
      %dma_wait3A_383 = tpu.memref_slice %arg4[%dma_wait3A_377, %add3A, %mul3A_375, %dma_wait3A_382] : memref<8x32x256x256xf32, #tpu.memory_space<hbm>> -> memref<1x1x16x256xf32, #tpu.memory_space<hbm>>
      %dma_wait3A_384 = tpu.memref_squeeze %dma_wait3A_383 : memref<1x1x16x256xf32, #tpu.memory_space<hbm>> -> memref<16x256xf32, #tpu.memory_space<hbm>>
      %dma_wait3A_385 = arith.constant 0 : i32
      %dma_wait3A_386 = tpu.memref_slice %arg4[%dma_wait3A_377, %add3A, %mul3A_375, %dma_wait3A_385] : memref<8x32x256x256xf32, #tpu.memory_space<hbm>> -> memref<1x1x16x256xf32, #tpu.memory_space<hbm>>
      %dma_wait3A_387 = tpu.memref_squeeze %dma_wait3A_386 : memref<1x1x16x256xf32, #tpu.memory_space<hbm>> -> memref<16x256xf32, #tpu.memory_space<hbm>>
      %dma_wait3A_388 = arith.constant 0 : i32
      %dma_wait3A_389 = arith.constant 0 : i32
      %dma_wait3A_390 = tpu.memref_slice %arg7[%dma_wait3A_376, %dma_wait3A_388, %dma_wait3A_389] : memref<8x16x256xf32, #tpu.memory_space<vmem>> -> memref<1x16x256xf32, #tpu.memory_space<vmem>>
      %dma_wait3A_391 = tpu.memref_squeeze %dma_wait3A_390 : memref<1x16x256xf32, #tpu.memory_space<vmem>> -> memref<16x256xf32, #tpu.memory_space<vmem>>
      tpu.wait_dma2 semaphore(%arg10 : memref<!tpu.dma_semaphore, #tpu.memory_space<semaphore_mem>>) src(%dma_wait3A_391 : memref<16x256xf32, #tpu.memory_space<vmem>>) dst(%dma_wait3A_387 : memref<16x256xf32, #tpu.memory_space<hbm>>)
      %mul3A_392 = arith.constant 16 : i32
      %mul3A_393 = arith.muli %scan3A_63, %mul3A_392 : i32
      %dma_wait3A_394 = arith.constant 7 : i32
      %dma_wait3A_395 = arith.constant 7 : i32
      %dma_wait3A_396 = arith.constant 0 : i32
      %dma_wait3A_397 = arith.constant 0 : i32
      %dma_wait3A_398 = tpu.memref_slice %arg7[%dma_wait3A_394, %dma_wait3A_396, %dma_wait3A_397] : memref<8x16x256xf32, #tpu.memory_space<vmem>> -> memref<1x16x256xf32, #tpu.memory_space<vmem>>
      %dma_wait3A_399 = tpu.memref_squeeze %dma_wait3A_398 : memref<1x16x256xf32, #tpu.memory_space<vmem>> -> memref<16x256xf32, #tpu.memory_space<vmem>>
      %dma_wait3A_400 = arith.constant 0 : i32
      %dma_wait3A_401 = tpu.memref_slice %arg4[%dma_wait3A_395, %add3A, %mul3A_393, %dma_wait3A_400] : memref<8x32x256x256xf32, #tpu.memory_space<hbm>> -> memref<1x1x16x256xf32, #tpu.memory_space<hbm>>
      %dma_wait3A_402 = tpu.memref_squeeze %dma_wait3A_401 : memref<1x1x16x256xf32, #tpu.memory_space<hbm>> -> memref<16x256xf32, #tpu.memory_space<hbm>>
      %dma_wait3A_403 = arith.constant 0 : i32
      %dma_wait3A_404 = tpu.memref_slice %arg4[%dma_wait3A_395, %add3A, %mul3A_393, %dma_wait3A_403] : memref<8x32x256x256xf32, #tpu.memory_space<hbm>> -> memref<1x1x16x256xf32, #tpu.memory_space<hbm>>
      %dma_wait3A_405 = tpu.memref_squeeze %dma_wait3A_404 : memref<1x1x16x256xf32, #tpu.memory_space<hbm>> -> memref<16x256xf32, #tpu.memory_space<hbm>>
      %dma_wait3A_406 = arith.constant 0 : i32
      %dma_wait3A_407 = arith.constant 0 : i32
      %dma_wait3A_408 = tpu.memref_slice %arg7[%dma_wait3A_394, %dma_wait3A_406, %dma_wait3A_407] : memref<8x16x256xf32, #tpu.memory_space<vmem>> -> memref<1x16x256xf32, #tpu.memory_space<vmem>>
      %dma_wait3A_409 = tpu.memref_squeeze %dma_wait3A_408 : memref<1x16x256xf32, #tpu.memory_space<vmem>> -> memref<16x256xf32, #tpu.memory_space<vmem>>
      tpu.wait_dma2 semaphore(%arg10 : memref<!tpu.dma_semaphore, #tpu.memory_space<semaphore_mem>>) src(%dma_wait3A_409 : memref<16x256xf32, #tpu.memory_space<vmem>>) dst(%dma_wait3A_405 : memref<16x256xf32, #tpu.memory_space<hbm>>)
      %scan3A_410 = arith.constant 0 : i32
      scf.yield %scan3A_410 : i32
    }
    %scan3A_62 = arith.constant 16 : i32
    return
  }
}

module attributes {stable_mosaic.version = 14 : i64} {
  func.func @body(%arg0: i32, %arg1: memref<1x256x256xi32, #tpu.memory_space<vmem>>, %arg2: memref<1x256x256xi32, #tpu.memory_space<vmem>>, %arg3: memref<1x256x256xi32, #tpu.memory_space<vmem>>, %arg4: memref<1x256x256xi32, #tpu.memory_space<vmem>>) attributes {dimension_semantics = [#tpu.dimension_semantics<arbitrary>], iteration_bounds = array<i64: 32>, scalar_prefetch = 0 : i64, scratch_operands = 0 : i64, tpu.core_type = #tpu.core_type<tc>, window_params = [{transform_indices = @transform_0, window_bounds = array<i64: 1, 256, 256>}, {transform_indices = @transform_1, window_bounds = array<i64: 1, 256, 256>}, {transform_indices = @transform_2, window_bounds = array<i64: 1, 256, 256>}, {transform_indices = @transform_3, window_bounds = array<i64: 1, 256, 256>}]} {
    %get3A = arith.constant 0 : index
    %get3A_0 = arith.constant 0 : index
    %get3A_1 = arith.constant 0 : index
    %get3A_2 = vector.load %arg1[%get3A, %get3A_0, %get3A_1] : memref<1x256x256xi32, #tpu.memory_space<vmem>>, vector<1x256x256xi32>
    %shift_left3A = arith.constant 16 : i32
    %shift_left3A_3 = vector.broadcast %shift_left3A : i32 to vector<1x256x256xi32>
    %shift_left3A_4 = arith.shli %get3A_2, %shift_left3A_3 : vector<1x256x256xi32>
    %get3A_5 = arith.constant 0 : index
    %get3A_6 = arith.constant 0 : index
    %get3A_7 = arith.constant 0 : index
    %get3A_8 = vector.load %arg2[%get3A_5, %get3A_6, %get3A_7] : memref<1x256x256xi32, #tpu.memory_space<vmem>>, vector<1x256x256xi32>
    %shift_left3A_9 = arith.constant 8 : i32
    %shift_left3A_10 = vector.broadcast %shift_left3A_9 : i32 to vector<1x256x256xi32>
    %shift_left3A_11 = arith.shli %get3A_8, %shift_left3A_10 : vector<1x256x256xi32>
    %or3A = arith.ori %shift_left3A_4, %shift_left3A_11 : vector<1x256x256xi32>
    %get3A_12 = arith.constant 0 : index
    %get3A_13 = arith.constant 0 : index
    %get3A_14 = arith.constant 0 : index
    %get3A_15 = vector.load %arg3[%get3A_12, %get3A_13, %get3A_14] : memref<1x256x256xi32, #tpu.memory_space<vmem>>, vector<1x256x256xi32>
    %or3A_16 = arith.ori %or3A, %get3A_15 : vector<1x256x256xi32>
    %swap3A = arith.constant 0 : index
    %swap3A_17 = arith.constant 0 : index
    %swap3A_18 = arith.constant 0 : index
    %swap3A_19 = vector.load %arg4[%swap3A, %swap3A_17, %swap3A_18] : memref<1x256x256xi32, #tpu.memory_space<vmem>>, vector<1x256x256xi32>
    tpu.vector_store %arg4[%swap3A, %swap3A_17, %swap3A_18], %or3A_16 {strides = array<i32>} : memref<1x256x256xi32, #tpu.memory_space<vmem>>, vector<1x256x256xi32>,
    return
  }
  func.func @transform_0(%arg0: i32) -> (i32, i32, i32) {
    %c0_i32 = arith.constant 0 : i32
    %c0_i32_0 = arith.constant 0 : i32
    %c0_i32_1 = arith.constant 0 : i32
    return %arg0, %c0_i32, %c0_i32_0 : i32, i32, i32
  }
  func.func @transform_1(%arg0: i32) -> (i32, i32, i32) {
    %c0_i32 = arith.constant 0 : i32
    %c0_i32_0 = arith.constant 0 : i32
    %c0_i32_1 = arith.constant 0 : i32
    return %arg0, %c0_i32, %c0_i32_0 : i32, i32, i32
  }
  func.func @transform_2(%arg0: i32) -> (i32, i32, i32) {
    %c0_i32 = arith.constant 0 : i32
    %c0_i32_0 = arith.constant 0 : i32
    %c0_i32_1 = arith.constant 0 : i32
    return %arg0, %c0_i32, %c0_i32_0 : i32, i32, i32
  }
  func.func @transform_3(%arg0: i32) -> (i32, i32, i32) {
    %c0_i32 = arith.constant 0 : i32
    %c0_i32_0 = arith.constant 0 : i32
    %c0_i32_1 = arith.constant 0 : i32
    return %arg0, %c0_i32, %c0_i32_0 : i32, i32, i32
  }
}

</mosaic_0001>

<sc_bundles>
// kernel: kernel.5.cloned.1.call-start
scs
__scs_entry_jumppad:
0x0: {  	(pc) =	sbr.rel $0x88, $3  }
0x1: {  	(tag) =	ssettag $0x0;
	lr =	simm.s32 $0x1  }
0x2: {  	[smem:$0x3F9D] =	sst lr;
	_ =	strace $0xD0000000  }
0x3: {  	_ = 	snop  }
0x4: {  	_ = 	snop  }
0x5: {  	_ = 	snop  }
0x6: {  	_ = 	snop  }
0x7: {  	_ = 	snop  }
__scs_overlays_trampoline_lowered:
0x8: {  	[smem:$0x3FAC] =	sst s0  }
0x9: {  	[smem:$0x3FAD] =	sst s1  }
0xa: {  	[smem:$0x3FAE] =	sst s2  }
0xb: {  	[smem:$0x3FAF] =	sst s3  }
0xc: {  	[smem:$0x3FB0] =	sst s4  }
0xd: {  	[smem:$0x3FB1] =	sst s5  }
0xe: {  	[smem:$0x3FB2] =	sst s6  }
0xf: {  	[smem:$0x3FB3] =	sst s7  }
0x10: {  	[smem:$0x3FB4] =	sst s8  }
0x11: {  	[smem:$0x3FB5] =	sst s9;
	s0 =	simm.s32 @!p0 $0x0  }
0x12: {  	s1 =	sld [smem:$0x3F9B];
	s0 =	simm.s32 @p0 $0x1  }
0x13: {  	[smem:$0x3FB6] =	sst s0;
	s0 =	simm.s32 @!p1 $0x0  }
0x14: {  	s2 =	sld [smem:$0x3F9A];
	s0 =	simm.s32 @p1 $0x1  }
0x15: {  	[smem:$0x3FB7] =	sst s0;
	s0 =	simm.s32 @!p2 $0x0  }
0x16: {  	s3 =	sld [smem:$0x3FDB];
	s0 =	simm.s32 @p2 $0x1  }
0x17: {  	s4 =	simm.s32 $0x1BF5;
	[smem:$0x3FB9] =	sst s0  }
0x18: {  	s0 =	sld [smem:$0x3F9C];
	_ =	swait.ge [sflag:s4], $0x0  }
0x19: {  	s7 =	sld [smem:$0x3F9D]  }
0x1a: {  	s8 =	sadd.s32 $0xFFFFE003, lr  }
0x1b: {  	s9 =	sadd.s32 $0xFFFFFEF7, lr;
	s5 =	simm.s32 $0xFFFFFFFF;
	p2 =	slt.u32 s8, $0xFFFFF086  }
0x1c: {  	p1 =	slt.u32 s9, $0xF7A;
	s5 =	simm.s32 @!p2 $0x0  }
0x1d: {  	s5 =	simm.s32 @p1 $0x1;
	p0 =	seq.s32 s7, s2  }
0x1e: {  	s7 =	smul.u32 @!p0 $0xF7A, s2;
	p2 =	seq.s32 @!p0 s5, $0x0  }
0x1f: {  	s9 =	smul.u32 $0xF7A, s1;
	s8 =	simm.s32 @!p0 $0x1BF5;
	p2 =	por !p2, p0  }
0x20: {  	[sflag:s8] =	ssyncset.s32 @!p0 $0xFFFFF086;
	s6 =	sadd.s32 @!p0 s3, s7;
	s7 =	simm.s32 @!p0 $0x108  }
0x21: {  	s3 =	sadd.s32 s3, s9;
	s6 =	sadd.s32 @!p0 $0x88, s6;
	s7 =	simm.s32 @p2 $0x1082  }
0x22: {  	[simem:s7], [sflag:s8] =	dma.local @!p0 [hbm:s6], $0xF7A  }
0x23: {  	s9 =	sor.u32 $0xD0000000, s2;
	s6 =	simm.s32 $0x108;
	_ =	swait.ge @!p0 [sflag:s8], $0x0  }
0x24: {  	s3 =	sadd.s32 $0x88, s3;
	s6 =	simm.s32 @!p1 $0x1082;
	[sflag:s4] =	ssyncset.s32 $0xFFFFF086  }
0x25: {  	[simem:s6], [sflag:s4] =	dma.local [hbm:s3], $0xF7A  }
0x26: {  	[smem:$0x3F9D] =	sst s1;
	(tag) =	ssettag s2;
	_ =	strace s9  }
0x27: {  	s1 =	sld [smem:$0x3FAD]  }
0x28: {  	s2 =	sld [smem:$0x3FAE]  }
0x29: {  	s4 =	sld [smem:$0x3FB0]  }
0x2a: {  	p0 =	seq.s32 s5, $0x0;
	s5 =	sld [smem:$0x3FB1]  }
0x2b: {  	s6 =	sld [smem:$0x3FB2]  }
0x2c: {  	s7 =	sld [smem:$0x3FB3]  }
0x2d: {  	s3 =	simm.s32 $0x108;
	s8 =	sld [smem:$0x3FB4]  }
0x2e: {  	s3 =	simm.s32 @!p0 $0x1082;
	s9 =	sld [smem:$0x3FB5]  }
0x2f: {  	lr =	sadd.s32 s0, s3;
	s0 =	sld [smem:$0x3FAC]  }
0x30: {  	s3 =	sld [smem:$0x3FAF]  }
0x31: {  	[smem:$0x3FB8] =	sst s10  }
0x32: {  	s10 =	sld [smem:$0x3FB6];
	_ =	sdelay $0x3  }
0x33: {  	p0 =	seq.s32 s10, $0x1;
	s10 =	sld [smem:$0x3FB8];
	_ =	sdelay $0x3  }
0x34: {  	[smem:$0x3FB8] =	sst s10  }
0x35: {  	s10 =	sld [smem:$0x3FB7];
	_ =	sdelay $0x3  }
0x36: {  	p1 =	seq.s32 s10, $0x1;
	s10 =	sld [smem:$0x3FB8];
	_ =	sdelay $0x3  }
0x37: {  	[smem:$0x3FB8] =	sst s10  }
0x38: {  	s10 =	sld [smem:$0x3FB9]  }
0x39: {  	_ = 	snop;
	(pc) =	sbr.ind lr, $3  }
0x3a: {  	_ = 	snop  }
0x3b: {  	_ = 	snop  }
0x3c: {  	p2 =	seq.s32 s10, $0x1;
	s10 =	sld [smem:$0x3FB8]  }
0x3d: {  	_ =	shalt  }
0x3e: {  	_ =	shalt  }
0x3f: {  	_ =	shalt  }
0x40: {  	_ =	shalt  }
0x41: {  	_ =	shalt  }
0x42: {  	_ =	shalt  }
0x43: {  	_ =	shalt  }
0x44: {  	_ =	shalt  }
0x45: {  	_ =	shalt  }
0x46: {  	_ =	shalt  }
0x47: {  	_ =	shalt  }
0x48: {  	_ =	shalt  }
0x49: {  	_ =	shalt  }
0x4a: {  	_ =	shalt  }
0x4b: {  	_ =	shalt  }
0x4c: {  	_ =	shalt  }
0x4d: {  	_ =	shalt  }
0x4e: {  	_ =	shalt  }
0x4f: {  	_ =	shalt  }
0x50: {  	_ =	shalt  }
0x51: {  	_ =	shalt  }
0x52: {  	_ =	shalt  }
0x53: {  	_ =	shalt  }
0x54: {  	_ =	shalt  }
0x55: {  	_ =	shalt  }
0x56: {  	_ =	shalt  }
0x57: {  	_ =	shalt  }
0x58: {  	_ =	shalt  }
0x59: {  	_ =	shalt  }
0x5a: {  	_ =	shalt  }
0x5b: {  	_ =	shalt  }
0x5c: {  	_ =	shalt  }
0x5d: {  	_ =	shalt  }
0x5e: {  	_ =	shalt  }
0x5f: {  	_ =	shalt  }
0x60: {  	_ =	shalt  }
0x61: {  	_ =	shalt  }
0x62: {  	_ =	shalt  }
0x63: {  	_ =	shalt  }
0x64: {  	_ =	shalt  }
0x65: {  	_ =	shalt  }
0x66: {  	_ =	shalt  }
0x67: {  	_ =	shalt  }
0x68: {  	_ =	shalt  }
0x69: {  	_ =	shalt  }
0x6a: {  	_ =	shalt  }
0x6b: {  	_ =	shalt  }
0x6c: {  	_ =	shalt  }
0x6d: {  	_ =	shalt  }
0x6e: {  	_ =	shalt  }
0x6f: {  	_ =	shalt  }
0x70: {  	_ =	shalt  }
0x71: {  	_ =	shalt  }
0x72: {  	_ =	shalt  }
0x73: {  	_ =	shalt  }
0x74: {  	_ =	shalt  }
0x75: {  	_ =	shalt  }
0x76: {  	_ =	shalt  }
0x77: {  	_ =	shalt  }
0x78: {  	_ =	shalt  }
0x79: {  	_ =	shalt  }
0x7a: {  	_ =	shalt  }
0x7b: {  	_ =	shalt  }
0x7c: {  	_ =	shalt  }
0x7d: {  	_ =	shalt  }
0x7e: {  	_ =	shalt  }
0x7f: {  	_ =	shalt  }
0x80: {  	_ =	shalt  }
0x81: {  	_ =	shalt  }
0x82: {  	_ =	shalt  }
0x83: {  	_ =	shalt  }
0x84: {  	_ =	shalt  }
0x85: {  	_ =	shalt  }
0x86: {  	_ =	shalt  }
0x87: {  	_ =	shalt  }
.Lfunc_end0:
.L_simem_size_0:
called_computation.1_lowered:
.L_overlay_start_0:
0x88: {  	s2 =	sld [smem:$0x3FD9]  }
0x89: {  	s3 =	sld [smem:$0x3FFE];
	_ =	sdelay $0x1  }
0x8a: {  	s1 =	srdreg.scid  }
0x8b: {  	s0 =	sand.u32 $0x1, s1  }
0x8c: {  	s17 =	sshll.u32 s0, $0xA;
	s2 =	sadd.s32 s3, s2  }
0x8d: {  	s2 =	sadd.s32 s2, s17  }
0x8e: {  	[smem:$0x3FC4] =	sst s2  }
0x8f: {  	_ = 	snop  }
0x90: {  	s2 =	sld [smem:$0x3FD0];
	(tm) =	ssettm $0x1  }
0x91: {  	s18 =	sld [smem:$0x3FFB];
	_ =	sdelay $0x3  }
0x92: {  	_ =	strace s18  }
0x93: {  	s3 =	sld [smem:$0x3FFC];
	_ =	sdelay $0x3  }
0x94: {  	_ =	strace s3  }
0x95: {  	s3 =	sld [smem:$0x3FFD];
	_ =	sdelay $0x3  }
0x96: {  	_ =	strace s3  }
0x97: {  	_ =	strace $0x8FFFFFFF  }
0x98: {  	s19 =	sld [smem:$0x3FDB];
	_ =	sdelay $0x1  }
0x99: {  	s4 =	simm.s32 $_scs_section_size  }
0x9a: {  	s5 =	simm.s32 $_size__tile_overlayer_lowered;
	s6 =	simm.s32 $_tile_overlayer_lowered  }
0x9b: {  	s22 =	simm.s32 $0x1BFF;
	s21 =	sshll.u32 s6, $0x1;
	s3 =	sadd.s32 s4, s19  }
0x9c: {  	s7 =	simm.s32 $0x0;
	s20 =	sshll.u32 s5, $0x1;
	s5 =	sadd.s32 s21, s3  }
0x9d: {  	[timem:s7], [sflag:s22] =	dma.local [hbm:s5], s20  }
0x9e: {  	_ =	swait.ge [sflag:s22], s20  }
0x9f: {  	s4 =	ssub.s32 $0x0, s20;
	[sflag:s22] =	ssyncset.done $0x0  }
0xa0: {  	[sflag:s22] =	ssyncadd.s32 s4;
	_ =	sdelay $0x1  }
0xa1: {  	s23 =	simm.s32 $0x1B8B  }
0xa2: {  	_ =	swait.ge [sflag:s23], $0x1  }
0xa3: {  	[sflag:s23] =	ssyncset.done $0x0  }
0xa4: {  	s25 =	simm.s32 $0x1B8E;
	s24 =	sld [smem:$0x3FFE];
	[sflag:s23] =	ssyncadd.s32 $0xFFFFFFFF  }
0xa5: {  	s26 =	simm.s32 $execute0_lowered;
	[smem:$0x3FD2] =	sst s25  }
0xa6: {  	s5 =	sshll.u32 s26, $0x1;
	_ =	strace $0x80000049;
	[dreg:$0x1] =	wrdreg $0xFFFFFFFF  }
0xa7: {  	s28 =	simm.s32 $_size_execute0_lowered;
	s3 =	sadd.s32 s3, s5;
	[dreg:$0x0] =	wrdreg $0x0  }
0xa8: {  	s5 =	sshll.u32 s28, $0x1;
	[dreg:$0x2] =	wrdreg s3  }
0xa9: {  	[dreg:$0x3] =	wrdreg s5  }
0xaa: {  	[dreg:$0x4] =	wrdreg $0xC0  }
0xab: {  	_ =	task [dreg:s7], $0x5FFFF  }
0xac: {  	[dreg:$0x1] =	wrdreg $0xFFFFFFFF  }
0xad: {  	[dreg:$0x0] =	wrdreg $0x60  }
0xae: {  	[dreg:$0x2] =	wrdreg s24  }
0xaf: {  	[dreg:$0x3] =	wrdreg s2  }
0xb0: {  	[dreg:$0x4] =	wrdreg $0x9  }
0xb1: {  	_ =	task.clear_ibuf [dreg:s7], $0x5FFFF;
	_ =	strace $0x90000049  }
0xb2: {  	s29 =	simm.s32 $0x9;
	_ =	strace $0x8000004B  }
0xb3: {  	_ =	swait.ge [sflag:s29], $0x1  }
0xb4: {  	[sflag:s29] =	ssyncadd.s32 $0xFFFFFFFF  }
0xb5: {  	_ =	strace $0x9000004B  }
0xb6: {  	_ =	sfence  }
0xb7: {  	s30 =	sld [smem:$0x0];
	_ =	sdelay $0x2  }
0xb8: {  	s31 =	sshll.u32 s1, $0xD;
	s1 =	sshrl.u32 s1, $0x2  }
0xb9: {  	s3 =	sand.u32 $0x4000, s31;
	s1 =	sadd.s32 s1, s30  }
0xba: {  	s0 =	sor.u32 s3, s0;
	s1 =	sshll.u32 s1, $0x11  }
0xbb: {  	s0 =	sor.u32 s1, s0  }
0xbc: {  	s0 =	sadd.s32 $0x8F2B, s0  }
0xbd: {  	[sflag:s0] =	ssyncadd.remote.s32 $0x1  }
0xbe: {  	_ =	sfence.sel $0xFFFF  }
0xbf: {  	[dreg:$0x0] =	wrdreg $0xFFFFFFFF;
	(pc) =	sbr.abs _section_cstart, $3  }
0xc0: {  	[dreg:$0x1] =	wrdreg $0xFFFFFFFF  }
0xc1: {  	_ =	task.clear_ibuf [dreg:s7], $0x2FFFF;
	_ =	strace $0x9FFFFFFF  }
0xc2: {  	(tm) =	ssettm $0x7FFFFFFF  }
0xc3: {  	_ =	shalt  }
tec
execute0_lowered:
.L_overlay_start_1:
0x0: {  	(tag) =	ssettag $0x1  }
0x1: {  	s4 =	rddreg [dreg:$0x0]  }
0x2: {  	s6 =	rddreg [dreg:$0x1]  }
0x3: {  	s0 =	rddreg [dreg:$0x2];
	s3 =	srdreg.scid  }
0x4: {  	s2 =	simm.s32 $0x0;
	s1 =	stileid.u32;
	s9 =	simm.s32 $0x200000  }
0x5: {  	s10 =	simm.s32 $0x1;
	s11 =	simm.s32 $0x2;
	s12 =	simm.s32 $0x0  }
0x6: {  	s3 =	sand.u32 $0x1, s3;
	[smem:$0x7FF] =	sst s2;
	s5 =	sshll.u32 s1, $0x11  }
0x7: {  	s4 =	sadd.s32 $0xE00, s4;
	s7 =	sshll.u32 s3, $0x10;
	s8 =	ssub.s32 $0x2, s3  }
0x8: {  	v0 =	vlaneseq.u32;
	_ =	strace $0x8000004A;
	s3 =	sor.u32 s7, s5;
	s31 =	sshrl.u32 s8, $0x1  }
0x9: {  	v0 =	vmul.u32 $0x8, v0;
	s7 =	sshrl.u32 s3, $0x3;
	s8 =	ssub.s32 s8, s31;
	s6 =	sadd.s32 s6, s3  }
0xa: {  	s5 =	sadd.s32 s4, s7;
	s7 =	smax.u32 s8, $0x1;
	s8 =	simm.s32 $0x800  }
.LBB2_1:
0xb: {  	[tilespmem:s2], [sflag:$0x1] =	stream.strided.gather [hbm4b:s5+s8], $0x4000, s9, s8, $0x38;
	[tilespmem:$0x10000] =	vst v63  }
0xc: {  	s14 =	simm.s32 $0x0  }
.LBB2_2:
0xd: {  	p0 =	seq.s32 s14, $0x1F  }
0xe: {  	p1 =	slt.u32 @!p0 s14, $0x2  }
0xf: {  	s13 =	sadd.s32 $0x1, s14;
	s15 =	sand.u32 $0x1, s14;
	p1 =	por p0, !p1  }
.Ltmp0:
0x10: {  	_ =	swait.ge [sflag:s10], $0x4000;
	s16 =	sshll.u32 @!p0 s13, $0xB;
	(pc) =	sbr.rel @!p1 .LBB2_4-.Ltmp0, $4  }
0x11: {  	[sflag:s10] =	ssyncset.done $0x0;
	s18 =	sshll.u32 @!p0 s15, $0xE;
	s16 =	sadd.s32 @!p0 s3, s16  }
0x12: {  	s19 =	simm.s32 @!p0 $0x800;
	s20 =	simm.s32 @!p0 $0x200000;
	s16 =	sshrl.u32 @!p0 s16, $0x3  }
0x13: {  	[sflag:s10] =	ssyncadd.s32 $0xFFFFC000;
	s17 =	sxor.u32 @!p0 $0x4000, s18;
	s16 =	sadd.s32 @!p0 s4, s16  }
0x14: {  	[tilespmem:s17], [sflag:$0x1] =	stream.strided.gather @!p0 [hbm4b:s16+s19], $0x4000, s20, s19, $0x38;
	[tilespmem:$0x10000] =	vst v63  }
0x15: {  	_ =	swait.ge [sflag:s11], $0x4000  }
0x16: {  	[sflag:s11] =	ssyncset.done $0x0  }
0x17: {  	s18 =	simm.s32 @p0 $0x4000;
	[sflag:s11] =	ssyncadd.s32 $0xFFFFC000  }
.LBB2_4:
0x18: {  	s19 =	simm.s32 $0x70  }
0x19: {  	s16 =	sor.u32 $0x8000, s18;
	s20 =	simm.s32 $0x10;
	v1 =	vmov s19  }
0x1a: {  	s17 =	sshll.u32 s18, $0x2;
	s18 =	sadd.s32 $0x40, s18;
	s26 =	simm.s32 $0x20;
	v2 =	vmov s20;
	v1 =	vshll.u32 v1, $0x3  }
0x1b: {  	s28 =	simm.s32 $0x30;
	v3 =	vmov s26;
	v13 =	vld [tilespmem:s18+$0x30];
	v2 =	vshll.u32 v2, $0x3;
	v14 =	vor.u32 v0, v1  }
0x1c: {  	s29 =	simm.s32 $0x40;
	v9 =	vld [tilespmem:s18+$0xFFFFFFD0];
	v10 =	vor.u32 v0, v2;
	v1 =	vshll.u32 v3, $0x3;
	v2 =	vmov s28  }
0x1d: {  	s30 =	simm.s32 $0x50;
	v6 =	vld [tilespmem:s18+$0xFFFFFFE0];
	v3 =	vmov s29;
	v8 =	vor.u32 v0, v1;
	v1 =	vshll.u32 v2, $0x3  }
0x1e: {  	s31 =	simm.s32 $0x60;
	v5 =	vmov s30;
	v2 =	vld [tilespmem:s18+$0xFFFFFFF0];
	v3 =	vshll.u32 v3, $0x3;
	v4 =	vor.u32 v0, v1  }
0x1f: {  	s21 =	simm.s32 $0x0;
	v12 =	vmov s31;
	v7 =	vshll.u32 v5, $0x3;
	v1 =	vld [tilespmem:s18+$0x0];
	v3 =	vor.u32 v0, v3  }
0x20: {  	s22 =	simm.s32 $0xF0;
	s19 =	simm.s32 $0x80;
	s20 =	simm.s32 $0x100;
	v11 =	vmov s21;
	v5 =	vld [tilespmem:s18+$0x10];
	v12 =	vshll.u32 v12, $0x3;
	v7 =	vor.u32 v0, v7;
	[tilespmem:v14+s16+$0x0] =	vst.idx.msk $0xffff, v13  }
.LBB2_5:
0x21: {  	p0 =	slt.u32 s20, $0x780;
	s21 =	sadd.s32 $0x10, s19;
	v13 =	vmov s22;
	v11 =	vshll.u32 v11, $0x3;
	[tilespmem:v10+s16+$0x0] =	vst.idx.msk $0xffff, v9;
	v14 =	vld [tilespmem:s18+$0x20];
	v12 =	vor.u32 v0, v12  }
0x22: {  	v9 =	vmov s21;
	s21 =	sadd.s32 $0x20, s19;
	v10 =	vshll.u32 v13, $0x3;
	v13 =	vld [tilespmem:s18+$0xFFFFFFC0];
	v11 =	vor.u32 v0, v11;
	[tilespmem:v8+s16+$0x0] =	vst.idx.msk $0xffff, v6;
	s18 =	sadd.s32 $0x80, s18  }
0x23: {  	v6 =	vshll.u32 v9, $0x3;
	v8 =	vmov s21;
	s21 =	sadd.s32 $0x30, s19;
	v15 =	vld [tilespmem:s18+$0x30];
	v16 =	vor.u32 v0, v10;
	[tilespmem:v4+s16+$0x0] =	vst.idx.msk $0xffff, v2  }
.Ltmp1:
0x24: {  	v9 =	vld [tilespmem:s18+$0xFFFFFFD0];
	v10 =	vor.u32 v0, v6;
	v2 =	vshll.u32 v8, $0x3;
	v4 =	vmov s21;
	s21 =	sadd.s32 $0x40, s19;
	[tilespmem:v3+s16+$0x0] =	vst.idx.msk $0xffff, v1;
	(pc) =	sbr.rel @p0 .LBB2_5-.Ltmp1, $4  }
0x25: {  	v6 =	vld [tilespmem:s18+$0xFFFFFFE0];
	v8 =	vor.u32 v0, v2;
	v1 =	vshll.u32 v4, $0x3;
	v3 =	vmov s21;
	s21 =	sadd.s32 $0x50, s19;
	[tilespmem:v7+s16+$0x0] =	vst.idx.msk $0xffff, v5  }
0x26: {  	v2 =	vld [tilespmem:s18+$0xFFFFFFF0];
	v4 =	vor.u32 v0, v1;
	v3 =	vshll.u32 v3, $0x3;
	v5 =	vmov s21;
	s21 =	sadd.s32 $0x60, s19;
	[tilespmem:v12+s16+$0x0] =	vst.idx.msk $0xffff, v14  }
0x27: {  	v1 =	vld [tilespmem:s18+$0x0];
	v3 =	vor.u32 v0, v3;
	v7 =	vshll.u32 v5, $0x3;
	v12 =	vmov s21;
	[tilespmem:v11+s16+$0x0] =	vst.idx.msk $0xffff, v13  }
0x28: {  	s22 =	sadd.s32 $0x70, s20;
	v11 =	vmov s19;
	s19 =	smov.u32 s20;
	s20 =	sadd.s32 $0x80, s20;
	v5 =	vld [tilespmem:s18+$0x10];
	v7 =	vor.u32 v0, v7;
	v12 =	vshll.u32 v12, $0x3;
	[tilespmem:v16+s16+$0x0] =	vst.idx.msk $0xffff, v15  }
0x29: {  	_ =	sdelay $0x2  }
0x2a: {  	s20 =	sadd.s32 $0x10, s19  }
0x2b: {  	v11 =	vshll.u32 v11, $0x3;
	[tilespmem:v10+s16+$0x0] =	vst.idx.msk $0xffff, v9;
	v9 =	vld [tilespmem:s18+$0x20];
	v10 =	vor.u32 v0, v12;
	v12 =	vmov s20  }
0x2c: {  	v13 =	vmov s22;
	s28 =	sadd.s32 $0x20, s19;
	v14 =	vld [tilespmem:s18+$0xFFFFFFC0];
	s29 =	sadd.s32 $0x80, s18;
	v11 =	vor.u32 v0, v11;
	[tilespmem:v8+s16+$0x0] =	vst.idx.msk $0xffff, v6;
	v6 =	vshll.u32 v12, $0x3  }
0x2d: {  	s30 =	sadd.s32 $0x30, s19;
	v13 =	vshll.u32 v13, $0x3;
	v8 =	vmov s28;
	[tilespmem:v4+s16+$0x0] =	vst.idx.msk $0xffff, v2;
	v2 =	vld [tilespmem:s29+$0xFFFFFFD0];
	v4 =	vor.u32 v0, v6  }
0x2e: {  	s31 =	sadd.s32 $0x40, s19;
	v12 =	vld [tilespmem:s29+$0x30];
	v13 =	vor.u32 v0, v13;
	v6 =	vshll.u32 v8, $0x3;
	v8 =	vmov s30;
	[tilespmem:v3+s16+$0x0] =	vst.idx.msk $0xffff, v1  }
0x2f: {  	s22 =	sadd.s32 $0x60, s19;
	v1 =	vld [tilespmem:s29+$0xFFFFFFE0];
	v3 =	vor.u32 v0, v6;
	v6 =	vshll.u32 v8, $0x3;
	v8 =	vmov s31;
	[tilespmem:v7+s16+$0x0] =	vst.idx.msk $0xffff, v5  }
0x30: {  	s21 =	sadd.s32 $0x50, s19;
	v5 =	vld [tilespmem:s29+$0xFFFFFFF0];
	v6 =	vor.u32 v0, v6;
	v7 =	vshll.u32 v8, $0x3;
	[tilespmem:v10+s16+$0x0] =	vst.idx.msk $0xffff, v9;
	v10 =	vmov s22  }
0x31: {  	v8 =	vmov s21;
	v9 =	vld [tilespmem:s29+$0x0];
	v7 =	vor.u32 v0, v7;
	[tilespmem:v11+s16+$0x0] =	vst.idx.msk $0xffff, v14;
	v10 =	vshll.u32 v10, $0x3  }
0x32: {  	v8 =	vshll.u32 v8, $0x3;
	v11 =	vmov s19;
	[tilespmem:v4+s16+$0x0] =	vst.idx.msk $0xffff, v2;
	v2 =	vld [tilespmem:s29+$0x20];
	v4 =	vor.u32 v0, v10  }
0x33: {  	v14 =	vld [tilespmem:s29+$0x10];
	v8 =	vor.u32 v0, v8;
	[tilespmem:v13+s16+$0x0] =	vst.idx.msk $0xffff, v12;
	v11 =	vshll.u32 v11, $0x3  }
0x34: {  	s30 =	simm.s32 $0x60;
	v10 =	vld [tilespmem:s29+$0xFFFFFFC0];
	v11 =	vor.u32 v0, v11;
	[tilespmem:v3+s16+$0x0] =	vst.idx.msk $0xffff, v1  }
0x35: {  	v12 =	vmov s30;
	[tilespmem:v6+s16+$0x0] =	vst.idx.msk $0xffff, v5  }
0x36: {  	s25 =	simm.s32 $0x70;
	s26 =	simm.s32 $0x30;
	s21 =	simm.s32 $0x20;
	v12 =	vshll.u32 v12, $0x3;
	[tilespmem:v7+s16+$0x0] =	vst.idx.msk $0xffff, v9  }
0x37: {  	s24 =	simm.s32 $0x10;
	s28 =	simm.s32 $0x40;
	v3 =	vmov s21;
	v5 =	vmov s26;
	[tilespmem:v4+s16+$0x0] =	vst.idx.msk $0xffff, v2;
	v4 =	vmov s25  }
0x38: {  	s17 =	sshrl.u32 s17, $0x2;
	v6 =	vmov s28;
	[tilespmem:v8+s16+$0x0] =	vst.idx.msk $0xffff, v14;
	v2 =	vmov s24;
	v4 =	vshll.u32 v4, $0x3  }
0x39: {  	s18 =	sadd.s32 $0x870, s17;
	s29 =	simm.s32 $0x50;
	v3 =	vshll.u32 v3, $0x3;
	[tilespmem:v11+s16+$0x0] =	vst.idx.msk $0xffff, v10;
	v2 =	vshll.u32 v2, $0x3;
	v4 =	vor.u32 v0, v4  }
0x3a: {  	v7 =	vmov s29;
	v8 =	vld [tilespmem:s18+$0x0];
	v2 =	vor.u32 v0, v2;
	v9 =	vor.u32 $0x1, v4  }
0x3b: {  	v10 =	vld [tilespmem:s18+$0xFFFFFFA0];
	v11 =	vor.u32 $0x1, v2;
	v2 =	vor.u32 v0, v3;
	v3 =	vshll.u32 v5, $0x3  }
0x3c: {  	v13 =	vld [tilespmem:s18+$0xFFFFFFB0];
	v14 =	vor.u32 $0x1, v2;
	v2 =	vor.u32 v0, v3;
	v3 =	vshll.u32 v6, $0x3  }
0x3d: {  	s23 =	simm.s32 $0x0;
	v7 =	vshll.u32 v7, $0x3;
	v4 =	vld [tilespmem:s18+$0xFFFFFFC0];
	v6 =	vor.u32 $0x1, v2;
	v3 =	vor.u32 v0, v3  }
0x3e: {  	v1 =	vmov s23;
	v7 =	vor.u32 v0, v7;
	v2 =	vld [tilespmem:s18+$0xFFFFFFD0];
	v5 =	vor.u32 $0x1, v3  }
0x3f: {  	v12 =	vor.u32 v0, v12;
	v1 =	vshll.u32 v1, $0x3;
	v7 =	vor.u32 $0x1, v7;
	v3 =	vld [tilespmem:s18+$0xFFFFFFE0];
	[tilespmem:v9+s16+$0x0] =	vst.idx.msk $0xffff, v8  }
0x40: {  	s20 =	simm.s32 $0x100;
	s31 =	simm.s32 $0x90;
	s19 =	simm.s32 $0x80;
	v15 =	vor.u32 v0, v1;
	[tilespmem:v11+s16+$0x0] =	vst.idx.msk $0xffff, v10;
	v8 =	vld [tilespmem:s18+$0xFFFFFFF0];
	v9 =	vor.u32 $0x1, v12  }
0x41: {  	s22 =	simm.s32 $0xF0;
	s21 =	simm.s32 $0xA0;
	s23 =	simm.s32 $0xB0;
	v1 =	vmov s19;
	v12 =	vmov s31;
	v10 =	vld [tilespmem:s18+$0xFFFFFF90];
	v11 =	vor.u32 $0x1, v15;
	[tilespmem:v14+s16+$0x0] =	vst.idx.msk $0xffff, v13  }
.LBB2_7:
0x42: {  	p0 =	slt.u32 s20, $0x780;
	v13 =	vmov s21;
	v14 =	vmov s23;
	s21 =	sadd.s32 $0x40, s19;
	s23 =	sadd.s32 $0x50, s19;
	v15 =	vmov s22;
	[tilespmem:v6+s16+$0x0] =	vst.idx.msk $0xffff, v4  }
0x43: {  	v4 =	vmov s21;
	v16 =	vmov s23;
	s21 =	sadd.s32 $0x60, s19;
	v6 =	vshll.u32 v15, $0x3;
	[tilespmem:v5+s16+$0x0] =	vst.idx.msk $0xffff, v2;
	s19 =	smov.u32 s20  }
0x44: {  	s18 =	sadd.s32 $0x80, s18;
	v2 =	vshll.u32 v12, $0x3;
	v12 =	vmov s21;
	v5 =	vor.u32 v0, v6;
	[tilespmem:v7+s16+$0x0] =	vst.idx.msk $0xffff, v3  }
0x45: {  	v2 =	vor.u32 v0, v2;
	v3 =	vshll.u32 v13, $0x3;
	v13 =	vld [tilespmem:s18+$0x0];
	v15 =	vor.u32 $0x1, v5;
	[tilespmem:v9+s16+$0x0] =	vst.idx.msk $0xffff, v8  }
0x46: {  	v9 =	vor.u32 $0x1, v2;
	v2 =	vor.u32 v0, v3;
	v3 =	vshll.u32 v14, $0x3;
	v8 =	vld [tilespmem:s18+$0xFFFFFFA0];
	[tilespmem:v11+s16+$0x0] =	vst.idx.msk $0xffff, v10  }
0x47: {  	v17 =	vor.u32 $0x1, v2;
	v2 =	vor.u32 v0, v3;
	v3 =	vshll.u32 v4, $0x3;
	v14 =	vld [tilespmem:s18+$0xFFFFFFB0]  }
.Ltmp2:
0x48: {  	v7 =	vshll.u32 v16, $0x3;
	v6 =	vor.u32 $0x1, v2;
	v3 =	vor.u32 v0, v3;
	v4 =	vld [tilespmem:s18+$0xFFFFFFC0];
	(pc) =	sbr.rel @p0 .LBB2_7-.Ltmp2, $4  }
0x49: {  	v7 =	vor.u32 v0, v7;
	v10 =	vshll.u32 v12, $0x3;
	v5 =	vor.u32 $0x1, v3;
	v2 =	vld [tilespmem:s18+$0xFFFFFFD0]  }
0x4a: {  	v1 =	vshll.u32 v1, $0x3;
	v7 =	vor.u32 $0x1, v7;
	v10 =	vor.u32 v0, v10;
	v3 =	vld [tilespmem:s18+$0xFFFFFFE0];
	[tilespmem:v15+s16+$0x0] =	vst.idx.msk $0xffff, v13  }
0x4b: {  	s22 =	sadd.s32 $0x10, s20;
	s21 =	sadd.s32 $0x20, s20;
	v11 =	vor.u32 v0, v1;
	[tilespmem:v9+s16+$0x0] =	vst.idx.msk $0xffff, v8;
	v8 =	vld [tilespmem:s18+$0xFFFFFFF0];
	v9 =	vor.u32 $0x1, v10  }
0x4c: {  	s23 =	sadd.s32 $0x30, s19;
	s20 =	sadd.s32 $0x80, s20;
	v1 =	vmov s19;
	v12 =	vmov s22;
	s22 =	sadd.s32 $0x70, s19;
	v11 =	vor.u32 $0x1, v11;
	v10 =	vld [tilespmem:s18+$0xFFFFFF90];
	[tilespmem:v17+s16+$0x0] =	vst.idx.msk $0xffff, v14  }
0x4d: {  	_ =	sdelay $0x1  }
0x4e: {  	v13 =	vmov s21;
	v14 =	vmov s23;
	s20 =	sadd.s32 $0x40, s19;
	s31 =	sadd.s32 $0x50, s19;
	v15 =	vmov s22  }
0x4f: {  	s21 =	sadd.s32 $0x60, s19;
	v12 =	vshll.u32 v12, $0x3;
	v16 =	vmov s20;
	v17 =	vmov s31  }
0x50: {  	s18 =	sadd.s32 $0x80, s18;
	[tilespmem:v6+s16+$0x0] =	vst.idx.msk $0xffff, v4;
	v15 =	vshll.u32 v15, $0x3;
	v18 =	vmov s21;
	v4 =	vor.u32 v0, v12  }
0x51: {  	v6 =	vshll.u32 v13, $0x3;
	[tilespmem:v5+s16+$0x0] =	vst.idx.msk $0xffff, v2;
	v2 =	vld [tilespmem:s18+$0xFFFFFFA0];
	v15 =	vor.u32 v0, v15;
	v4 =	vor.u32 $0x1, v4  }
0x52: {  	v12 =	vld [tilespmem:s18+$0x0];
	v5 =	vor.u32 v0, v6;
	v6 =	vshll.u32 v14, $0x3;
	[tilespmem:v7+s16+$0x0] =	vst.idx.msk $0xffff, v3;
	v13 =	vor.u32 $0x1, v15  }
0x53: {  	v3 =	vld [tilespmem:s18+$0xFFFFFFB0];
	v7 =	vshll.u32 v16, $0x3;
	v5 =	vor.u32 $0x1, v5;
	v6 =	vor.u32 v0, v6;
	[tilespmem:v9+s16+$0x0] =	vst.idx.msk $0xffff, v8  }
0x54: {  	v8 =	vld [tilespmem:s18+$0xFFFFFFC0];
	v7 =	vor.u32 v0, v7;
	v6 =	vor.u32 $0x1, v6;
	[tilespmem:v11+s16+$0x0] =	vst.idx.msk $0xffff, v10;
	v11 =	vshll.u32 v18, $0x3  }
0x55: {  	v9 =	vshll.u32 v17, $0x3;
	v10 =	vld [tilespmem:s18+$0xFFFFFFD0];
	v7 =	vor.u32 $0x1, v7;
	v11 =	vor.u32 v0, v11  }
0x56: {  	v1 =	vshll.u32 v1, $0x3;
	v9 =	vor.u32 v0, v9;
	[tilespmem:v4+s16+$0x0] =	vst.idx.msk $0xffff, v2;
	v2 =	vld [tilespmem:s18+$0xFFFFFFF0];
	v4 =	vor.u32 $0x1, v11  }
0x57: {  	v1 =	vor.u32 v0, v1;
	v14 =	vld [tilespmem:s18+$0xFFFFFFE0];
	v9 =	vor.u32 $0x1, v9;
	[tilespmem:v13+s16+$0x0] =	vst.idx.msk $0xffff, v12  }
0x58: {  	v1 =	vor.u32 $0x1, v1;
	v11 =	vld [tilespmem:s18+$0xFFFFFF90];
	[tilespmem:v5+s16+$0x0] =	vst.idx.msk $0xffff, v3  }
0x59: {  	s24 =	simm.s32 $0x20;
	s26 =	simm.s32 $0x30;
	[tilespmem:v6+s16+$0x0] =	vst.idx.msk $0xffff, v8  }
0x5a: {  	s25 =	simm.s32 $0x70;
	s28 =	simm.s32 $0x40;
	s30 =	simm.s32 $0x60;
	v3 =	vmov s24;
	v5 =	vmov s26;
	[tilespmem:v7+s16+$0x0] =	vst.idx.msk $0xffff, v10  }
0x5b: {  	s23 =	simm.s32 $0x10;
	s29 =	simm.s32 $0x50;
	v12 =	vmov s30;
	v6 =	vmov s28;
	[tilespmem:v4+s16+$0x0] =	vst.idx.msk $0xffff, v2;
	v4 =	vmov s25  }
0x5c: {  	v7 =	vmov s29;
	[tilespmem:v9+s16+$0x0] =	vst.idx.msk $0xffff, v14;
	v2 =	vmov s23;
	v4 =	vshll.u32 v4, $0x3  }
0x5d: {  	s18 =	sadd.s32 $0x1070, s17;
	v3 =	vshll.u32 v3, $0x3;
	[tilespmem:v1+s16+$0x0] =	vst.idx.msk $0xffff, v11;
	v2 =	vshll.u32 v2, $0x3;
	v4 =	vor.u32 v0, v4  }
0x5e: {  	v12 =	vshll.u32 v12, $0x3;
	v8 =	vld [tilespmem:s18+$0x0];
	v2 =	vor.u32 v0, v2;
	v9 =	vor.u32 $0x2, v4  }
0x5f: {  	v10 =	vld [tilespmem:s18+$0xFFFFFFA0];
	v11 =	vor.u32 $0x2, v2;
	v2 =	vor.u32 v0, v3;
	v3 =	vshll.u32 v5, $0x3  }
0x60: {  	v13 =	vld [tilespmem:s18+$0xFFFFFFB0];
	v14 =	vor.u32 $0x2, v2;
	v2 =	vor.u32 v0, v3;
	v3 =	vshll.u32 v6, $0x3  }
0x61: {  	s22 =	simm.s32 $0x0;
	v7 =	vshll.u32 v7, $0x3;
	v4 =	vld [tilespmem:s18+$0xFFFFFFC0];
	v6 =	vor.u32 $0x2, v2;
	v3 =	vor.u32 v0, v3  }
0x62: {  	v7 =	vor.u32 v0, v7;
	v1 =	vmov s22;
	v2 =	vld [tilespmem:s18+$0xFFFFFFD0];
	v5 =	vor.u32 $0x2, v3  }
0x63: {  	v12 =	vor.u32 v0, v12;
	v7 =	vor.u32 $0x2, v7;
	v1 =	vshll.u32 v1, $0x3;
	v3 =	vld [tilespmem:s18+$0xFFFFFFE0];
	[tilespmem:v9+s16+$0x0] =	vst.idx.msk $0xffff, v8  }
0x64: {  	s19 =	simm.s32 $0x80;
	s31 =	simm.s32 $0x90;
	s21 =	simm.s32 $0xA0;
	v15 =	vor.u32 v0, v1;
	[tilespmem:v11+s16+$0x0] =	vst.idx.msk $0xffff, v10;
	v8 =	vld [tilespmem:s18+$0xFFFFFFF0];
	v9 =	vor.u32 $0x2, v12  }
0x65: {  	s20 =	simm.s32 $0x100;
	s23 =	simm.s32 $0xB0;
	s22 =	simm.s32 $0xF0;
	v1 =	vmov s19;
	v12 =	vmov s31;
	v10 =	vld [tilespmem:s18+$0xFFFFFF90];
	v11 =	vor.u32 $0x2, v15;
	[tilespmem:v14+s16+$0x0] =	vst.idx.msk $0xffff, v13  }
.LBB2_9:
0x66: {  	p0 =	slt.u32 s20, $0x780;
	v13 =	vmov s21;
	v14 =	vmov s23;
	s21 =	sadd.s32 $0x40, s19;
	s23 =	sadd.s32 $0x50, s19;
	v15 =	vmov s22;
	[tilespmem:v6+s16+$0x0] =	vst.idx.msk $0xffff, v4  }
0x67: {  	v4 =	vmov s21;
	v16 =	vmov s23;
	s21 =	sadd.s32 $0x60, s19;
	v6 =	vshll.u32 v15, $0x3;
	[tilespmem:v5+s16+$0x0] =	vst.idx.msk $0xffff, v2;
	s19 =	smov.u32 s20  }
0x68: {  	s18 =	sadd.s32 $0x80, s18;
	v2 =	vshll.u32 v12, $0x3;
	v12 =	vmov s21;
	v5 =	vor.u32 v0, v6;
	[tilespmem:v7+s16+$0x0] =	vst.idx.msk $0xffff, v3  }
0x69: {  	v2 =	vor.u32 v0, v2;
	v3 =	vshll.u32 v13, $0x3;
	v13 =	vld [tilespmem:s18+$0x0];
	v15 =	vor.u32 $0x2, v5;
	[tilespmem:v9+s16+$0x0] =	vst.idx.msk $0xffff, v8  }
0x6a: {  	v9 =	vor.u32 $0x2, v2;
	v2 =	vor.u32 v0, v3;
	v3 =	vshll.u32 v14, $0x3;
	v8 =	vld [tilespmem:s18+$0xFFFFFFA0];
	[tilespmem:v11+s16+$0x0] =	vst.idx.msk $0xffff, v10  }
0x6b: {  	v17 =	vor.u32 $0x2, v2;
	v2 =	vor.u32 v0, v3;
	v3 =	vshll.u32 v4, $0x3;
	v14 =	vld [tilespmem:s18+$0xFFFFFFB0]  }
.Ltmp3:
0x6c: {  	v7 =	vshll.u32 v16, $0x3;
	v6 =	vor.u32 $0x2, v2;
	v3 =	vor.u32 v0, v3;
	v4 =	vld [tilespmem:s18+$0xFFFFFFC0];
	(pc) =	sbr.rel @p0 .LBB2_9-.Ltmp3, $4  }
0x6d: {  	v7 =	vor.u32 v0, v7;
	v10 =	vshll.u32 v12, $0x3;
	v5 =	vor.u32 $0x2, v3;
	v2 =	vld [tilespmem:s18+$0xFFFFFFD0]  }
0x6e: {  	v1 =	vshll.u32 v1, $0x3;
	v7 =	vor.u32 $0x2, v7;
	v10 =	vor.u32 v0, v10;
	v3 =	vld [tilespmem:s18+$0xFFFFFFE0];
	[tilespmem:v15+s16+$0x0] =	vst.idx.msk $0xffff, v13  }
0x6f: {  	s22 =	sadd.s32 $0x10, s20;
	s21 =	sadd.s32 $0x20, s20;
	v11 =	vor.u32 v0, v1;
	[tilespmem:v9+s16+$0x0] =	vst.idx.msk $0xffff, v8;
	v8 =	vld [tilespmem:s18+$0xFFFFFFF0];
	v9 =	vor.u32 $0x2, v10  }
0x70: {  	s23 =	sadd.s32 $0x30, s19;
	s20 =	sadd.s32 $0x80, s20;
	v1 =	vmov s19;
	v12 =	vmov s22;
	s22 =	sadd.s32 $0x70, s19;
	v11 =	vor.u32 $0x2, v11;
	v10 =	vld [tilespmem:s18+$0xFFFFFF90];
	[tilespmem:v17+s16+$0x0] =	vst.idx.msk $0xffff, v14  }
0x71: {  	_ =	sdelay $0x1  }
0x72: {  	v13 =	vmov s21;
	v14 =	vmov s23;
	s20 =	sadd.s32 $0x40, s19;
	s31 =	sadd.s32 $0x50, s19;
	v15 =	vmov s22  }
0x73: {  	s21 =	sadd.s32 $0x60, s19;
	v12 =	vshll.u32 v12, $0x3;
	v16 =	vmov s20;
	v17 =	vmov s31  }
0x74: {  	s18 =	sadd.s32 $0x80, s18;
	[tilespmem:v6+s16+$0x0] =	vst.idx.msk $0xffff, v4;
	v15 =	vshll.u32 v15, $0x3;
	v18 =	vmov s21;
	v4 =	vor.u32 v0, v12  }
0x75: {  	v6 =	vshll.u32 v13, $0x3;
	[tilespmem:v5+s16+$0x0] =	vst.idx.msk $0xffff, v2;
	v2 =	vld [tilespmem:s18+$0xFFFFFFA0];
	v15 =	vor.u32 v0, v15;
	v4 =	vor.u32 $0x2, v4  }
0x76: {  	v12 =	vld [tilespmem:s18+$0x0];
	v5 =	vor.u32 v0, v6;
	v6 =	vshll.u32 v14, $0x3;
	[tilespmem:v7+s16+$0x0] =	vst.idx.msk $0xffff, v3;
	v13 =	vor.u32 $0x2, v15  }
0x77: {  	v3 =	vld [tilespmem:s18+$0xFFFFFFB0];
	v7 =	vshll.u32 v16, $0x3;
	v5 =	vor.u32 $0x2, v5;
	v6 =	vor.u32 v0, v6;
	[tilespmem:v9+s16+$0x0] =	vst.idx.msk $0xffff, v8  }
0x78: {  	v8 =	vld [tilespmem:s18+$0xFFFFFFC0];
	v7 =	vor.u32 v0, v7;
	v6 =	vor.u32 $0x2, v6;
	[tilespmem:v11+s16+$0x0] =	vst.idx.msk $0xffff, v10;
	v11 =	vshll.u32 v18, $0x3  }
0x79: {  	v9 =	vshll.u32 v17, $0x3;
	v10 =	vld [tilespmem:s18+$0xFFFFFFD0];
	v7 =	vor.u32 $0x2, v7;
	v11 =	vor.u32 v0, v11  }
0x7a: {  	v1 =	vshll.u32 v1, $0x3;
	v9 =	vor.u32 v0, v9;
	[tilespmem:v4+s16+$0x0] =	vst.idx.msk $0xffff, v2;
	v2 =	vld [tilespmem:s18+$0xFFFFFFF0];
	v4 =	vor.u32 $0x2, v11  }
0x7b: {  	v1 =	vor.u32 v0, v1;
	v14 =	vld [tilespmem:s18+$0xFFFFFFE0];
	v9 =	vor.u32 $0x2, v9;
	[tilespmem:v13+s16+$0x0] =	vst.idx.msk $0xffff, v12  }
0x7c: {  	v1 =	vor.u32 $0x2, v1;
	v11 =	vld [tilespmem:s18+$0xFFFFFF90];
	[tilespmem:v5+s16+$0x0] =	vst.idx.msk $0xffff, v3  }
0x7d: {  	s24 =	simm.s32 $0x20;
	s26 =	simm.s32 $0x30;
	[tilespmem:v6+s16+$0x0] =	vst.idx.msk $0xffff, v8  }
0x7e: {  	s25 =	simm.s32 $0x70;
	s28 =	simm.s32 $0x40;
	s30 =	simm.s32 $0x60;
	v3 =	vmov s24;
	v5 =	vmov s26;
	[tilespmem:v7+s16+$0x0] =	vst.idx.msk $0xffff, v10  }
0x7f: {  	s23 =	simm.s32 $0x10;
	s29 =	simm.s32 $0x50;
	v12 =	vmov s30;
	v6 =	vmov s28;
	[tilespmem:v4+s16+$0x0] =	vst.idx.msk $0xffff, v2;
	v4 =	vmov s25  }
0x80: {  	v7 =	vmov s29;
	[tilespmem:v9+s16+$0x0] =	vst.idx.msk $0xffff, v14;
	v2 =	vmov s23;
	v4 =	vshll.u32 v4, $0x3  }
0x81: {  	s18 =	sadd.s32 $0x1870, s17;
	v3 =	vshll.u32 v3, $0x3;
	[tilespmem:v1+s16+$0x0] =	vst.idx.msk $0xffff, v11;
	v2 =	vshll.u32 v2, $0x3;
	v4 =	vor.u32 v0, v4  }
0x82: {  	v12 =	vshll.u32 v12, $0x3;
	v8 =	vld [tilespmem:s18+$0x0];
	v2 =	vor.u32 v0, v2;
	v9 =	vor.u32 $0x3, v4  }
0x83: {  	v10 =	vld [tilespmem:s18+$0xFFFFFFA0];
	v11 =	vor.u32 $0x3, v2;
	v2 =	vor.u32 v0, v3;
	v3 =	vshll.u32 v5, $0x3  }
0x84: {  	v13 =	vld [tilespmem:s18+$0xFFFFFFB0];
	v14 =	vor.u32 $0x3, v2;
	v2 =	vor.u32 v0, v3;
	v3 =	vshll.u32 v6, $0x3  }
0x85: {  	s22 =	simm.s32 $0x0;
	v7 =	vshll.u32 v7, $0x3;
	v4 =	vld [tilespmem:s18+$0xFFFFFFC0];
	v6 =	vor.u32 $0x3, v2;
	v3 =	vor.u32 v0, v3  }
0x86: {  	v7 =	vor.u32 v0, v7;
	v1 =	vmov s22;
	v2 =	vld [tilespmem:s18+$0xFFFFFFD0];
	v5 =	vor.u32 $0x3, v3  }
0x87: {  	v12 =	vor.u32 v0, v12;
	v7 =	vor.u32 $0x3, v7;
	v1 =	vshll.u32 v1, $0x3;
	v3 =	vld [tilespmem:s18+$0xFFFFFFE0];
	[tilespmem:v9+s16+$0x0] =	vst.idx.msk $0xffff, v8  }
0x88: {  	s19 =	simm.s32 $0x80;
	s31 =	simm.s32 $0x90;
	s21 =	simm.s32 $0xA0;
	v15 =	vor.u32 v0, v1;
	[tilespmem:v11+s16+$0x0] =	vst.idx.msk $0xffff, v10;
	v8 =	vld [tilespmem:s18+$0xFFFFFFF0];
	v9 =	vor.u32 $0x3, v12  }
0x89: {  	s20 =	simm.s32 $0x100;
	s23 =	simm.s32 $0xB0;
	s22 =	simm.s32 $0xF0;
	v1 =	vmov s19;
	v12 =	vmov s31;
	v10 =	vld [tilespmem:s18+$0xFFFFFF90];
	v11 =	vor.u32 $0x3, v15;
	[tilespmem:v14+s16+$0x0] =	vst.idx.msk $0xffff, v13  }
.LBB2_11:
0x8a: {  	p0 =	slt.u32 s20, $0x780;
	v13 =	vmov s21;
	v14 =	vmov s23;
	s21 =	sadd.s32 $0x40, s19;
	s23 =	sadd.s32 $0x50, s19;
	v15 =	vmov s22;
	[tilespmem:v6+s16+$0x0] =	vst.idx.msk $0xffff, v4  }
0x8b: {  	v4 =	vmov s21;
	v16 =	vmov s23;
	s21 =	sadd.s32 $0x60, s19;
	v6 =	vshll.u32 v15, $0x3;
	[tilespmem:v5+s16+$0x0] =	vst.idx.msk $0xffff, v2;
	s19 =	smov.u32 s20  }
0x8c: {  	s18 =	sadd.s32 $0x80, s18;
	v2 =	vshll.u32 v12, $0x3;
	v12 =	vmov s21;
	v5 =	vor.u32 v0, v6;
	[tilespmem:v7+s16+$0x0] =	vst.idx.msk $0xffff, v3  }
0x8d: {  	v2 =	vor.u32 v0, v2;
	v3 =	vshll.u32 v13, $0x3;
	v13 =	vld [tilespmem:s18+$0x0];
	v15 =	vor.u32 $0x3, v5;
	[tilespmem:v9+s16+$0x0] =	vst.idx.msk $0xffff, v8  }
0x8e: {  	v9 =	vor.u32 $0x3, v2;
	v2 =	vor.u32 v0, v3;
	v3 =	vshll.u32 v14, $0x3;
	v8 =	vld [tilespmem:s18+$0xFFFFFFA0];
	[tilespmem:v11+s16+$0x0] =	vst.idx.msk $0xffff, v10  }
0x8f: {  	v17 =	vor.u32 $0x3, v2;
	v2 =	vor.u32 v0, v3;
	v3 =	vshll.u32 v4, $0x3;
	v14 =	vld [tilespmem:s18+$0xFFFFFFB0]  }
.Ltmp4:
0x90: {  	v7 =	vshll.u32 v16, $0x3;
	v6 =	vor.u32 $0x3, v2;
	v3 =	vor.u32 v0, v3;
	v4 =	vld [tilespmem:s18+$0xFFFFFFC0];
	(pc) =	sbr.rel @p0 .LBB2_11-.Ltmp4, $4  }
0x91: {  	v7 =	vor.u32 v0, v7;
	v10 =	vshll.u32 v12, $0x3;
	v5 =	vor.u32 $0x3, v3;
	v2 =	vld [tilespmem:s18+$0xFFFFFFD0]  }
0x92: {  	v1 =	vshll.u32 v1, $0x3;
	v7 =	vor.u32 $0x3, v7;
	v10 =	vor.u32 v0, v10;
	v3 =	vld [tilespmem:s18+$0xFFFFFFE0];
	[tilespmem:v15+s16+$0x0] =	vst.idx.msk $0xffff, v13  }
0x93: {  	s22 =	sadd.s32 $0x10, s20;
	s21 =	sadd.s32 $0x20, s20;
	v11 =	vor.u32 v0, v1;
	[tilespmem:v9+s16+$0x0] =	vst.idx.msk $0xffff, v8;
	v8 =	vld [tilespmem:s18+$0xFFFFFFF0];
	v9 =	vor.u32 $0x3, v10  }
0x94: {  	s23 =	sadd.s32 $0x30, s19;
	s20 =	sadd.s32 $0x80, s20;
	v1 =	vmov s19;
	v12 =	vmov s22;
	s22 =	sadd.s32 $0x70, s19;
	v11 =	vor.u32 $0x3, v11;
	v10 =	vld [tilespmem:s18+$0xFFFFFF90];
	[tilespmem:v17+s16+$0x0] =	vst.idx.msk $0xffff, v14  }
0x95: {  	_ =	sdelay $0x1  }
0x96: {  	v13 =	vmov s21;
	v14 =	vmov s23;
	s20 =	sadd.s32 $0x40, s19;
	s31 =	sadd.s32 $0x50, s19;
	v15 =	vmov s22  }
0x97: {  	s21 =	sadd.s32 $0x60, s19;
	v12 =	vshll.u32 v12, $0x3;
	v16 =	vmov s20;
	v17 =	vmov s31  }
0x98: {  	s18 =	sadd.s32 $0x80, s18;
	[tilespmem:v6+s16+$0x0] =	vst.idx.msk $0xffff, v4;
	v15 =	vshll.u32 v15, $0x3;
	v18 =	vmov s21;
	v4 =	vor.u32 v0, v12  }
0x99: {  	v6 =	vshll.u32 v13, $0x3;
	[tilespmem:v5+s16+$0x0] =	vst.idx.msk $0xffff, v2;
	v2 =	vld [tilespmem:s18+$0xFFFFFFA0];
	v15 =	vor.u32 v0, v15;
	v4 =	vor.u32 $0x3, v4  }
0x9a: {  	v12 =	vld [tilespmem:s18+$0x0];
	v5 =	vor.u32 v0, v6;
	v6 =	vshll.u32 v14, $0x3;
	[tilespmem:v7+s16+$0x0] =	vst.idx.msk $0xffff, v3;
	v13 =	vor.u32 $0x3, v15  }
0x9b: {  	v3 =	vld [tilespmem:s18+$0xFFFFFFB0];
	v7 =	vshll.u32 v16, $0x3;
	v5 =	vor.u32 $0x3, v5;
	v6 =	vor.u32 v0, v6;
	[tilespmem:v9+s16+$0x0] =	vst.idx.msk $0xffff, v8  }
0x9c: {  	v8 =	vld [tilespmem:s18+$0xFFFFFFC0];
	v7 =	vor.u32 v0, v7;
	v6 =	vor.u32 $0x3, v6;
	[tilespmem:v11+s16+$0x0] =	vst.idx.msk $0xffff, v10;
	v11 =	vshll.u32 v18, $0x3  }
0x9d: {  	v9 =	vshll.u32 v17, $0x3;
	v10 =	vld [tilespmem:s18+$0xFFFFFFD0];
	v7 =	vor.u32 $0x3, v7;
	v11 =	vor.u32 v0, v11  }
0x9e: {  	v1 =	vshll.u32 v1, $0x3;
	v9 =	vor.u32 v0, v9;
	[tilespmem:v4+s16+$0x0] =	vst.idx.msk $0xffff, v2;
	v2 =	vld [tilespmem:s18+$0xFFFFFFF0];
	v4 =	vor.u32 $0x3, v11  }
0x9f: {  	v1 =	vor.u32 v0, v1;
	v14 =	vld [tilespmem:s18+$0xFFFFFFE0];
	v9 =	vor.u32 $0x3, v9;
	[tilespmem:v13+s16+$0x0] =	vst.idx.msk $0xffff, v12  }
0xa0: {  	v1 =	vor.u32 $0x3, v1;
	v11 =	vld [tilespmem:s18+$0xFFFFFF90];
	[tilespmem:v5+s16+$0x0] =	vst.idx.msk $0xffff, v3  }
0xa1: {  	s24 =	simm.s32 $0x20;
	s26 =	simm.s32 $0x30;
	[tilespmem:v6+s16+$0x0] =	vst.idx.msk $0xffff, v8  }
0xa2: {  	s25 =	simm.s32 $0x70;
	s28 =	simm.s32 $0x40;
	s30 =	simm.s32 $0x60;
	v3 =	vmov s24;
	v5 =	vmov s26;
	[tilespmem:v7+s16+$0x0] =	vst.idx.msk $0xffff, v10  }
0xa3: {  	s23 =	simm.s32 $0x10;
	s29 =	simm.s32 $0x50;
	v12 =	vmov s30;
	v6 =	vmov s28;
	[tilespmem:v4+s16+$0x0] =	vst.idx.msk $0xffff, v2;
	v4 =	vmov s25  }
0xa4: {  	v7 =	vmov s29;
	[tilespmem:v9+s16+$0x0] =	vst.idx.msk $0xffff, v14;
	v2 =	vmov s23;
	v4 =	vshll.u32 v4, $0x3  }
0xa5: {  	s18 =	sadd.s32 $0x2070, s17;
	v3 =	vshll.u32 v3, $0x3;
	[tilespmem:v1+s16+$0x0] =	vst.idx.msk $0xffff, v11;
	v2 =	vshll.u32 v2, $0x3;
	v4 =	vor.u32 v0, v4  }
0xa6: {  	v12 =	vshll.u32 v12, $0x3;
	v8 =	vld [tilespmem:s18+$0x0];
	v2 =	vor.u32 v0, v2;
	v9 =	vor.u32 $0x4, v4  }
0xa7: {  	v10 =	vld [tilespmem:s18+$0xFFFFFFA0];
	v11 =	vor.u32 $0x4, v2;
	v2 =	vor.u32 v0, v3;
	v3 =	vshll.u32 v5, $0x3  }
0xa8: {  	v13 =	vld [tilespmem:s18+$0xFFFFFFB0];
	v14 =	vor.u32 $0x4, v2;
	v2 =	vor.u32 v0, v3;
	v3 =	vshll.u32 v6, $0x3  }
0xa9: {  	s22 =	simm.s32 $0x0;
	v7 =	vshll.u32 v7, $0x3;
	v4 =	vld [tilespmem:s18+$0xFFFFFFC0];
	v6 =	vor.u32 $0x4, v2;
	v3 =	vor.u32 v0, v3  }
0xaa: {  	v7 =	vor.u32 v0, v7;
	v1 =	vmov s22;
	v2 =	vld [tilespmem:s18+$0xFFFFFFD0];
	v5 =	vor.u32 $0x4, v3  }
0xab: {  	v12 =	vor.u32 v0, v12;
	v7 =	vor.u32 $0x4, v7;
	v1 =	vshll.u32 v1, $0x3;
	v3 =	vld [tilespmem:s18+$0xFFFFFFE0];
	[tilespmem:v9+s16+$0x0] =	vst.idx.msk $0xffff, v8  }
0xac: {  	s19 =	simm.s32 $0x80;
	s31 =	simm.s32 $0x90;
	s21 =	simm.s32 $0xA0;
	v15 =	vor.u32 v0, v1;
	[tilespmem:v11+s16+$0x0] =	vst.idx.msk $0xffff, v10;
	v8 =	vld [tilespmem:s18+$0xFFFFFFF0];
	v9 =	vor.u32 $0x4, v12  }
0xad: {  	s20 =	simm.s32 $0x100;
	s23 =	simm.s32 $0xB0;
	s22 =	simm.s32 $0xF0;
	v1 =	vmov s19;
	v12 =	vmov s31;
	v10 =	vld [tilespmem:s18+$0xFFFFFF90];
	v11 =	vor.u32 $0x4, v15;
	[tilespmem:v14+s16+$0x0] =	vst.idx.msk $0xffff, v13  }
.LBB2_13:
0xae: {  	p0 =	slt.u32 s20, $0x780;
	v13 =	vmov s21;
	v14 =	vmov s23;
	s21 =	sadd.s32 $0x40, s19;
	s23 =	sadd.s32 $0x50, s19;
	v15 =	vmov s22;
	[tilespmem:v6+s16+$0x0] =	vst.idx.msk $0xffff, v4  }
0xaf: {  	v4 =	vmov s21;
	v16 =	vmov s23;
	s21 =	sadd.s32 $0x60, s19;
	v6 =	vshll.u32 v15, $0x3;
	[tilespmem:v5+s16+$0x0] =	vst.idx.msk $0xffff, v2;
	s19 =	smov.u32 s20  }
0xb0: {  	s18 =	sadd.s32 $0x80, s18;
	v2 =	vshll.u32 v12, $0x3;
	v12 =	vmov s21;
	v5 =	vor.u32 v0, v6;
	[tilespmem:v7+s16+$0x0] =	vst.idx.msk $0xffff, v3  }
0xb1: {  	v2 =	vor.u32 v0, v2;
	v3 =	vshll.u32 v13, $0x3;
	v13 =	vld [tilespmem:s18+$0x0];
	v15 =	vor.u32 $0x4, v5;
	[tilespmem:v9+s16+$0x0] =	vst.idx.msk $0xffff, v8  }
0xb2: {  	v9 =	vor.u32 $0x4, v2;
	v2 =	vor.u32 v0, v3;
	v3 =	vshll.u32 v14, $0x3;
	v8 =	vld [tilespmem:s18+$0xFFFFFFA0];
	[tilespmem:v11+s16+$0x0] =	vst.idx.msk $0xffff, v10  }
0xb3: {  	v17 =	vor.u32 $0x4, v2;
	v2 =	vor.u32 v0, v3;
	v3 =	vshll.u32 v4, $0x3;
	v14 =	vld [tilespmem:s18+$0xFFFFFFB0]  }
.Ltmp5:
0xb4: {  	v7 =	vshll.u32 v16, $0x3;
	v6 =	vor.u32 $0x4, v2;
	v3 =	vor.u32 v0, v3;
	v4 =	vld [tilespmem:s18+$0xFFFFFFC0];
	(pc) =	sbr.rel @p0 .LBB2_13-.Ltmp5, $4  }
0xb5: {  	v7 =	vor.u32 v0, v7;
	v10 =	vshll.u32 v12, $0x3;
	v5 =	vor.u32 $0x4, v3;
	v2 =	vld [tilespmem:s18+$0xFFFFFFD0]  }
0xb6: {  	v1 =	vshll.u32 v1, $0x3;
	v7 =	vor.u32 $0x4, v7;
	v10 =	vor.u32 v0, v10;
	v3 =	vld [tilespmem:s18+$0xFFFFFFE0];
	[tilespmem:v15+s16+$0x0] =	vst.idx.msk $0xffff, v13  }
0xb7: {  	s22 =	sadd.s32 $0x10, s20;
	s21 =	sadd.s32 $0x20, s20;
	v11 =	vor.u32 v0, v1;
	[tilespmem:v9+s16+$0x0] =	vst.idx.msk $0xffff, v8;
	v8 =	vld [tilespmem:s18+$0xFFFFFFF0];
	v9 =	vor.u32 $0x4, v10  }
0xb8: {  	s23 =	sadd.s32 $0x30, s19;
	s20 =	sadd.s32 $0x80, s20;
	v1 =	vmov s19;
	v12 =	vmov s22;
	s22 =	sadd.s32 $0x70, s19;
	v11 =	vor.u32 $0x4, v11;
	v10 =	vld [tilespmem:s18+$0xFFFFFF90];
	[tilespmem:v17+s16+$0x0] =	vst.idx.msk $0xffff, v14  }
0xb9: {  	_ =	sdelay $0x1  }
0xba: {  	v13 =	vmov s21;
	v14 =	vmov s23;
	s20 =	sadd.s32 $0x40, s19;
	s31 =	sadd.s32 $0x50, s19;
	v15 =	vmov s22  }
0xbb: {  	s21 =	sadd.s32 $0x60, s19;
	v12 =	vshll.u32 v12, $0x3;
	v16 =	vmov s20;
	v17 =	vmov s31  }
0xbc: {  	s18 =	sadd.s32 $0x80, s18;
	[tilespmem:v6+s16+$0x0] =	vst.idx.msk $0xffff, v4;
	v15 =	vshll.u32 v15, $0x3;
	v18 =	vmov s21;
	v4 =	vor.u32 v0, v12  }
0xbd: {  	v6 =	vshll.u32 v13, $0x3;
	[tilespmem:v5+s16+$0x0] =	vst.idx.msk $0xffff, v2;
	v2 =	vld [tilespmem:s18+$0xFFFFFFA0];
	v15 =	vor.u32 v0, v15;
	v4 =	vor.u32 $0x4, v4  }
0xbe: {  	v12 =	vld [tilespmem:s18+$0x0];
	v5 =	vor.u32 v0, v6;
	v6 =	vshll.u32 v14, $0x3;
	[tilespmem:v7+s16+$0x0] =	vst.idx.msk $0xffff, v3;
	v13 =	vor.u32 $0x4, v15  }
0xbf: {  	v3 =	vld [tilespmem:s18+$0xFFFFFFB0];
	v7 =	vshll.u32 v16, $0x3;
	v5 =	vor.u32 $0x4, v5;
	v6 =	vor.u32 v0, v6;
	[tilespmem:v9+s16+$0x0] =	vst.idx.msk $0xffff, v8  }
0xc0: {  	v8 =	vld [tilespmem:s18+$0xFFFFFFC0];
	v7 =	vor.u32 v0, v7;
	v6 =	vor.u32 $0x4, v6;
	[tilespmem:v11+s16+$0x0] =	vst.idx.msk $0xffff, v10;
	v11 =	vshll.u32 v18, $0x3  }
0xc1: {  	v9 =	vshll.u32 v17, $0x3;
	v10 =	vld [tilespmem:s18+$0xFFFFFFD0];
	v7 =	vor.u32 $0x4, v7;
	v11 =	vor.u32 v0, v11  }
0xc2: {  	v1 =	vshll.u32 v1, $0x3;
	v9 =	vor.u32 v0, v9;
	[tilespmem:v4+s16+$0x0] =	vst.idx.msk $0xffff, v2;
	v2 =	vld [tilespmem:s18+$0xFFFFFFF0];
	v4 =	vor.u32 $0x4, v11  }
0xc3: {  	v1 =	vor.u32 v0, v1;
	v14 =	vld [tilespmem:s18+$0xFFFFFFE0];
	v9 =	vor.u32 $0x4, v9;
	[tilespmem:v13+s16+$0x0] =	vst.idx.msk $0xffff, v12  }
0xc4: {  	v1 =	vor.u32 $0x4, v1;
	v11 =	vld [tilespmem:s18+$0xFFFFFF90];
	[tilespmem:v5+s16+$0x0] =	vst.idx.msk $0xffff, v3  }
0xc5: {  	s24 =	simm.s32 $0x20;
	s26 =	simm.s32 $0x30;
	[tilespmem:v6+s16+$0x0] =	vst.idx.msk $0xffff, v8  }
0xc6: {  	s25 =	simm.s32 $0x70;
	s28 =	simm.s32 $0x40;
	s30 =	simm.s32 $0x60;
	v3 =	vmov s24;
	v5 =	vmov s26;
	[tilespmem:v7+s16+$0x0] =	vst.idx.msk $0xffff, v10  }
0xc7: {  	s23 =	simm.s32 $0x10;
	s29 =	simm.s32 $0x50;
	v12 =	vmov s30;
	v6 =	vmov s28;
	[tilespmem:v4+s16+$0x0] =	vst.idx.msk $0xffff, v2;
	v4 =	vmov s25  }
0xc8: {  	v7 =	vmov s29;
	[tilespmem:v9+s16+$0x0] =	vst.idx.msk $0xffff, v14;
	v2 =	vmov s23;
	v4 =	vshll.u32 v4, $0x3  }
0xc9: {  	s18 =	sadd.s32 $0x2870, s17;
	v3 =	vshll.u32 v3, $0x3;
	[tilespmem:v1+s16+$0x0] =	vst.idx.msk $0xffff, v11;
	v2 =	vshll.u32 v2, $0x3;
	v4 =	vor.u32 v0, v4  }
0xca: {  	v12 =	vshll.u32 v12, $0x3;
	v8 =	vld [tilespmem:s18+$0x0];
	v2 =	vor.u32 v0, v2;
	v9 =	vor.u32 $0x5, v4  }
0xcb: {  	v10 =	vld [tilespmem:s18+$0xFFFFFFA0];
	v11 =	vor.u32 $0x5, v2;
	v2 =	vor.u32 v0, v3;
	v3 =	vshll.u32 v5, $0x3  }
0xcc: {  	v13 =	vld [tilespmem:s18+$0xFFFFFFB0];
	v14 =	vor.u32 $0x5, v2;
	v2 =	vor.u32 v0, v3;
	v3 =	vshll.u32 v6, $0x3  }
0xcd: {  	s22 =	simm.s32 $0x0;
	v7 =	vshll.u32 v7, $0x3;
	v4 =	vld [tilespmem:s18+$0xFFFFFFC0];
	v6 =	vor.u32 $0x5, v2;
	v3 =	vor.u32 v0, v3  }
0xce: {  	v7 =	vor.u32 v0, v7;
	v1 =	vmov s22;
	v2 =	vld [tilespmem:s18+$0xFFFFFFD0];
	v5 =	vor.u32 $0x5, v3  }
0xcf: {  	v12 =	vor.u32 v0, v12;
	v7 =	vor.u32 $0x5, v7;
	v1 =	vshll.u32 v1, $0x3;
	v3 =	vld [tilespmem:s18+$0xFFFFFFE0];
	[tilespmem:v9+s16+$0x0] =	vst.idx.msk $0xffff, v8  }
0xd0: {  	s19 =	simm.s32 $0x80;
	s31 =	simm.s32 $0x90;
	s21 =	simm.s32 $0xA0;
	v15 =	vor.u32 v0, v1;
	[tilespmem:v11+s16+$0x0] =	vst.idx.msk $0xffff, v10;
	v8 =	vld [tilespmem:s18+$0xFFFFFFF0];
	v9 =	vor.u32 $0x5, v12  }
0xd1: {  	s20 =	simm.s32 $0x100;
	s23 =	simm.s32 $0xB0;
	s22 =	simm.s32 $0xF0;
	v1 =	vmov s19;
	v12 =	vmov s31;
	v10 =	vld [tilespmem:s18+$0xFFFFFF90];
	v11 =	vor.u32 $0x5, v15;
	[tilespmem:v14+s16+$0x0] =	vst.idx.msk $0xffff, v13  }
.LBB2_15:
0xd2: {  	p0 =	slt.u32 s20, $0x780;
	v13 =	vmov s21;
	v14 =	vmov s23;
	s21 =	sadd.s32 $0x40, s19;
	s23 =	sadd.s32 $0x50, s19;
	v15 =	vmov s22;
	[tilespmem:v6+s16+$0x0] =	vst.idx.msk $0xffff, v4  }
0xd3: {  	v4 =	vmov s21;
	v16 =	vmov s23;
	s21 =	sadd.s32 $0x60, s19;
	v6 =	vshll.u32 v15, $0x3;
	[tilespmem:v5+s16+$0x0] =	vst.idx.msk $0xffff, v2;
	s19 =	smov.u32 s20  }
0xd4: {  	s18 =	sadd.s32 $0x80, s18;
	v2 =	vshll.u32 v12, $0x3;
	v12 =	vmov s21;
	v5 =	vor.u32 v0, v6;
	[tilespmem:v7+s16+$0x0] =	vst.idx.msk $0xffff, v3  }
0xd5: {  	v2 =	vor.u32 v0, v2;
	v3 =	vshll.u32 v13, $0x3;
	v13 =	vld [tilespmem:s18+$0x0];
	v15 =	vor.u32 $0x5, v5;
	[tilespmem:v9+s16+$0x0] =	vst.idx.msk $0xffff, v8  }
0xd6: {  	v9 =	vor.u32 $0x5, v2;
	v2 =	vor.u32 v0, v3;
	v3 =	vshll.u32 v14, $0x3;
	v8 =	vld [tilespmem:s18+$0xFFFFFFA0];
	[tilespmem:v11+s16+$0x0] =	vst.idx.msk $0xffff, v10  }
0xd7: {  	v17 =	vor.u32 $0x5, v2;
	v2 =	vor.u32 v0, v3;
	v3 =	vshll.u32 v4, $0x3;
	v14 =	vld [tilespmem:s18+$0xFFFFFFB0]  }
.Ltmp6:
0xd8: {  	v7 =	vshll.u32 v16, $0x3;
	v6 =	vor.u32 $0x5, v2;
	v3 =	vor.u32 v0, v3;
	v4 =	vld [tilespmem:s18+$0xFFFFFFC0];
	(pc) =	sbr.rel @p0 .LBB2_15-.Ltmp6, $4  }
0xd9: {  	v7 =	vor.u32 v0, v7;
	v10 =	vshll.u32 v12, $0x3;
	v5 =	vor.u32 $0x5, v3;
	v2 =	vld [tilespmem:s18+$0xFFFFFFD0]  }
0xda: {  	v1 =	vshll.u32 v1, $0x3;
	v7 =	vor.u32 $0x5, v7;
	v10 =	vor.u32 v0, v10;
	v3 =	vld [tilespmem:s18+$0xFFFFFFE0];
	[tilespmem:v15+s16+$0x0] =	vst.idx.msk $0xffff, v13  }
0xdb: {  	s22 =	sadd.s32 $0x10, s20;
	s21 =	sadd.s32 $0x20, s20;
	v11 =	vor.u32 v0, v1;
	[tilespmem:v9+s16+$0x0] =	vst.idx.msk $0xffff, v8;
	v8 =	vld [tilespmem:s18+$0xFFFFFFF0];
	v9 =	vor.u32 $0x5, v10  }
0xdc: {  	s23 =	sadd.s32 $0x30, s19;
	s20 =	sadd.s32 $0x80, s20;
	v1 =	vmov s19;
	v12 =	vmov s22;
	s22 =	sadd.s32 $0x70, s19;
	v11 =	vor.u32 $0x5, v11;
	v10 =	vld [tilespmem:s18+$0xFFFFFF90];
	[tilespmem:v17+s16+$0x0] =	vst.idx.msk $0xffff, v14  }
0xdd: {  	_ =	sdelay $0x1  }
0xde: {  	v13 =	vmov s21;
	v14 =	vmov s23;
	s20 =	sadd.s32 $0x40, s19;
	s31 =	sadd.s32 $0x50, s19;
	v15 =	vmov s22  }
0xdf: {  	s21 =	sadd.s32 $0x60, s19;
	v12 =	vshll.u32 v12, $0x3;
	v16 =	vmov s20;
	v17 =	vmov s31  }
0xe0: {  	s18 =	sadd.s32 $0x80, s18;
	[tilespmem:v6+s16+$0x0] =	vst.idx.msk $0xffff, v4;
	v15 =	vshll.u32 v15, $0x3;
	v18 =	vmov s21;
	v4 =	vor.u32 v0, v12  }
0xe1: {  	v6 =	vshll.u32 v13, $0x3;
	[tilespmem:v5+s16+$0x0] =	vst.idx.msk $0xffff, v2;
	v2 =	vld [tilespmem:s18+$0xFFFFFFA0];
	v15 =	vor.u32 v0, v15;
	v4 =	vor.u32 $0x5, v4  }
0xe2: {  	v12 =	vld [tilespmem:s18+$0x0];
	v5 =	vor.u32 v0, v6;
	v6 =	vshll.u32 v14, $0x3;
	[tilespmem:v7+s16+$0x0] =	vst.idx.msk $0xffff, v3;
	v13 =	vor.u32 $0x5, v15  }
0xe3: {  	v3 =	vld [tilespmem:s18+$0xFFFFFFB0];
	v7 =	vshll.u32 v16, $0x3;
	v5 =	vor.u32 $0x5, v5;
	v6 =	vor.u32 v0, v6;
	[tilespmem:v9+s16+$0x0] =	vst.idx.msk $0xffff, v8  }
0xe4: {  	v8 =	vld [tilespmem:s18+$0xFFFFFFC0];
	v7 =	vor.u32 v0, v7;
	v6 =	vor.u32 $0x5, v6;
	[tilespmem:v11+s16+$0x0] =	vst.idx.msk $0xffff, v10;
	v11 =	vshll.u32 v18, $0x3  }
0xe5: {  	v9 =	vshll.u32 v17, $0x3;
	v10 =	vld [tilespmem:s18+$0xFFFFFFD0];
	v7 =	vor.u32 $0x5, v7;
	v11 =	vor.u32 v0, v11  }
0xe6: {  	v1 =	vshll.u32 v1, $0x3;
	v9 =	vor.u32 v0, v9;
	[tilespmem:v4+s16+$0x0] =	vst.idx.msk $0xffff, v2;
	v2 =	vld [tilespmem:s18+$0xFFFFFFF0];
	v4 =	vor.u32 $0x5, v11  }
0xe7: {  	v1 =	vor.u32 v0, v1;
	v14 =	vld [tilespmem:s18+$0xFFFFFFE0];
	v9 =	vor.u32 $0x5, v9;
	[tilespmem:v13+s16+$0x0] =	vst.idx.msk $0xffff, v12  }
0xe8: {  	v1 =	vor.u32 $0x5, v1;
	v11 =	vld [tilespmem:s18+$0xFFFFFF90];
	[tilespmem:v5+s16+$0x0] =	vst.idx.msk $0xffff, v3  }
0xe9: {  	s24 =	simm.s32 $0x20;
	s26 =	simm.s32 $0x30;
	[tilespmem:v6+s16+$0x0] =	vst.idx.msk $0xffff, v8  }
0xea: {  	s25 =	simm.s32 $0x70;
	s28 =	simm.s32 $0x40;
	s30 =	simm.s32 $0x60;
	v3 =	vmov s24;
	v5 =	vmov s26;
	[tilespmem:v7+s16+$0x0] =	vst.idx.msk $0xffff, v10  }
0xeb: {  	s23 =	simm.s32 $0x10;
	s29 =	simm.s32 $0x50;
	v12 =	vmov s30;
	v6 =	vmov s28;
	[tilespmem:v4+s16+$0x0] =	vst.idx.msk $0xffff, v2;
	v4 =	vmov s25  }
0xec: {  	v7 =	vmov s29;
	[tilespmem:v9+s16+$0x0] =	vst.idx.msk $0xffff, v14;
	v2 =	vmov s23;
	v4 =	vshll.u32 v4, $0x3  }
0xed: {  	s18 =	sadd.s32 $0x3070, s17;
	v3 =	vshll.u32 v3, $0x3;
	[tilespmem:v1+s16+$0x0] =	vst.idx.msk $0xffff, v11;
	v2 =	vshll.u32 v2, $0x3;
	v4 =	vor.u32 v0, v4  }
0xee: {  	v12 =	vshll.u32 v12, $0x3;
	v8 =	vld [tilespmem:s18+$0x0];
	v2 =	vor.u32 v0, v2;
	v9 =	vor.u32 $0x6, v4  }
0xef: {  	v10 =	vld [tilespmem:s18+$0xFFFFFFA0];
	v11 =	vor.u32 $0x6, v2;
	v2 =	vor.u32 v0, v3;
	v3 =	vshll.u32 v5, $0x3  }
0xf0: {  	v13 =	vld [tilespmem:s18+$0xFFFFFFB0];
	v14 =	vor.u32 $0x6, v2;
	v2 =	vor.u32 v0, v3;
	v3 =	vshll.u32 v6, $0x3  }
0xf1: {  	s22 =	simm.s32 $0x0;
	v7 =	vshll.u32 v7, $0x3;
	v4 =	vld [tilespmem:s18+$0xFFFFFFC0];
	v6 =	vor.u32 $0x6, v2;
	v3 =	vor.u32 v0, v3  }
0xf2: {  	v7 =	vor.u32 v0, v7;
	v1 =	vmov s22;
	v2 =	vld [tilespmem:s18+$0xFFFFFFD0];
	v5 =	vor.u32 $0x6, v3  }
0xf3: {  	v12 =	vor.u32 v0, v12;
	v7 =	vor.u32 $0x6, v7;
	v1 =	vshll.u32 v1, $0x3;
	v3 =	vld [tilespmem:s18+$0xFFFFFFE0];
	[tilespmem:v9+s16+$0x0] =	vst.idx.msk $0xffff, v8  }
0xf4: {  	s19 =	simm.s32 $0x80;
	s31 =	simm.s32 $0x90;
	s21 =	simm.s32 $0xA0;
	v15 =	vor.u32 v0, v1;
	[tilespmem:v11+s16+$0x0] =	vst.idx.msk $0xffff, v10;
	v8 =	vld [tilespmem:s18+$0xFFFFFFF0];
	v9 =	vor.u32 $0x6, v12  }
0xf5: {  	s20 =	simm.s32 $0x100;
	s23 =	simm.s32 $0xB0;
	s22 =	simm.s32 $0xF0;
	v1 =	vmov s19;
	v12 =	vmov s31;
	v10 =	vld [tilespmem:s18+$0xFFFFFF90];
	v11 =	vor.u32 $0x6, v15;
	[tilespmem:v14+s16+$0x0] =	vst.idx.msk $0xffff, v13  }
.LBB2_17:
0xf6: {  	p0 =	slt.u32 s20, $0x780;
	v13 =	vmov s21;
	v14 =	vmov s23;
	s21 =	sadd.s32 $0x40, s19;
	s23 =	sadd.s32 $0x50, s19;
	v15 =	vmov s22;
	[tilespmem:v6+s16+$0x0] =	vst.idx.msk $0xffff, v4  }
0xf7: {  	v4 =	vmov s21;
	v16 =	vmov s23;
	s21 =	sadd.s32 $0x60, s19;
	v6 =	vshll.u32 v15, $0x3;
	[tilespmem:v5+s16+$0x0] =	vst.idx.msk $0xffff, v2;
	s19 =	smov.u32 s20  }
0xf8: {  	s18 =	sadd.s32 $0x80, s18;
	v2 =	vshll.u32 v12, $0x3;
	v12 =	vmov s21;
	v5 =	vor.u32 v0, v6;
	[tilespmem:v7+s16+$0x0] =	vst.idx.msk $0xffff, v3  }
0xf9: {  	v2 =	vor.u32 v0, v2;
	v3 =	vshll.u32 v13, $0x3;
	v13 =	vld [tilespmem:s18+$0x0];
	v15 =	vor.u32 $0x6, v5;
	[tilespmem:v9+s16+$0x0] =	vst.idx.msk $0xffff, v8  }
0xfa: {  	v9 =	vor.u32 $0x6, v2;
	v2 =	vor.u32 v0, v3;
	v3 =	vshll.u32 v14, $0x3;
	v8 =	vld [tilespmem:s18+$0xFFFFFFA0];
	[tilespmem:v11+s16+$0x0] =	vst.idx.msk $0xffff, v10  }
0xfb: {  	v17 =	vor.u32 $0x6, v2;
	v2 =	vor.u32 v0, v3;
	v3 =	vshll.u32 v4, $0x3;
	v14 =	vld [tilespmem:s18+$0xFFFFFFB0]  }
.Ltmp7:
0xfc: {  	v7 =	vshll.u32 v16, $0x3;
	v6 =	vor.u32 $0x6, v2;
	v3 =	vor.u32 v0, v3;
	v4 =	vld [tilespmem:s18+$0xFFFFFFC0];
	(pc) =	sbr.rel @p0 .LBB2_17-.Ltmp7, $4  }
0xfd: {  	v7 =	vor.u32 v0, v7;
	v10 =	vshll.u32 v12, $0x3;
	v5 =	vor.u32 $0x6, v3;
	v2 =	vld [tilespmem:s18+$0xFFFFFFD0]  }
0xfe: {  	v1 =	vshll.u32 v1, $0x3;
	v7 =	vor.u32 $0x6, v7;
	v10 =	vor.u32 v0, v10;
	v3 =	vld [tilespmem:s18+$0xFFFFFFE0];
	[tilespmem:v15+s16+$0x0] =	vst.idx.msk $0xffff, v13  }
0xff: {  	s22 =	sadd.s32 $0x10, s20;
	s21 =	sadd.s32 $0x20, s20;
	v11 =	vor.u32 v0, v1;
	[tilespmem:v9+s16+$0x0] =	vst.idx.msk $0xffff, v8;
	v8 =	vld [tilespmem:s18+$0xFFFFFFF0];
	v9 =	vor.u32 $0x6, v10  }
0x100: {  	s23 =	sadd.s32 $0x30, s19;
	s20 =	sadd.s32 $0x80, s20;
	v1 =	vmov s19;
	v12 =	vmov s22;
	s22 =	sadd.s32 $0x70, s19;
	v11 =	vor.u32 $0x6, v11;
	v10 =	vld [tilespmem:s18+$0xFFFFFF90];
	[tilespmem:v17+s16+$0x0] =	vst.idx.msk $0xffff, v14  }
0x101: {  	_ =	sdelay $0x1  }
0x102: {  	v13 =	vmov s21;
	v14 =	vmov s23;
	s20 =	sadd.s32 $0x40, s19;
	s31 =	sadd.s32 $0x50, s19;
	v15 =	vmov s22  }
0x103: {  	s21 =	sadd.s32 $0x60, s19;
	v12 =	vshll.u32 v12, $0x3;
	v16 =	vmov s20;
	v17 =	vmov s31  }
0x104: {  	s18 =	sadd.s32 $0x80, s18;
	[tilespmem:v6+s16+$0x0] =	vst.idx.msk $0xffff, v4;
	v15 =	vshll.u32 v15, $0x3;
	v18 =	vmov s21;
	v4 =	vor.u32 v0, v12  }
0x105: {  	v6 =	vshll.u32 v13, $0x3;
	[tilespmem:v5+s16+$0x0] =	vst.idx.msk $0xffff, v2;
	v2 =	vld [tilespmem:s18+$0xFFFFFFA0];
	v15 =	vor.u32 v0, v15;
	v4 =	vor.u32 $0x6, v4  }
0x106: {  	v12 =	vld [tilespmem:s18+$0x0];
	v5 =	vor.u32 v0, v6;
	v6 =	vshll.u32 v14, $0x3;
	[tilespmem:v7+s16+$0x0] =	vst.idx.msk $0xffff, v3;
	v13 =	vor.u32 $0x6, v15  }
0x107: {  	v3 =	vld [tilespmem:s18+$0xFFFFFFB0];
	v7 =	vshll.u32 v16, $0x3;
	v5 =	vor.u32 $0x6, v5;
	v6 =	vor.u32 v0, v6;
	[tilespmem:v9+s16+$0x0] =	vst.idx.msk $0xffff, v8  }
0x108: {  	v8 =	vld [tilespmem:s18+$0xFFFFFFC0];
	v7 =	vor.u32 v0, v7;
	v6 =	vor.u32 $0x6, v6;
	[tilespmem:v11+s16+$0x0] =	vst.idx.msk $0xffff, v10;
	v11 =	vshll.u32 v18, $0x3  }
0x109: {  	v9 =	vshll.u32 v17, $0x3;
	v10 =	vld [tilespmem:s18+$0xFFFFFFD0];
	v7 =	vor.u32 $0x6, v7;
	v11 =	vor.u32 v0, v11  }
0x10a: {  	v1 =	vshll.u32 v1, $0x3;
	v9 =	vor.u32 v0, v9;
	[tilespmem:v4+s16+$0x0] =	vst.idx.msk $0xffff, v2;
	v2 =	vld [tilespmem:s18+$0xFFFFFFF0];
	v4 =	vor.u32 $0x6, v11  }
0x10b: {  	v1 =	vor.u32 v0, v1;
	v14 =	vld [tilespmem:s18+$0xFFFFFFE0];
	v9 =	vor.u32 $0x6, v9;
	[tilespmem:v13+s16+$0x0] =	vst.idx.msk $0xffff, v12  }
0x10c: {  	v1 =	vor.u32 $0x6, v1;
	v11 =	vld [tilespmem:s18+$0xFFFFFF90];
	[tilespmem:v5+s16+$0x0] =	vst.idx.msk $0xffff, v3  }
0x10d: {  	s24 =	simm.s32 $0x20;
	s26 =	simm.s32 $0x30;
	[tilespmem:v6+s16+$0x0] =	vst.idx.msk $0xffff, v8  }
0x10e: {  	s25 =	simm.s32 $0x70;
	s28 =	simm.s32 $0x40;
	s30 =	simm.s32 $0x60;
	v3 =	vmov s24;
	v5 =	vmov s26;
	[tilespmem:v7+s16+$0x0] =	vst.idx.msk $0xffff, v10  }
0x10f: {  	s23 =	simm.s32 $0x10;
	s29 =	simm.s32 $0x50;
	v12 =	vmov s30;
	v6 =	vmov s28;
	[tilespmem:v4+s16+$0x0] =	vst.idx.msk $0xffff, v2;
	v4 =	vmov s25  }
0x110: {  	v7 =	vmov s29;
	[tilespmem:v9+s16+$0x0] =	vst.idx.msk $0xffff, v14;
	v2 =	vmov s23;
	v4 =	vshll.u32 v4, $0x3  }
0x111: {  	s17 =	sadd.s32 $0x3870, s17;
	v3 =	vshll.u32 v3, $0x3;
	[tilespmem:v1+s16+$0x0] =	vst.idx.msk $0xffff, v11;
	v2 =	vshll.u32 v2, $0x3;
	v4 =	vor.u32 v0, v4  }
0x112: {  	v12 =	vshll.u32 v12, $0x3;
	v8 =	vld [tilespmem:s17+$0x0];
	v2 =	vor.u32 v0, v2;
	v9 =	vor.u32 $0x7, v4  }
0x113: {  	v10 =	vld [tilespmem:s17+$0xFFFFFFA0];
	v11 =	vor.u32 $0x7, v2;
	v2 =	vor.u32 v0, v3;
	v3 =	vshll.u32 v5, $0x3  }
0x114: {  	v13 =	vld [tilespmem:s17+$0xFFFFFFB0];
	v14 =	vor.u32 $0x7, v2;
	v2 =	vor.u32 v0, v3;
	v3 =	vshll.u32 v6, $0x3  }
0x115: {  	s22 =	simm.s32 $0x0;
	v7 =	vshll.u32 v7, $0x3;
	v4 =	vld [tilespmem:s17+$0xFFFFFFC0];
	v6 =	vor.u32 $0x7, v2;
	v3 =	vor.u32 v0, v3  }
0x116: {  	v7 =	vor.u32 v0, v7;
	v1 =	vmov s22;
	v2 =	vld [tilespmem:s17+$0xFFFFFFD0];
	v5 =	vor.u32 $0x7, v3  }
0x117: {  	v12 =	vor.u32 v0, v12;
	v7 =	vor.u32 $0x7, v7;
	v1 =	vshll.u32 v1, $0x3;
	v3 =	vld [tilespmem:s17+$0xFFFFFFE0];
	[tilespmem:v9+s16+$0x0] =	vst.idx.msk $0xffff, v8  }
0x118: {  	s19 =	simm.s32 $0x100;
	s31 =	simm.s32 $0x90;
	s18 =	simm.s32 $0x80;
	v15 =	vor.u32 v0, v1;
	[tilespmem:v11+s16+$0x0] =	vst.idx.msk $0xffff, v10;
	v8 =	vld [tilespmem:s17+$0xFFFFFFF0];
	v9 =	vor.u32 $0x7, v12  }
0x119: {  	s20 =	simm.s32 $0xA0;
	s21 =	simm.s32 $0xF0;
	s22 =	simm.s32 $0xB0;
	v1 =	vmov s18;
	v12 =	vmov s31;
	v10 =	vld [tilespmem:s17+$0xFFFFFF90];
	v11 =	vor.u32 $0x7, v15;
	[tilespmem:v14+s16+$0x0] =	vst.idx.msk $0xffff, v13  }
.LBB2_19:
0x11a: {  	p0 =	slt.u32 s19, $0x780;
	v13 =	vmov s20;
	v14 =	vmov s22;
	s20 =	sadd.s32 $0x40, s18;
	s22 =	sadd.s32 $0x50, s18;
	v15 =	vmov s21;
	[tilespmem:v6+s16+$0x0] =	vst.idx.msk $0xffff, v4  }
0x11b: {  	v4 =	vmov s20;
	v16 =	vmov s22;
	s20 =	sadd.s32 $0x60, s18;
	v6 =	vshll.u32 v15, $0x3;
	[tilespmem:v5+s16+$0x0] =	vst.idx.msk $0xffff, v2;
	s18 =	smov.u32 s19  }
0x11c: {  	s17 =	sadd.s32 $0x80, s17;
	v2 =	vshll.u32 v12, $0x3;
	v12 =	vmov s20;
	v5 =	vor.u32 v0, v6;
	[tilespmem:v7+s16+$0x0] =	vst.idx.msk $0xffff, v3  }
0x11d: {  	v2 =	vor.u32 v0, v2;
	v3 =	vshll.u32 v13, $0x3;
	v13 =	vld [tilespmem:s17+$0x0];
	v15 =	vor.u32 $0x7, v5;
	[tilespmem:v9+s16+$0x0] =	vst.idx.msk $0xffff, v8  }
0x11e: {  	v9 =	vor.u32 $0x7, v2;
	v2 =	vor.u32 v0, v3;
	v3 =	vshll.u32 v14, $0x3;
	v8 =	vld [tilespmem:s17+$0xFFFFFFA0];
	[tilespmem:v11+s16+$0x0] =	vst.idx.msk $0xffff, v10  }
0x11f: {  	v17 =	vor.u32 $0x7, v2;
	v2 =	vor.u32 v0, v3;
	v3 =	vshll.u32 v4, $0x3;
	v14 =	vld [tilespmem:s17+$0xFFFFFFB0]  }
.Ltmp8:
0x120: {  	v7 =	vshll.u32 v16, $0x3;
	v6 =	vor.u32 $0x7, v2;
	v3 =	vor.u32 v0, v3;
	v4 =	vld [tilespmem:s17+$0xFFFFFFC0];
	(pc) =	sbr.rel @p0 .LBB2_19-.Ltmp8, $4  }
0x121: {  	v7 =	vor.u32 v0, v7;
	v10 =	vshll.u32 v12, $0x3;
	v5 =	vor.u32 $0x7, v3;
	v2 =	vld [tilespmem:s17+$0xFFFFFFD0]  }
0x122: {  	v1 =	vshll.u32 v1, $0x3;
	v7 =	vor.u32 $0x7, v7;
	v10 =	vor.u32 v0, v10;
	v3 =	vld [tilespmem:s17+$0xFFFFFFE0];
	[tilespmem:v15+s16+$0x0] =	vst.idx.msk $0xffff, v13  }
0x123: {  	s21 =	sadd.s32 $0x10, s19;
	s20 =	sadd.s32 $0x20, s19;
	v11 =	vor.u32 v0, v1;
	[tilespmem:v9+s16+$0x0] =	vst.idx.msk $0xffff, v8;
	v8 =	vld [tilespmem:s17+$0xFFFFFFF0];
	v9 =	vor.u32 $0x7, v10  }
0x124: {  	s22 =	sadd.s32 $0x30, s18;
	s19 =	sadd.s32 $0x80, s19;
	v1 =	vmov s18;
	v12 =	vmov s21;
	s21 =	sadd.s32 $0x70, s18;
	v11 =	vor.u32 $0x7, v11;
	v10 =	vld [tilespmem:s17+$0xFFFFFF90];
	[tilespmem:v17+s16+$0x0] =	vst.idx.msk $0xffff, v14  }
0x125: {  	_ =	sdelay $0x1  }
0x126: {  	v13 =	vmov s20;
	v14 =	vmov s22;
	s19 =	sadd.s32 $0x40, s18;
	v15 =	vmov s21  }
0x127: {  	s30 =	sadd.s32 $0x50, s18;
	v12 =	vshll.u32 v12, $0x3;
	v1 =	vshll.u32 v1, $0x3;
	v16 =	vmov s19  }
0x128: {  	s31 =	sadd.s32 $0x60, s18;
	s17 =	sadd.s32 $0x80, s17;
	[tilespmem:v6+s16+$0x0] =	vst.idx.msk $0xffff, v4;
	v17 =	vmov s30;
	v15 =	vshll.u32 v15, $0x3;
	v50 =	vor.u32 v0, v12  }
0x129: {  	v18 =	vmov s31;
	[tilespmem:v5+s16+$0x0] =	vst.idx.msk $0xffff, v2;
	v2 =	vld [tilespmem:s17+$0xFFFFFFA0];
	v1 =	vor.u32 v0, v1;
	v4 =	vor.u32 $0x7, v50  }
0x12a: {  	v51 =	vshll.u32 v13, $0x3;
	v63 =	vld [tilespmem:s17+$0xFFFFFF90];
	v15 =	vor.u32 v0, v15;
	v1 =	vor.u32 $0x7, v1  }
0x12b: {  	v52 =	vld [tilespmem:s17+$0x0];
	v55 =	vshll.u32 v14, $0x3;
	v54 =	vor.u32 v0, v51;
	[tilespmem:v7+s16+$0x0] =	vst.idx.msk $0xffff, v3;
	v53 =	vor.u32 $0x7, v15  }
0x12c: {  	v3 =	vld [tilespmem:s17+$0xFFFFFFB0];
	v6 =	vor.u32 v0, v55;
	v56 =	vshll.u32 v16, $0x3;
	v5 =	vor.u32 $0x7, v54;
	[tilespmem:v9+s16+$0x0] =	vst.idx.msk $0xffff, v8  }
0x12d: {  	v57 =	vld [tilespmem:s17+$0xFFFFFFC0];
	v58 =	vshll.u32 v17, $0x3;
	v6 =	vor.u32 $0x7, v6;
	v7 =	vor.u32 v0, v56;
	[tilespmem:v11+s16+$0x0] =	vst.idx.msk $0xffff, v10  }
0x12e: {  	v59 =	vld [tilespmem:s17+$0xFFFFFFD0];
	v60 =	vshll.u32 v18, $0x3;
	v9 =	vor.u32 v0, v58;
	v7 =	vor.u32 $0x7, v7;
	[tilespmem:v4+s16+$0x0] =	vst.idx.msk $0xffff, v2  }
0x12f: {  	v61 =	vld [tilespmem:s17+$0xFFFFFFE0];
	v9 =	vor.u32 $0x7, v9;
	v11 =	vor.u32 v0, v60;
	[tilespmem:v1+s16+$0x0] =	vst.idx.msk $0xffff, v63  }
0x130: {  	v62 =	vor.u32 $0x7, v11;
	v2 =	vld [tilespmem:s17+$0xFFFFFFF0];
	[tilespmem:v53+s16+$0x0] =	vst.idx.msk $0xffff, v52  }
0x131: {  	[tilespmem:v5+s16+$0x0] =	vst.idx.msk $0xffff, v3  }
0x132: {  	p0 =	sne.s32 s13, $0x20;
	[tilespmem:v6+s16+$0x0] =	vst.idx.msk $0xffff, v57  }
.Ltmp9:
0x133: {  	[tilespmem:v7+s16+$0x0] =	vst.idx.msk $0xffff, v59;
	(pc) =	sbr.rel @p0 .LBB2_2-.Ltmp9, $4  }
0x134: {  	s14 =	sshll.u32 s14, $0xB;
	s15 =	sshll.u32 s15, $0xE;
	[tilespmem:v9+s16+$0x0] =	vst.idx.msk $0xffff, v61  }
0x135: {  	s14 =	sadd.s32 s14, s6;
	s15 =	sor.u32 $0x8000, s15;
	[tilespmem:v62+s16+$0x0] =	vst.idx.msk $0xffff, v2  }
0x136: {  	[hbm4b:s14+s2] =	stream.linear.scatter [tilespmem:s15], [sflag:$0x2], $0x4000, $0x38;
	[tilespmem:$0x10000] =	vst v63  }
0x137: {  	s14 =	smov.u32 s13  }
0x138: {  	s12 =	sadd.s32 $0x1, s12  }
0x139: {  	_ =	swait.ge [sflag:s11], $0x4000;
	p0 =	sne.s32 s12, s7  }
.Ltmp10:
0x13a: {  	[sflag:s11] =	ssyncset.done $0x0;
	(pc) =	sbr.rel @p0 .LBB2_1-.Ltmp10, $4  }
0x13b: {  	[sflag:s11] =	ssyncadd.s32 $0xFFFFC000  }
0x13c: {  	_ =	swait.ge [sflag:s11], $0x4000  }
0x13d: {  	[sflag:s11] =	ssyncset.done $0x0  }
0x13e: {  	[sflag:s11] =	ssyncadd.s32 $0xFFFFC000  }
0x13f: {  	_ =	sfence.sel $0x180000  }
0x140: {  	[bflag:$0x0] =	sbarrier.arrive $0xFFFF  }
0x141: {  	p0 =	sne.s32 s1, $0x0;
	_ =	strace $0x9000004A  }
0x142: {  	s0 =	sadd.s32 @!p0 $0x100000, s0;
	[bflag:$0x2] =	sbarrier.arrive $0xFFFF  }
0x143: {  	[sflag:s0] =	ssyncadd.tile.s32 @!p0 $0x1;
	_ =	shalt  }
.Lfunc_end2:
_tile_overlayer_lowered:
.L_overlay_start_2:
0x144: {  	(tag) =	ssettag $0x2  }
0x145: {  	s0 =	rddreg [dreg:$0x0];
	s2 =	stileid.u32  }
0x146: {  	s1 =	rddreg [dreg:$0x1];
	p0 =	sne.s32 s2, $0x0  }
0x147: {  	s3 =	rddreg [dreg:$0x2];
	[bflag:$0x3] =	sbarrier.arrive $0xFFFF;
	s2 =	simm.s32 @!p0 $0x1C03  }
0x148: {  	[timem:s3], [sflag:s2] =	dma.local @!p0 [hbm:s0], s1  }
0x149: {  	s0 =	simm.s32 @!p0 $0x3  }
0x14a: {  	_ =	swait.ge @!p0 [sflag:s0], s1  }
0x14b: {  	s1 =	ssub.s32 @!p0 $0x0, s1;
	[sflag:s0] =	ssyncset.done @!p0 $0x0  }
0x14c: {  	[sflag:s0] =	ssyncadd.s32 @!p0 s1  }
0x14d: {  	[bflag:$0x3] =	sbarrier.arrive $0xFFFF  }
0x14e: {  	_ =	shalt  }

// kernel: kernel.8.cloned.1.call-start
scs
__scs_entry_jumppad:
0x0: {  	(pc) =	sbr.rel $0x88, $3  }
0x1: {  	(tag) =	ssettag $0x0;
	lr =	simm.s32 $0x1  }
0x2: {  	[smem:$0x3F9D] =	sst lr;
	_ =	strace $0xD0000000  }
0x3: {  	_ = 	snop  }
0x4: {  	_ = 	snop  }
0x5: {  	_ = 	snop  }
0x6: {  	_ = 	snop  }
0x7: {  	_ = 	snop  }
__scs_overlays_trampoline_lowered:
0x8: {  	[smem:$0x3FAC] =	sst s0  }
0x9: {  	[smem:$0x3FAD] =	sst s1  }
0xa: {  	[smem:$0x3FAE] =	sst s2  }
0xb: {  	[smem:$0x3FAF] =	sst s3  }
0xc: {  	[smem:$0x3FB0] =	sst s4  }
0xd: {  	[smem:$0x3FB1] =	sst s5  }
0xe: {  	[smem:$0x3FB2] =	sst s6  }
0xf: {  	[smem:$0x3FB3] =	sst s7  }
0x10: {  	[smem:$0x3FB4] =	sst s8  }
0x11: {  	[smem:$0x3FB5] =	sst s9;
	s0 =	simm.s32 @!p0 $0x0  }
0x12: {  	s1 =	sld [smem:$0x3F9B];
	s0 =	simm.s32 @p0 $0x1  }
0x13: {  	[smem:$0x3FB6] =	sst s0;
	s0 =	simm.s32 @!p1 $0x0  }
0x14: {  	s2 =	sld [smem:$0x3F9A];
	s0 =	simm.s32 @p1 $0x1  }
0x15: {  	[smem:$0x3FB7] =	sst s0;
	s0 =	simm.s32 @!p2 $0x0  }
0x16: {  	s3 =	sld [smem:$0x3FDB];
	s0 =	simm.s32 @p2 $0x1  }
0x17: {  	s4 =	simm.s32 $0x1BF5;
	[smem:$0x3FB9] =	sst s0  }
0x18: {  	s0 =	sld [smem:$0x3F9C];
	_ =	swait.ge [sflag:s4], $0x0  }
0x19: {  	s7 =	sld [smem:$0x3F9D]  }
0x1a: {  	s8 =	sadd.s32 $0xFFFFE003, lr  }
0x1b: {  	s9 =	sadd.s32 $0xFFFFFEF7, lr;
	s5 =	simm.s32 $0xFFFFFFFF;
	p2 =	slt.u32 s8, $0xFFFFF086  }
0x1c: {  	p1 =	slt.u32 s9, $0xF7A;
	s5 =	simm.s32 @!p2 $0x0  }
0x1d: {  	s5 =	simm.s32 @p1 $0x1;
	p0 =	seq.s32 s7, s2  }
0x1e: {  	s7 =	smul.u32 @!p0 $0xF7A, s2;
	p2 =	seq.s32 @!p0 s5, $0x0  }
0x1f: {  	s9 =	smul.u32 $0xF7A, s1;
	s8 =	simm.s32 @!p0 $0x1BF5;
	p2 =	por !p2, p0  }
0x20: {  	[sflag:s8] =	ssyncset.s32 @!p0 $0xFFFFF086;
	s6 =	sadd.s32 @!p0 s3, s7;
	s7 =	simm.s32 @!p0 $0x108  }
0x21: {  	s3 =	sadd.s32 s3, s9;
	s6 =	sadd.s32 @!p0 $0x88, s6;
	s7 =	simm.s32 @p2 $0x1082  }
0x22: {  	[simem:s7], [sflag:s8] =	dma.local @!p0 [hbm:s6], $0xF7A  }
0x23: {  	s9 =	sor.u32 $0xD0000000, s2;
	s6 =	simm.s32 $0x108;
	_ =	swait.ge @!p0 [sflag:s8], $0x0  }
0x24: {  	s3 =	sadd.s32 $0x88, s3;
	s6 =	simm.s32 @!p1 $0x1082;
	[sflag:s4] =	ssyncset.s32 $0xFFFFF086  }
0x25: {  	[simem:s6], [sflag:s4] =	dma.local [hbm:s3], $0xF7A  }
0x26: {  	[smem:$0x3F9D] =	sst s1;
	(tag) =	ssettag s2;
	_ =	strace s9  }
0x27: {  	s1 =	sld [smem:$0x3FAD]  }
0x28: {  	s2 =	sld [smem:$0x3FAE]  }
0x29: {  	s4 =	sld [smem:$0x3FB0]  }
0x2a: {  	p0 =	seq.s32 s5, $0x0;
	s5 =	sld [smem:$0x3FB1]  }
0x2b: {  	s6 =	sld [smem:$0x3FB2]  }
0x2c: {  	s7 =	sld [smem:$0x3FB3]  }
0x2d: {  	s3 =	simm.s32 $0x108;
	s8 =	sld [smem:$0x3FB4]  }
0x2e: {  	s3 =	simm.s32 @!p0 $0x1082;
	s9 =	sld [smem:$0x3FB5]  }
0x2f: {  	lr =	sadd.s32 s0, s3;
	s0 =	sld [smem:$0x3FAC]  }
0x30: {  	s3 =	sld [smem:$0x3FAF]  }
0x31: {  	[smem:$0x3FB8] =	sst s10  }
0x32: {  	s10 =	sld [smem:$0x3FB6];
	_ =	sdelay $0x3  }
0x33: {  	p0 =	seq.s32 s10, $0x1;
	s10 =	sld [smem:$0x3FB8];
	_ =	sdelay $0x3  }
0x34: {  	[smem:$0x3FB8] =	sst s10  }
0x35: {  	s10 =	sld [smem:$0x3FB7];
	_ =	sdelay $0x3  }
0x36: {  	p1 =	seq.s32 s10, $0x1;
	s10 =	sld [smem:$0x3FB8];
	_ =	sdelay $0x3  }
0x37: {  	[smem:$0x3FB8] =	sst s10  }
0x38: {  	s10 =	sld [smem:$0x3FB9]  }
0x39: {  	_ = 	snop;
	(pc) =	sbr.ind lr, $3  }
0x3a: {  	_ = 	snop  }
0x3b: {  	_ = 	snop  }
0x3c: {  	p2 =	seq.s32 s10, $0x1;
	s10 =	sld [smem:$0x3FB8]  }
0x3d: {  	_ =	shalt  }
0x3e: {  	_ =	shalt  }
0x3f: {  	_ =	shalt  }
0x40: {  	_ =	shalt  }
0x41: {  	_ =	shalt  }
0x42: {  	_ =	shalt  }
0x43: {  	_ =	shalt  }
0x44: {  	_ =	shalt  }
0x45: {  	_ =	shalt  }
0x46: {  	_ =	shalt  }
0x47: {  	_ =	shalt  }
0x48: {  	_ =	shalt  }
0x49: {  	_ =	shalt  }
0x4a: {  	_ =	shalt  }
0x4b: {  	_ =	shalt  }
0x4c: {  	_ =	shalt  }
0x4d: {  	_ =	shalt  }
0x4e: {  	_ =	shalt  }
0x4f: {  	_ =	shalt  }
0x50: {  	_ =	shalt  }
0x51: {  	_ =	shalt  }
0x52: {  	_ =	shalt  }
0x53: {  	_ =	shalt  }
0x54: {  	_ =	shalt  }
0x55: {  	_ =	shalt  }
0x56: {  	_ =	shalt  }
0x57: {  	_ =	shalt  }
0x58: {  	_ =	shalt  }
0x59: {  	_ =	shalt  }
0x5a: {  	_ =	shalt  }
0x5b: {  	_ =	shalt  }
0x5c: {  	_ =	shalt  }
0x5d: {  	_ =	shalt  }
0x5e: {  	_ =	shalt  }
0x5f: {  	_ =	shalt  }
0x60: {  	_ =	shalt  }
0x61: {  	_ =	shalt  }
0x62: {  	_ =	shalt  }
0x63: {  	_ =	shalt  }
0x64: {  	_ =	shalt  }
0x65: {  	_ =	shalt  }
0x66: {  	_ =	shalt  }
0x67: {  	_ =	shalt  }
0x68: {  	_ =	shalt  }
0x69: {  	_ =	shalt  }
0x6a: {  	_ =	shalt  }
0x6b: {  	_ =	shalt  }
0x6c: {  	_ =	shalt  }
0x6d: {  	_ =	shalt  }
0x6e: {  	_ =	shalt  }
0x6f: {  	_ =	shalt  }
0x70: {  	_ =	shalt  }
0x71: {  	_ =	shalt  }
0x72: {  	_ =	shalt  }
0x73: {  	_ =	shalt  }
0x74: {  	_ =	shalt  }
0x75: {  	_ =	shalt  }
0x76: {  	_ =	shalt  }
0x77: {  	_ =	shalt  }
0x78: {  	_ =	shalt  }
0x79: {  	_ =	shalt  }
0x7a: {  	_ =	shalt  }
0x7b: {  	_ =	shalt  }
0x7c: {  	_ =	shalt  }
0x7d: {  	_ =	shalt  }
0x7e: {  	_ =	shalt  }
0x7f: {  	_ =	shalt  }
0x80: {  	_ =	shalt  }
0x81: {  	_ =	shalt  }
0x82: {  	_ =	shalt  }
0x83: {  	_ =	shalt  }
0x84: {  	_ =	shalt  }
0x85: {  	_ =	shalt  }
0x86: {  	_ =	shalt  }
0x87: {  	_ =	shalt  }
.Lfunc_end0:
.L_simem_size_0:
called_computation.2_lowered:
.L_overlay_start_0:
0x88: {  	s2 =	sld [smem:$0x3FD9]  }
0x89: {  	s3 =	sld [smem:$0x3FFE];
	_ =	sdelay $0x1  }
0x8a: {  	s1 =	srdreg.scid  }
0x8b: {  	s0 =	sand.u32 $0x1, s1  }
0x8c: {  	s17 =	sshll.u32 s0, $0xA;
	s2 =	sadd.s32 s3, s2  }
0x8d: {  	s2 =	sadd.s32 s2, s17  }
0x8e: {  	[smem:$0x3FC4] =	sst s2  }
0x8f: {  	_ = 	snop  }
0x90: {  	s2 =	sld [smem:$0x3FD0];
	(tm) =	ssettm $0x1  }
0x91: {  	s18 =	sld [smem:$0x3FFB];
	_ =	sdelay $0x3  }
0x92: {  	_ =	strace s18  }
0x93: {  	s3 =	sld [smem:$0x3FFC];
	_ =	sdelay $0x3  }
0x94: {  	_ =	strace s3  }
0x95: {  	s3 =	sld [smem:$0x3FFD];
	_ =	sdelay $0x3  }
0x96: {  	_ =	strace s3  }
0x97: {  	_ =	strace $0x8FFFFFFF  }
0x98: {  	s19 =	sld [smem:$0x3FDB];
	_ =	sdelay $0x1  }
0x99: {  	s4 =	simm.s32 $_scs_section_size  }
0x9a: {  	s5 =	simm.s32 $_size__tile_overlayer_lowered;
	s6 =	simm.s32 $_tile_overlayer_lowered  }
0x9b: {  	s22 =	simm.s32 $0x1BFF;
	s21 =	sshll.u32 s6, $0x1;
	s3 =	sadd.s32 s4, s19  }
0x9c: {  	s7 =	simm.s32 $0x0;
	s20 =	sshll.u32 s5, $0x1;
	s5 =	sadd.s32 s21, s3  }
0x9d: {  	[timem:s7], [sflag:s22] =	dma.local [hbm:s5], s20  }
0x9e: {  	_ =	swait.ge [sflag:s22], s20  }
0x9f: {  	s4 =	ssub.s32 $0x0, s20;
	[sflag:s22] =	ssyncset.done $0x0  }
0xa0: {  	[sflag:s22] =	ssyncadd.s32 s4;
	_ =	sdelay $0x1  }
0xa1: {  	s23 =	simm.s32 $0x1B8B  }
0xa2: {  	_ =	swait.ge [sflag:s23], $0x1  }
0xa3: {  	[sflag:s23] =	ssyncset.done $0x0  }
0xa4: {  	s25 =	simm.s32 $0x1B8E;
	s24 =	sld [smem:$0x3FFE];
	[sflag:s23] =	ssyncadd.s32 $0xFFFFFFFF  }
0xa5: {  	s26 =	simm.s32 $execute0_lowered;
	[smem:$0x3FD2] =	sst s25  }
0xa6: {  	s5 =	sshll.u32 s26, $0x1;
	_ =	strace $0x8000004C;
	[dreg:$0x1] =	wrdreg $0xFFFFFFFF  }
0xa7: {  	s28 =	simm.s32 $_size_execute0_lowered;
	s3 =	sadd.s32 s3, s5;
	[dreg:$0x0] =	wrdreg $0x0  }
0xa8: {  	s5 =	sshll.u32 s28, $0x1;
	[dreg:$0x2] =	wrdreg s3  }
0xa9: {  	[dreg:$0x3] =	wrdreg s5  }
0xaa: {  	[dreg:$0x4] =	wrdreg $0xC0  }
0xab: {  	_ =	task [dreg:s7], $0x5FFFF  }
0xac: {  	[dreg:$0x1] =	wrdreg $0xFFFFFFFF  }
0xad: {  	[dreg:$0x0] =	wrdreg $0x60  }
0xae: {  	[dreg:$0x2] =	wrdreg s2  }
0xaf: {  	[dreg:$0x3] =	wrdreg s24  }
0xb0: {  	[dreg:$0x4] =	wrdreg $0x9  }
0xb1: {  	_ =	task.clear_ibuf [dreg:s7], $0x5FFFF;
	_ =	strace $0x9000004C  }
0xb2: {  	s29 =	simm.s32 $0x9;
	_ =	strace $0x8000004E  }
0xb3: {  	_ =	swait.ge [sflag:s29], $0x1  }
0xb4: {  	[sflag:s29] =	ssyncadd.s32 $0xFFFFFFFF  }
0xb5: {  	_ =	strace $0x9000004E  }
0xb6: {  	_ =	sfence  }
0xb7: {  	s30 =	sld [smem:$0x0];
	_ =	sdelay $0x2  }
0xb8: {  	s31 =	sshll.u32 s1, $0xD;
	s1 =	sshrl.u32 s1, $0x2  }
0xb9: {  	s3 =	sand.u32 $0x4000, s31;
	s1 =	sadd.s32 s1, s30  }
0xba: {  	s0 =	sor.u32 s3, s0;
	s1 =	sshll.u32 s1, $0x11  }
0xbb: {  	s0 =	sor.u32 s1, s0  }
0xbc: {  	s0 =	sadd.s32 $0x8F2B, s0  }
0xbd: {  	[sflag:s0] =	ssyncadd.remote.s32 $0x1  }
0xbe: {  	_ =	sfence.sel $0xFFFF  }
0xbf: {  	[dreg:$0x0] =	wrdreg $0xFFFFFFFF;
	(pc) =	sbr.abs _section_cstart, $3  }
0xc0: {  	[dreg:$0x1] =	wrdreg $0xFFFFFFFF  }
0xc1: {  	_ =	task.clear_ibuf [dreg:s7], $0x2FFFF;
	_ =	strace $0x9FFFFFFF  }
0xc2: {  	(tm) =	ssettm $0x7FFFFFFF  }
0xc3: {  	_ =	shalt  }
tec
execute0_lowered:
.L_overlay_start_1:
0x0: {  	(tag) =	ssettag $0x1  }
0x1: {  	s0 =	srdreg.scid  }
0x2: {  	s2 =	stileid.u32;
	s1 =	rddreg [dreg:$0x1];
	s0 =	sand.u32 $0x1, s0  }
0x3: {  	s21 =	simm.s32 $0x0;
	s4 =	sshll.u32 s2, $0x11;
	s5 =	sshll.u32 s0, $0x10  }
0x4: {  	[smem:$0x7FF] =	sst s21;
	s3 =	sor.u32 s5, s4  }
0x5: {  	s22 =	sadd.s32 $0x200E00, s1;
	[dreg:$0x3] =	wrdreg s3  }
0x6: {  	s23 =	sadd.s32 $0xE00, s1;
	_ =	strace $0x8000004D;
	[dreg:$0x4] =	wrdreg s22  }
0x7: {  	s24 =	sadd.s32 $0x40E00, s1;
	[dreg:$0x6] =	wrdreg s23  }
0x8: {  	s25 =	sadd.s32 $0x80E00, s1;
	[dreg:$0x8] =	wrdreg s24  }
0x9: {  	s26 =	sadd.s32 $0xC0E00, s1;
	[dreg:$0x9] =	wrdreg s25  }
0xa: {  	s29 =	sadd.s32 $0x100E00, s1;
	[dreg:$0xa] =	wrdreg s26  }
0xb: {  	s30 =	sadd.s32 $0x140E00, s1;
	s31 =	sadd.s32 $0x180E00, s1;
	[dreg:$0xb] =	wrdreg s29  }
0xc: {  	s1 =	sadd.s32 $0x1C0E00, s1;
	s0 =	ssub.s32 $0x2, s0;
	[dreg:$0xc] =	wrdreg s30  }
0xd: {  	s28 =	sshrl.u32 s0, $0x1;
	s5 =	sshrl.u32 s3, $0x3;
	[dreg:$0xd] =	wrdreg s31  }
0xe: {  	s0 =	ssub.s32 s0, s28;
	s2 =	sadd.s32 s22, s5;
	[dreg:$0xe] =	wrdreg s1  }
0xf: {  	s19 =	simm.s32 $0x100;
	s0 =	smax.u32 s0, $0x1;
	[dreg:$0x5] =	wrdreg s2  }
0x10: {  	v0 =	vlaneseq.u32;
	s22 =	simm.s32 $0x2;
	s2 =	sadd.s32 $0x200, s2;
	[dreg:$0xf] =	wrdreg s0  }
0x11: {  	v0 =	vmul.u32 $0x8, v0;
	s1 =	simm.s32 $0x3;
	[dreg:$0x7] =	wrdreg s2;
	s2 =	simm.s32 $0x0  }
.LBB2_1:
0x12: {  	[dreg:$0x10] =	wrdreg s2  }
0x13: {  	s24 =	simm.s32 $0x0;
	s0 =	rddreg [dreg:$0x5]  }
0x14: {  	[tilespmem:s24], [sflag:$0x1] =	stream.linear.gather [hbm4b:s0+s24], $0x1000, $0x38;
	[tilespmem:$0x1B000] =	vst v63  }
0x15: {  	s25 =	rddreg [dreg:$0x7];
	s3 =	simm.s32 $0x1000;
	s26 =	simm.s32 $0x1  }
0x16: {  	[tilespmem:s3], [sflag:$0x1] =	stream.linear.gather [hbm4b:s25+s24], $0x1000, $0x38;
	[tilespmem:$0x1B000] =	vst v63  }
0x17: {  	_ =	swait.ge [sflag:s26], $0x1000  }
0x18: {  	[sflag:s26] =	ssyncset.done $0x0  }
0x19: {  	[sflag:s26] =	ssyncadd.s32 $0xFFFFF000  }
0x1a: {  	s28 =	simm.s32 $0x3000;
	s0 =	rddreg [dreg:$0x0]  }
0x1b: {  	[tilespmem:s28], [sflag:$0x2] =	stream.indirect.gather [hbm4b:s0+s19], $0x8, s24, s19, $0xb8;
	[tilespmem:$0x1B000] =	vst v63  }
0x1c: {  	s29 =	simm.s32 $0x3800  }
0x1d: {  	[tilespmem:s29], [sflag:$0x2] =	stream.indirect.gather [hbm4b:s0+s19], $0x8, s19, s19, $0xb8;
	[tilespmem:$0x1B000] =	vst v63  }
0x1e: {  	s30 =	simm.s32 $0x200;
	s31 =	simm.s32 $0x4000  }
0x1f: {  	[tilespmem:s31], [sflag:$0x2] =	stream.indirect.gather [hbm4b:s0+s19], $0x8, s30, s19, $0xb8;
	[tilespmem:$0x1B000] =	vst v63  }
0x20: {  	s4 =	simm.s32 $0x4800;
	s3 =	simm.s32 $0x300  }
0x21: {  	[tilespmem:s4], [sflag:$0x2] =	stream.indirect.gather [hbm4b:s0+s19], $0x8, s3, s19, $0xb8;
	[tilespmem:$0x1B000] =	vst v63  }
0x22: {  	s5 =	simm.s32 $0x400;
	s6 =	simm.s32 $0x5000  }
0x23: {  	[tilespmem:s6], [sflag:$0x2] =	stream.indirect.gather [hbm4b:s0+s19], $0x8, s5, s19, $0xb8;
	[tilespmem:$0x1B000] =	vst v63  }
0x24: {  	s7 =	simm.s32 $0x500;
	s8 =	simm.s32 $0x5800  }
0x25: {  	[tilespmem:s8], [sflag:$0x2] =	stream.indirect.gather [hbm4b:s0+s19], $0x8, s7, s19, $0xb8;
	[tilespmem:$0x1B000] =	vst v63  }
0x26: {  	s9 =	simm.s32 $0x600;
	s10 =	simm.s32 $0x6000  }
0x27: {  	[tilespmem:s10], [sflag:$0x2] =	stream.indirect.gather [hbm4b:s0+s19], $0x8, s9, s19, $0xb8;
	[tilespmem:$0x1B000] =	vst v63  }
0x28: {  	s11 =	simm.s32 $0x700;
	s12 =	simm.s32 $0x6800  }
0x29: {  	[tilespmem:s12], [sflag:$0x2] =	stream.indirect.gather [hbm4b:s0+s19], $0x8, s11, s19, $0xb8;
	[tilespmem:$0x1B000] =	vst v63  }
0x2a: {  	s13 =	simm.s32 $0x800;
	s14 =	simm.s32 $0x7000  }
0x2b: {  	[tilespmem:s14], [sflag:$0x2] =	stream.indirect.gather [hbm4b:s0+s19], $0x8, s13, s19, $0xb8;
	[tilespmem:$0x1B000] =	vst v63  }
0x2c: {  	s15 =	simm.s32 $0x900;
	s16 =	simm.s32 $0x7800  }
0x2d: {  	[tilespmem:s16], [sflag:$0x2] =	stream.indirect.gather [hbm4b:s0+s19], $0x8, s15, s19, $0xb8;
	[tilespmem:$0x1B000] =	vst v63  }
0x2e: {  	s17 =	simm.s32 $0xA00;
	s18 =	simm.s32 $0x8000  }
0x2f: {  	[tilespmem:s18], [sflag:$0x2] =	stream.indirect.gather [hbm4b:s0+s19], $0x8, s17, s19, $0xb8;
	[tilespmem:$0x1B000] =	vst v63  }
0x30: {  	s20 =	simm.s32 $0xB00;
	s21 =	simm.s32 $0x8800  }
0x31: {  	[tilespmem:s21], [sflag:$0x2] =	stream.indirect.gather [hbm4b:s0+s19], $0x8, s20, s19, $0xb8;
	[tilespmem:$0x1B000] =	vst v63  }
0x32: {  	s23 =	simm.s32 $0xC00;
	s24 =	simm.s32 $0x9000  }
0x33: {  	[tilespmem:s24], [sflag:$0x2] =	stream.indirect.gather [hbm4b:s0+s19], $0x8, s23, s19, $0xb8;
	[tilespmem:$0x1B000] =	vst v63  }
0x34: {  	s25 =	simm.s32 $0xD00;
	s26 =	simm.s32 $0x9800  }
0x35: {  	[tilespmem:s26], [sflag:$0x2] =	stream.indirect.gather [hbm4b:s0+s19], $0x8, s25, s19, $0xb8;
	[tilespmem:$0x1B000] =	vst v63  }
0x36: {  	s28 =	simm.s32 $0xE00;
	s29 =	simm.s32 $0xA000  }
0x37: {  	[tilespmem:s29], [sflag:$0x2] =	stream.indirect.gather [hbm4b:s0+s19], $0x8, s28, s19, $0xb8;
	[tilespmem:$0x1B000] =	vst v63  }
0x38: {  	s30 =	simm.s32 $0xF00;
	s31 =	simm.s32 $0xA800;
	s21 =	simm.s32 $0x0  }
0x39: {  	[tilespmem:s31], [sflag:$0x2] =	stream.indirect.gather [hbm4b:s0+s19], $0x8, s30, s19, $0xb8;
	[tilespmem:$0x1B000] =	vst v63  }
.LBB2_2:
0x3a: {  	_ =	swait.ge [sflag:s22], $0x800  }
0x3b: {  	[sflag:s22] =	ssyncset.done $0x0  }
0x3c: {  	[sflag:s22] =	ssyncadd.s32 $0xFFFFF800  }
0x3d: {  	_ =	swait.ge [sflag:s22], $0x800  }
0x3e: {  	[sflag:s22] =	ssyncset.done $0x0  }
0x3f: {  	[sflag:s22] =	ssyncadd.s32 $0xFFFFF800  }
0x40: {  	_ =	swait.ge [sflag:s22], $0x800  }
0x41: {  	[sflag:s22] =	ssyncset.done $0x0  }
0x42: {  	[sflag:s22] =	ssyncadd.s32 $0xFFFFF800  }
0x43: {  	_ =	swait.ge [sflag:s22], $0x800  }
0x44: {  	[sflag:s22] =	ssyncset.done $0x0  }
0x45: {  	[sflag:s22] =	ssyncadd.s32 $0xFFFFF800  }
0x46: {  	_ =	swait.ge [sflag:s22], $0x800  }
0x47: {  	[sflag:s22] =	ssyncset.done $0x0  }
0x48: {  	[sflag:s22] =	ssyncadd.s32 $0xFFFFF800  }
0x49: {  	_ =	swait.ge [sflag:s22], $0x800  }
0x4a: {  	[sflag:s22] =	ssyncset.done $0x0  }
0x4b: {  	[sflag:s22] =	ssyncadd.s32 $0xFFFFF800  }
0x4c: {  	_ =	swait.ge [sflag:s22], $0x800  }
0x4d: {  	[sflag:s22] =	ssyncset.done $0x0  }
0x4e: {  	[sflag:s22] =	ssyncadd.s32 $0xFFFFF800  }
0x4f: {  	_ =	swait.ge [sflag:s22], $0x800  }
0x50: {  	[sflag:s22] =	ssyncset.done $0x0  }
0x51: {  	[sflag:s22] =	ssyncadd.s32 $0xFFFFF800  }
0x52: {  	_ =	swait.ge [sflag:s22], $0x800  }
0x53: {  	[sflag:s22] =	ssyncset.done $0x0  }
0x54: {  	[sflag:s22] =	ssyncadd.s32 $0xFFFFF800  }
0x55: {  	_ =	swait.ge [sflag:s22], $0x800  }
0x56: {  	[sflag:s22] =	ssyncset.done $0x0  }
0x57: {  	[sflag:s22] =	ssyncadd.s32 $0xFFFFF800  }
0x58: {  	_ =	swait.ge [sflag:s22], $0x800  }
0x59: {  	[sflag:s22] =	ssyncset.done $0x0  }
0x5a: {  	[sflag:s22] =	ssyncadd.s32 $0xFFFFF800  }
0x5b: {  	_ =	swait.ge [sflag:s22], $0x800  }
0x5c: {  	[sflag:s22] =	ssyncset.done $0x0  }
0x5d: {  	[sflag:s22] =	ssyncadd.s32 $0xFFFFF800  }
0x5e: {  	_ =	swait.ge [sflag:s22], $0x800  }
0x5f: {  	[sflag:s22] =	ssyncset.done $0x0  }
0x60: {  	[sflag:s22] =	ssyncadd.s32 $0xFFFFF800  }
0x61: {  	_ =	swait.ge [sflag:s22], $0x800  }
0x62: {  	[sflag:s22] =	ssyncset.done $0x0  }
0x63: {  	[sflag:s22] =	ssyncadd.s32 $0xFFFFF800  }
0x64: {  	p0 =	sgt.u32 s21, $0xD;
	_ =	swait.ge [sflag:s22], $0x800  }
.Ltmp0:
0x65: {  	[sflag:s22] =	ssyncset.done $0x0;
	(pc) =	sbr.rel @p0 .LBB2_4-.Ltmp0, $4  }
0x66: {  	[sflag:s22] =	ssyncadd.s32 $0xFFFFF800  }
0x67: {  	_ =	swait.ge [sflag:s22], $0x800  }
0x68: {  	[sflag:s22] =	ssyncset.done $0x0  }
0x69: {  	[sflag:s22] =	ssyncadd.s32 $0xFFFFF800  }
0x6a: {  	s0 =	sadd.s32 $0x2, s21  }
0x6b: {  	s5 =	smul.u32 $0xAB, s0;
	_ =	sdelay $0x1  }
0x6c: {  	s5 =	sshrl.u32 s5, $0x9  }
0x6d: {  	s5 =	sand.u32 $0x7F, s5  }
0x6e: {  	s5 =	smul.u32 $0x3, s5  }
.Ltmp1:
0x6f: {  	s2 =	rddreg [dreg:$0x3];
	s6 =	sshll.u32 s0, $0xC;
	(pc) =	sbr.rel .LBB2_5-.Ltmp1, $4  }
0x70: {  	s6 =	sadd.s32 s2, s6;
	s0 =	ssub.s32 s0, s5  }
0x71: {  	s30 =	rddreg [dreg:$0x4];
	s29 =	sshrl.u32 s6, $0x3;
	s0 =	sand.u32 $0xFF, s0  }
0x72: {  	s31 =	simm.s32 $0x0;
	s5 =	sadd.s32 s30, s29;
	s0 =	sshll.u32 s0, $0xC  }
0x73: {  	[tilespmem:s0], [sflag:$0x1] =	stream.linear.gather [hbm4b:s5+s31], $0x1000, $0x38;
	[tilespmem:$0x1B000] =	vst v63  }
.LBB2_4:
0x74: {  	p0 =	seq.s32 s21, $0xF  }
.Ltmp2:
0x75: {  	_ = 	snop;
	(pc) =	sbr.rel @p0 .LBB2_6-.Ltmp2, $2  }
0x76: {  	_ =	sdelay $0x2  }
0x77: {  	s3 =	simm.s32 $0x10  }
.LBB2_5:
0x78: {  	s3 =	sadd.s32 $0x1, s21  }
0x79: {  	s0 =	smul.u32 $0xAB, s3;
	_ =	sdelay $0x1  }
0x7a: {  	s0 =	sshrl.u32 s0, $0x9  }
0x7b: {  	s0 =	sand.u32 $0x7F, s0  }
0x7c: {  	s2 =	simm.s32 $0x1;
	s0 =	smul.u32 $0x3, s0  }
0x7d: {  	_ =	swait.ge [sflag:s2], $0x1000  }
0x7e: {  	s5 =	sshll.u32 s3, $0xF;
	[sflag:s2] =	ssyncset.done $0x0;
	s0 =	ssub.s32 s3, s0  }
0x7f: {  	s5 =	sand.u32 $0x8000, s5;
	[sflag:s2] =	ssyncadd.s32 $0xFFFFF000;
	s0 =	sand.u32 $0xFF, s0  }
0x80: {  	s6 =	sor.u32 $0x3000, s5;
	s2 =	rddreg [dreg:$0x0];
	s0 =	sshll.u32 s0, $0xC  }
0x81: {  	[tilespmem:s6], [sflag:$0x2] =	stream.indirect.gather [hbm4b:s2+s19], $0x8, s0, s19, $0xb8;
	[tilespmem:$0x1B000] =	vst v63  }
0x82: {  	s25 =	sor.u32 $0x3800, s5;
	s7 =	sor.u32 $0x100, s0  }
0x83: {  	[tilespmem:s25], [sflag:$0x2] =	stream.indirect.gather [hbm4b:s2+s19], $0x8, s7, s19, $0xb8;
	[tilespmem:$0x1B000] =	vst v63  }
0x84: {  	s26 =	sor.u32 $0x4000, s5;
	s28 =	sor.u32 $0x200, s0  }
0x85: {  	[tilespmem:s26], [sflag:$0x2] =	stream.indirect.gather [hbm4b:s2+s19], $0x8, s28, s19, $0xb8;
	[tilespmem:$0x1B000] =	vst v63  }
0x86: {  	s29 =	sor.u32 $0x4800, s5;
	s30 =	sor.u32 $0x300, s0  }
0x87: {  	[tilespmem:s29], [sflag:$0x2] =	stream.indirect.gather [hbm4b:s2+s19], $0x8, s30, s19, $0xb8;
	[tilespmem:$0x1B000] =	vst v63  }
0x88: {  	s31 =	sor.u32 $0x5000, s5;
	s4 =	sor.u32 $0x400, s0  }
0x89: {  	[tilespmem:s31], [sflag:$0x2] =	stream.indirect.gather [hbm4b:s2+s19], $0x8, s4, s19, $0xb8;
	[tilespmem:$0x1B000] =	vst v63  }
0x8a: {  	s8 =	sor.u32 $0x5800, s5;
	s9 =	sor.u32 $0x500, s0  }
0x8b: {  	[tilespmem:s8], [sflag:$0x2] =	stream.indirect.gather [hbm4b:s2+s19], $0x8, s9, s19, $0xb8;
	[tilespmem:$0x1B000] =	vst v63  }
0x8c: {  	s10 =	sor.u32 $0x6000, s5;
	s11 =	sor.u32 $0x600, s0  }
0x8d: {  	[tilespmem:s10], [sflag:$0x2] =	stream.indirect.gather [hbm4b:s2+s19], $0x8, s11, s19, $0xb8;
	[tilespmem:$0x1B000] =	vst v63  }
0x8e: {  	s12 =	sor.u32 $0x6800, s5;
	s13 =	sor.u32 $0x700, s0  }
0x8f: {  	[tilespmem:s12], [sflag:$0x2] =	stream.indirect.gather [hbm4b:s2+s19], $0x8, s13, s19, $0xb8;
	[tilespmem:$0x1B000] =	vst v63  }
0x90: {  	s14 =	sor.u32 $0x7000, s5;
	s15 =	sor.u32 $0x800, s0  }
0x91: {  	[tilespmem:s14], [sflag:$0x2] =	stream.indirect.gather [hbm4b:s2+s19], $0x8, s15, s19, $0xb8;
	[tilespmem:$0x1B000] =	vst v63  }
0x92: {  	s16 =	sor.u32 $0x7800, s5;
	s17 =	sor.u32 $0x900, s0  }
0x93: {  	[tilespmem:s16], [sflag:$0x2] =	stream.indirect.gather [hbm4b:s2+s19], $0x8, s17, s19, $0xb8;
	[tilespmem:$0x1B000] =	vst v63  }
0x94: {  	s18 =	sadd.s32 $0x8000, s5;
	s20 =	sor.u32 $0xA00, s0  }
0x95: {  	[tilespmem:s18], [sflag:$0x2] =	stream.indirect.gather [hbm4b:s2+s19], $0x8, s20, s19, $0xb8;
	[tilespmem:$0x1B000] =	vst v63  }
0x96: {  	s23 =	sadd.s32 $0x8800, s5;
	s24 =	sor.u32 $0xB00, s0  }
0x97: {  	[tilespmem:s23], [sflag:$0x2] =	stream.indirect.gather [hbm4b:s2+s19], $0x8, s24, s19, $0xb8;
	[tilespmem:$0x1B000] =	vst v63  }
0x98: {  	s25 =	sadd.s32 $0x9000, s5;
	s26 =	sor.u32 $0xC00, s0  }
0x99: {  	[tilespmem:s25], [sflag:$0x2] =	stream.indirect.gather [hbm4b:s2+s19], $0x8, s26, s19, $0xb8;
	[tilespmem:$0x1B000] =	vst v63  }
0x9a: {  	s28 =	sadd.s32 $0x9800, s5;
	s29 =	sor.u32 $0xD00, s0  }
0x9b: {  	[tilespmem:s28], [sflag:$0x2] =	stream.indirect.gather [hbm4b:s2+s19], $0x8, s29, s19, $0xb8;
	[tilespmem:$0x1B000] =	vst v63  }
0x9c: {  	s30 =	sadd.s32 $0xA000, s5;
	s31 =	sor.u32 $0xE00, s0  }
0x9d: {  	[tilespmem:s30], [sflag:$0x2] =	stream.indirect.gather [hbm4b:s2+s19], $0x8, s31, s19, $0xb8;
	[tilespmem:$0x1B000] =	vst v63  }
0x9e: {  	s5 =	sadd.s32 $0xA800, s5;
	s0 =	sor.u32 $0xF00, s0  }
0x9f: {  	[tilespmem:s5], [sflag:$0x2] =	stream.indirect.gather [hbm4b:s2+s19], $0x8, s0, s19, $0xb8;
	[tilespmem:$0x1B000] =	vst v63  }
.LBB2_6:
0xa0: {  	s0 =	simm.s32 $0x60  }
0xa1: {  	s5 =	simm.s32 $0x70;
	v1 =	vmov s0  }
0xa2: {  	s6 =	simm.s32 $0x10;
	v2 =	vmov s5;
	v1 =	vshll.u32 v1, $0x3  }
0xa3: {  	s8 =	simm.s32 $0x20;
	v3 =	vmov s6;
	v2 =	vshll.u32 v2, $0x3;
	v1 =	vor.u32 v0, v1  }
0xa4: {  	[dreg:$0x11] =	wrdreg s3;
	s7 =	sshll.u32 s21, $0xF;
	s9 =	simm.s32 $0x30;
	v4 =	vmov s8;
	v3 =	vshll.u32 v3, $0x3;
	v2 =	vor.u32 v0, v2  }
0xa5: {  	s10 =	simm.s32 $0x40;
	s11 =	simm.s32 $0x50;
	s13 =	simm.s32 $0x0;
	v5 =	vmov s9;
	v4 =	vshll.u32 v4, $0x3;
	v3 =	vor.u32 v0, v3  }
0xa6: {  	s25 =	simm.s32 $0xE0;
	s15 =	simm.s32 $0xF0;
	s7 =	sand.u32 $0x8000, s7;
	v7 =	vmov s11;
	v5 =	vshll.u32 v5, $0x3;
	v4 =	vor.u32 v0, v4  }
0xa7: {  	s17 =	simm.s32 $0x90;
	s24 =	simm.s32 $0xA0;
	v6 =	vmov s10;
	s20 =	sor.u32 $0x3000, s7;
	v7 =	vshll.u32 v7, $0x3;
	v5 =	vor.u32 v0, v5  }
0xa8: {  	s18 =	simm.s32 $0xB0;
	s31 =	simm.s32 $0xC0;
	s12 =	simm.s32 $0xD0;
	v9 =	vmov s13;
	v6 =	vshll.u32 v6, $0x3;
	v7 =	vor.u32 v0, v7;
	v8 =	vld.idx.msk [tilespmem:v1+s20+$0x0], $0xffff  }
0xa9: {  	s23 =	sand.u32 $0x90, s6;
	s4 =	sand.u32 $0xA0, s8;
	s9 =	sand.u32 $0xB0, s9;
	v9 =	vshll.u32 v9, $0x3;
	v6 =	vor.u32 v0, v6;
	v1 =	vld.idx.msk [tilespmem:v2+s20+$0x0], $0xffff;
	v2 =	vmov s25  }
0xaa: {  	s26 =	sand.u32 $0xC0, s10;
	s14 =	sand.u32 $0xD0, s11;
	s28 =	sand.u32 $0xF0, s5;
	v10 =	vmov s15;
	v9 =	vor.u32 v0, v9;
	v11 =	vld.idx.msk [tilespmem:v3+s20+$0x0], $0xffff;
	v2 =	vshll.u32 v2, $0x3  }
0xab: {  	s8 =	simm.s32 $0x8;
	s16 =	sand.u32 $0xF00, s13;
	s0 =	sand.u32 $0xE0, s0;
	v3 =	vshll.u32 v10, $0x3;
	v12 =	vld.idx.msk [tilespmem:v4+s20+$0x0], $0xffff;
	v2 =	vor.u32 v0, v2  }
0xac: {  	s5 =	sand.u32 $0xA0, s24;
	s13 =	sand.u32 $0x80, s13;
	s30 =	sor.u32 $0x13000, s16;
	v14 =	vld.idx.msk [tilespmem:v5+s20+$0x0], $0xffff;
	v5 =	vmov s17;
	v13 =	vor.u32 v0, v3  }
0xad: {  	v15 =	vmov s31;
	s6 =	sand.u32 $0xC0, s31;
	s16 =	sand.u32 $0x90, s17;
	s29 =	sor.u32 s0, s30;
	v10 =	vmov s24;
	v4 =	vld.idx.msk [tilespmem:v7+s20+$0x0], $0xffff;
	v5 =	vshll.u32 v5, $0x3  }
0xae: {  	s0 =	sand.u32 $0xB0, s18;
	s31 =	sor.u32 s23, s30;
	s23 =	sand.u32 $0xF0, s15;
	v3 =	vld.idx.msk [tilespmem:v6+s20+$0x0], $0xffff;
	v6 =	vmov s18;
	v7 =	vshll.u32 v10, $0x3;
	v10 =	vor.u32 v0, v5;
	[tilespmem:s29+$0x0] =	vst v8  }
0xaf: {  	s7 =	sor.u32 s4, s30;
	s9 =	sor.u32 s9, s30;
	s11 =	sor.u32 s26, s30;
	v16 =	vshll.u32 v6, $0x3;
	v6 =	vld.idx.msk [tilespmem:v9+s20+$0x0], $0xffff;
	v8 =	vmov s12;
	[tilespmem:s31+$0x0] =	vst v11;
	v11 =	vor.u32 v0, v7  }
0xb0: {  	s10 =	sor.u32 s14, s30;
	s28 =	sor.u32 s28, s30;
	s26 =	simm.s32 $0x170;
	v5 =	vshll.u32 v15, $0x3;
	v9 =	vor.u32 v0, v16;
	[tilespmem:s7+$0x0] =	vst v12;
	v63 =	vshll.u32 v8, $0x3;
	v8 =	vld.idx.msk [tilespmem:v2+s20+$0x0], $0xffff  }
0xb1: {  	s24 =	sand.u32 $0xD0, s12;
	s29 =	sor.u32 s13, s30;
	v7 =	vor.u32 v0, v5;
	s30 =	simm.s32 $0x80;
	[tilespmem:s9+$0x0] =	vst v14;
	v5 =	vor.u32 v0, v63;
	v2 =	vld.idx.msk [tilespmem:v13+s20+$0x0], $0xffff  }
.LBB2_7:
0xb2: {  	s31 =	sadd.s32 $0xFFFFFFF0, s26;
	s8 =	sadd.s32 $0x8, s8;
	s12 =	sand.u32 $0xF00, s30  }
0xb3: {  	v12 =	vmov s26;
	v13 =	vmov s30;
	v14 =	vld.idx.msk [tilespmem:v10+s20+$0x0], $0xffff;
	[tilespmem:s11+$0x0] =	vst v3;
	s7 =	smov.u32 s24;
	s9 =	smov.u32 s23;
	s11 =	sand.u32 $0xE0, s25  }
0xb4: {  	s13 =	sadd.s32 $0xFFFFFFB0, s26;
	v3 =	vmov s31;
	v10 =	vshll.u32 v12, $0x3;
	p0 =	slt.u32 s8, $0xF8;
	v12 =	vshll.u32 v13, $0x3;
	s12 =	sor.u32 $0x13000, s12;
	v13 =	vld.idx.msk [tilespmem:v11+s20+$0x0], $0xffff;
	[tilespmem:s10+$0x0] =	vst v4  }
0xb5: {  	s24 =	sadd.s32 $0xFFFFFFD0, s26;
	s10 =	sadd.s32 $0xFFFFFFA0, s26;
	v3 =	vshll.u32 v3, $0x3;
	v15 =	vor.u32 v0, v10;
	v12 =	vor.u32 v0, v12;
	v16 =	vld.idx.msk [tilespmem:v9+s20+$0x0], $0xffff;
	s11 =	sor.u32 s11, s12;
	[tilespmem:s29+$0x0] =	vst v6  }
0xb6: {  	s23 =	sadd.s32 $0xFFFFFFC0, s26;
	s25 =	sadd.s32 $0xFFFFFFE0, s26;
	s15 =	sand.u32 $0xC0, s24;
	v6 =	vmov s10;
	v9 =	vmov s13;
	v17 =	vor.u32 v0, v3;
	v3 =	vld.idx.msk [tilespmem:v7+s20+$0x0], $0xffff;
	[tilespmem:s11+$0x0] =	vst v8  }
0xb7: {  	v11 =	vmov s25;
	s14 =	sand.u32 $0x90, s10;
	s13 =	sand.u32 $0xA0, s13;
	s10 =	sand.u32 $0x80, s30;
	v7 =	vmov s23;
	v8 =	vmov s24;
	v4 =	vld.idx.msk [tilespmem:v5+s20+$0x0], $0xffff  }
0xb8: {  	s30 =	sand.u32 $0xB0, s23;
	s24 =	sand.u32 $0xD0, s25;
	s23 =	sand.u32 $0xF0, s26;
	v5 =	vshll.u32 v6, $0x3;
	v6 =	vshll.u32 v9, $0x3;
	v7 =	vshll.u32 v7, $0x3;
	[tilespmem:s28+$0x0] =	vst v1;
	v1 =	vmovc v2  }
.Ltmp3:
0xb9: {  	s29 =	sor.u32 s10, s12;
	s10 =	sor.u32 s16, s12;
	v10 =	vor.u32 v0, v5;
	v2 =	vshll.u32 v8, $0x3;
	v5 =	vshll.u32 v11, $0x3;
	(pc) =	sbr.rel @p0 .LBB2_7-.Ltmp3, $4  }
0xba: {  	s5 =	sor.u32 s5, s12;
	s18 =	sor.u32 s0, s12;
	s11 =	sor.u32 s6, s12;
	v11 =	vor.u32 v0, v6;
	v9 =	vor.u32 v0, v7;
	v7 =	vor.u32 v0, v2;
	v6 =	vld.idx.msk [tilespmem:v12+s20+$0x0], $0xffff  }
0xbb: {  	s25 =	smov.u32 s31;
	s28 =	sor.u32 s9, s12;
	v5 =	vor.u32 v0, v5;
	v8 =	vld.idx.msk [tilespmem:v17+s20+$0x0], $0xffff;
	[tilespmem:s10+$0x0] =	vst v14;
	s10 =	sor.u32 s7, s12  }
0xbc: {  	s16 =	smov.u32 s14;
	s0 =	smov.u32 s30;
	v2 =	vld.idx.msk [tilespmem:v15+s20+$0x0], $0xffff;
	[tilespmem:s5+$0x0] =	vst v13;
	s5 =	smov.u32 s13  }
0xbd: {  	s30 =	sadd.s32 $0xFFFFFF90, s26;
	s26 =	sadd.s32 $0x80, s26;
	s6 =	smov.u32 s15;
	[tilespmem:s18+$0x0] =	vst v16  }
0xbe: {  	_ =	sdelay $0x2  }
0xbf: {  	v12 =	vmov s30  }
0xc0: {  	v10 =	vld.idx.msk [tilespmem:v10+s20+$0x0], $0xffff;
	[tilespmem:s11+$0x0] =	vst v3;
	v12 =	vshll.u32 v12, $0x3  }
0xc1: {  	s7 =	sand.u32 $0xF00, s30;
	v11 =	vld.idx.msk [tilespmem:v11+s20+$0x0], $0xffff;
	[tilespmem:s10+$0x0] =	vst v4;
	v3 =	vor.u32 v0, v12  }
0xc2: {  	s8 =	sand.u32 $0xE0, s25;
	v4 =	vld.idx.msk [tilespmem:v9+s20+$0x0], $0xffff;
	[tilespmem:s28+$0x0] =	vst v1;
	s7 =	sor.u32 $0x13000, s7  }
0xc3: {  	s26 =	simm.s32 $0x70;
	v5 =	vld.idx.msk [tilespmem:v5+s20+$0x0], $0xffff;
	[tilespmem:s29+$0x0] =	vst v6;
	s8 =	sor.u32 s8, s7  }
0xc4: {  	s4 =	simm.s32 $0xB0;
	v6 =	vld.idx.msk [tilespmem:v7+s20+$0x0], $0xffff;
	v1 =	vmov s26;
	s9 =	sor.u32 s16, s7;
	[tilespmem:s8+$0x0] =	vst v8  }
0xc5: {  	s14 =	simm.s32 $0x10;
	v13 =	vmov s4;
	s5 =	sor.u32 s5, s7;
	v1 =	vshll.u32 v1, $0x3;
	s16 =	simm.s32 $0x30;
	[tilespmem:s9+$0x0] =	vst v10  }
0xc6: {  	s0 =	sor.u32 s0, s7;
	s8 =	simm.s32 $0x60;
	v1 =	vor.u32 v0, v1;
	v8 =	vmov s14;
	v9 =	vmov s16;
	[tilespmem:s5+$0x0] =	vst v11;
	v3 =	vld.idx.msk [tilespmem:v3+s20+$0x0], $0xffff  }
0xc7: {  	s15 =	simm.s32 $0x20;
	s17 =	sand.u32 $0x80, s30;
	s12 =	sor.u32 s24, s7;
	v7 =	vmov s8;
	v8 =	vshll.u32 v8, $0x3;
	v9 =	vshll.u32 v9, $0x3;
	[tilespmem:s0+$0x0] =	vst v4  }
0xc8: {  	s18 =	simm.s32 $0x40;
	s13 =	simm.s32 $0x50;
	s6 =	sor.u32 s6, s7;
	v1 =	vor.u32 $0x1, v1;
	v7 =	vshll.u32 v7, $0x3;
	v4 =	vmov s15;
	[tilespmem:s12+$0x0] =	vst v5  }
0xc9: {  	s11 =	sor.u32 s17, s7;
	s7 =	sor.u32 s23, s7;
	v5 =	vmov s13;
	v7 =	vor.u32 v0, v7;
	[tilespmem:s6+$0x0] =	vst v6;
	v6 =	vmov s18  }
0xca: {  	s21 =	sshll.u32 s21, $0xC;
	s31 =	simm.s32 $0x0;
	v4 =	vshll.u32 v4, $0x3;
	v5 =	vshll.u32 v5, $0x3;
	v7 =	vor.u32 $0x1, v7;
	s2 =	rddreg [dreg:$0x3];
	[tilespmem:s7+$0x0] =	vst v2  }
0xcb: {  	s12 =	sand.u32 $0xC0, s18;
	s18 =	simm.s32 $0xC0;
	v2 =	vor.u32 v0, v4;
	v4 =	vor.u32 v0, v9;
	v5 =	vor.u32 v0, v5;
	s6 =	sor.u32 s2, s21;
	[tilespmem:s11+$0x0] =	vst v3  }
0xcc: {  	s25 =	simm.s32 $0x0;
	v9 =	vmov s31;
	v14 =	vmov s18;
	v2 =	vor.u32 $0x1, v2;
	s21 =	sshrl.u32 s6, $0x3;
	s24 =	rddreg [dreg:$0x6]  }
0xcd: {  	s3 =	simm.s32 $0x13000;
	s7 =	simm.s32 $0xF0;
	v4 =	vor.u32 $0x1, v4;
	v3 =	vshll.u32 v6, $0x3;
	v6 =	vor.u32 v0, v8;
	s6 =	sadd.s32 s24, s21  }
0xce: {  	v5 =	vor.u32 $0x1, v5;
	v8 =	vmov s7;
	v6 =	vor.u32 $0x1, v6;
	[hbm4b:s6+s25] =	stream.linear.scatter [tilespmem:s3], [sflag:$0x3], $0x1000, $0x38;
	[tilespmem:$0x1B000] =	vst v63  }
0xcf: {  	s29 =	simm.s32 $0x80;
	s17 =	simm.s32 $0xD0;
	v9 =	vshll.u32 v9, $0x3;
	v3 =	vor.u32 v0, v3;
	v8 =	vshll.u32 v8, $0x3;
	s25 =	simm.s32 $0xE0  }
0xd0: {  	s10 =	sand.u32 $0xB0, s16;
	s16 =	sand.u32 $0xD0, s17;
	s2 =	simm.s32 $0x90;
	v3 =	vor.u32 $0x1, v3;
	v61 =	vor.u32 v0, v8;
	v7 =	vld.idx.msk [tilespmem:v7+s20+$0x0], $0xffff;
	v10 =	vmov s25  }
0xd1: {  	s8 =	sand.u32 $0xE0, s8;
	s11 =	sand.u32 $0xA0, s15;
	s15 =	simm.s32 $0xA0;
	v8 =	vor.u32 v0, v9;
	v9 =	vmov s2;
	v2 =	vld.idx.msk [tilespmem:v2+s20+$0x0], $0xffff;
	v10 =	vshll.u32 v10, $0x3  }
0xd2: {  	s9 =	sand.u32 $0x90, s14;
	s13 =	sand.u32 $0xD0, s13;
	v11 =	vmov s15;
	s3 =	sand.u32 $0xF00, s31;
	v16 =	vld.idx.msk [tilespmem:v4+s20+$0x0], $0xffff;
	v4 =	vshll.u32 v9, $0x3;
	v10 =	vor.u32 v0, v10  }
0xd3: {  	s14 =	sand.u32 $0xF0, s26;
	s5 =	simm.s32 $0x8;
	s28 =	sor.u32 $0x14000, s3;
	v9 =	vshll.u32 v11, $0x3;
	v11 =	vshll.u32 v14, $0x3;
	v6 =	vld.idx.msk [tilespmem:v6+s20+$0x0], $0xffff;
	v15 =	vor.u32 $0x1, v10  }
0xd4: {  	s0 =	sand.u32 $0xC0, s18;
	s23 =	sand.u32 $0xA0, s15;
	s8 =	sor.u32 s8, s28;
	v62 =	vor.u32 v0, v4;
	v9 =	vor.u32 v0, v9;
	v10 =	vmov s17  }
0xd5: {  	s24 =	sand.u32 $0x90, s2;
	s31 =	sand.u32 $0x80, s31;
	s11 =	sor.u32 s11, s28;
	v17 =	vor.u32 v0, v11;
	v11 =	vor.u32 $0x1, v62;
	v3 =	vld.idx.msk [tilespmem:v3+s20+$0x0], $0xffff;
	v10 =	vshll.u32 v10, $0x3;
	[tilespmem:s8+$0x0] =	vst v7  }
0xd6: {  	s6 =	sand.u32 $0xB0, s4;
	s9 =	sor.u32 s9, s28;
	v4 =	vld.idx.msk [tilespmem:v5+s20+$0x0], $0xffff;
	s10 =	sor.u32 s10, s28;
	v7 =	vshll.u32 v13, $0x3;
	v18 =	vor.u32 v0, v10;
	v10 =	vor.u32 $0x1, v8;
	[tilespmem:s11+$0x0] =	vst v2  }
0xd7: {  	s26 =	sor.u32 s31, s28;
	s30 =	sor.u32 s14, s28;
	s8 =	sand.u32 $0xF0, s7;
	v8 =	vor.u32 $0x1, v9;
	[tilespmem:s10+$0x0] =	vst v16;
	v63 =	vor.u32 v0, v7;
	v7 =	vld.idx.msk [tilespmem:v1+s20+$0x0], $0xffff;
	v2 =	vor.u32 $0x1, v18  }
0xd8: {  	s7 =	sor.u32 s13, s28;
	v1 =	vor.u32 $0x1, v61;
	[tilespmem:s9+$0x0] =	vst v6;
	s9 =	sor.u32 s12, s28;
	v5 =	vor.u32 $0x1, v63;
	v6 =	vor.u32 $0x1, v17;
	s28 =	simm.s32 $0x170;
	v9 =	vld.idx.msk [tilespmem:v15+s20+$0x0], $0xffff  }
.LBB2_9:
0xd9: {  	s31 =	sadd.s32 $0xFFFFFFF0, s28  }
0xda: {  	v12 =	vmov s28;
	s5 =	sadd.s32 $0x8, s5;
	v13 =	vmov s29;
	s10 =	sand.u32 $0xF00, s29;
	[tilespmem:s9+$0x0] =	vst v3;
	s9 =	sand.u32 $0xE0, s25  }
0xdb: {  	s11 =	sadd.s32 $0xFFFFFFB0, s28;
	v3 =	vmov s31;
	v12 =	vshll.u32 v12, $0x3;
	p0 =	slt.u32 s5, $0xF8;
	v13 =	vshll.u32 v13, $0x3;
	s10 =	sor.u32 $0x14000, s10;
	v14 =	vld.idx.msk [tilespmem:v10+s20+$0x0], $0xffff;
	[tilespmem:s7+$0x0] =	vst v4  }
0xdc: {  	s12 =	sadd.s32 $0xFFFFFFC0, s28;
	s7 =	sadd.s32 $0xFFFFFFA0, s28;
	v3 =	vshll.u32 v3, $0x3;
	v12 =	vor.u32 v0, v12;
	v10 =	vor.u32 v0, v13;
	v13 =	vld.idx.msk [tilespmem:v11+s20+$0x0], $0xffff;
	s9 =	sor.u32 s9, s10;
	[tilespmem:s30+$0x0] =	vst v7  }
0xdd: {  	s13 =	sadd.s32 $0xFFFFFFD0, s28;
	s14 =	sadd.s32 $0xFFFFFFE0, s28;
	s18 =	sand.u32 $0xF0, s28;
	v4 =	vmov s7;
	v7 =	vmov s11;
	v3 =	vor.u32 v0, v3;
	v15 =	vld.idx.msk [tilespmem:v8+s20+$0x0], $0xffff;
	[tilespmem:s9+$0x0] =	vst v9  }
0xde: {  	s15 =	sand.u32 $0x90, s7;
	s11 =	sand.u32 $0xA0, s11;
	s7 =	sand.u32 $0x80, s29;
	v8 =	vmov s12;
	v9 =	vmov s13;
	v16 =	vor.u32 $0x1, v3;
	v17 =	vld.idx.msk [tilespmem:v5+s20+$0x0], $0xffff  }
0xdf: {  	v7 =	vshll.u32 v7, $0x3;
	s12 =	sand.u32 $0xB0, s12;
	s13 =	sand.u32 $0xC0, s13;
	v5 =	vshll.u32 v4, $0x3;
	v4 =	vmov s14;
	s14 =	sand.u32 $0xD0, s14;
	v3 =	vld.idx.msk [tilespmem:v6+s20+$0x0], $0xffff  }
0xe0: {  	s24 =	sor.u32 s24, s10;
	s29 =	sor.u32 s23, s10;
	s4 =	sor.u32 s7, s10;
	v6 =	vshll.u32 v8, $0x3;
	v8 =	vshll.u32 v9, $0x3;
	v9 =	vshll.u32 v4, $0x3;
	v4 =	vld.idx.msk [tilespmem:v2+s20+$0x0], $0xffff  }
.Ltmp4:
0xe1: {  	s3 =	sor.u32 s6, s10;
	s9 =	sor.u32 s0, s10;
	v2 =	vor.u32 v0, v5;
	v5 =	vor.u32 v0, v7;
	v6 =	vor.u32 v0, v6;
	v7 =	vld.idx.msk [tilespmem:v1+s20+$0x0], $0xffff;
	(pc) =	sbr.rel @p0 .LBB2_9-.Ltmp4, $4  }
0xe2: {  	s25 =	smov.u32 s31;
	s30 =	sor.u32 s8, s10;
	v10 =	vor.u32 $0x1, v10;
	s7 =	sor.u32 s16, s10;
	v18 =	vor.u32 v0, v9;
	v1 =	vor.u32 v0, v8;
	[tilespmem:s26+$0x0] =	vst v14  }
0xe3: {  	s23 =	smov.u32 s11;
	s6 =	smov.u32 s12;
	v11 =	vor.u32 $0x1, v2;
	v8 =	vor.u32 $0x1, v5;
	v5 =	vor.u32 $0x1, v6;
	v9 =	vld.idx.msk [tilespmem:v16+s20+$0x0], $0xffff;
	[tilespmem:s24+$0x0] =	vst v13;
	s24 =	smov.u32 s15  }
0xe4: {  	s8 =	smov.u32 s18;
	s0 =	smov.u32 s13;
	s16 =	smov.u32 s14;
	v2 =	vor.u32 $0x1, v18;
	v6 =	vor.u32 $0x1, v1;
	v1 =	vor.u32 $0x1, v12;
	[tilespmem:s29+$0x0] =	vst v15  }
0xe5: {  	s26 =	smov.u32 s4;
	s29 =	sadd.s32 $0xFFFFFF90, s28;
	s28 =	sadd.s32 $0x80, s28;
	[tilespmem:s3+$0x0] =	vst v17  }
0xe6: {  	_ =	sdelay $0x2  }
0xe7: {  	v12 =	vmov s29  }
0xe8: {  	v10 =	vld.idx.msk [tilespmem:v10+s20+$0x0], $0xffff;
	v12 =	vshll.u32 v12, $0x3  }
0xe9: {  	s3 =	sand.u32 $0xF00, s29;
	[tilespmem:s9+$0x0] =	vst v3;
	v11 =	vld.idx.msk [tilespmem:v11+s20+$0x0], $0xffff;
	v3 =	vor.u32 v0, v12  }
0xea: {  	s4 =	sand.u32 $0xE0, s25;
	[tilespmem:s7+$0x0] =	vst v4;
	v4 =	vld.idx.msk [tilespmem:v8+s20+$0x0], $0xffff;
	s3 =	sor.u32 $0x14000, s3;
	v3 =	vor.u32 $0x1, v3  }
0xeb: {  	[tilespmem:s30+$0x0] =	vst v7;
	v5 =	vld.idx.msk [tilespmem:v5+s20+$0x0], $0xffff;
	s4 =	sor.u32 s4, s3  }
0xec: {  	v6 =	vld.idx.msk [tilespmem:v6+s20+$0x0], $0xffff;
	[tilespmem:s4+$0x0] =	vst v9  }
0xed: {  	s28 =	simm.s32 $0x70;
	v2 =	vld.idx.msk [tilespmem:v2+s20+$0x0], $0xffff;
	s13 =	sor.u32 s24, s3;
	[tilespmem:s26+$0x0] =	vst v10  }
0xee: {  	v1 =	vld.idx.msk [tilespmem:v1+s20+$0x0], $0xffff;
	s18 =	simm.s32 $0x30;
	v7 =	vmov s28;
	s14 =	sor.u32 s23, s3;
	[tilespmem:s13+$0x0] =	vst v11  }
0xef: {  	s5 =	simm.s32 $0x60;
	v7 =	vshll.u32 v7, $0x3;
	s6 =	sor.u32 s6, s3;
	v9 =	vmov s18;
	[tilespmem:s14+$0x0] =	vst v4;
	v3 =	vld.idx.msk [tilespmem:v3+s20+$0x0], $0xffff  }
0xf0: {  	s15 =	simm.s32 $0x10;
	v8 =	vmov s5;
	s0 =	sor.u32 s0, s3;
	v7 =	vor.u32 v0, v7;
	v9 =	vshll.u32 v9, $0x3;
	[tilespmem:s6+$0x0] =	vst v5  }
0xf1: {  	s17 =	simm.s32 $0x20;
	s23 =	simm.s32 $0x40;
	s10 =	sor.u32 s16, s3;
	v7 =	vor.u32 $0x2, v7;
	v4 =	vshll.u32 v8, $0x3;
	v8 =	vmov s15;
	[tilespmem:s0+$0x0] =	vst v6  }
0xf2: {  	s11 =	sand.u32 $0x80, s29;
	s24 =	simm.s32 $0x50;
	s8 =	sor.u32 s8, s3;
	v5 =	vmov s17;
	v6 =	vmov s23;
	[tilespmem:s10+$0x0] =	vst v2;
	v4 =	vor.u32 v0, v4  }
0xf3: {  	s3 =	sor.u32 s11, s3;
	[tilespmem:s8+$0x0] =	vst v1;
	v8 =	vshll.u32 v8, $0x3;
	v2 =	vshll.u32 v5, $0x3;
	v5 =	vmov s24  }
0xf4: {  	s31 =	simm.s32 $0x14000;
	s14 =	simm.s32 $0xB0;
	v1 =	vshll.u32 v6, $0x3;
	v4 =	vor.u32 $0x2, v4;
	v6 =	vor.u32 v0, v8;
	[tilespmem:s3+$0x0] =	vst v3  }
0xf5: {  	s4 =	sand.u32 $0x90, s15;
	s15 =	simm.s32 $0xC0;
	v13 =	vmov s14;
	v2 =	vor.u32 v0, v2;
	v6 =	vor.u32 $0x2, v6;
	s2 =	rddreg [dreg:$0x8]  }
0xf6: {  	s26 =	simm.s32 $0x0;
	s8 =	simm.s32 $0x0;
	v14 =	vmov s15;
	v2 =	vor.u32 $0x2, v2;
	v3 =	vor.u32 v0, v9;
	s25 =	sadd.s32 s21, s2  }
0xf7: {  	v5 =	vshll.u32 v5, $0x3;
	v1 =	vor.u32 v0, v1;
	v3 =	vor.u32 $0x2, v3;
	[hbm4b:s25+s26] =	stream.linear.scatter [tilespmem:s31], [sflag:$0x3], $0x1000, $0x38;
	[tilespmem:$0x1B000] =	vst v63  }
0xf8: {  	v5 =	vor.u32 v0, v5;
	v1 =	vor.u32 $0x2, v1;
	v9 =	vmov s8;
	s26 =	simm.s32 $0xF0  }
0xf9: {  	s29 =	simm.s32 $0x80;
	v5 =	vor.u32 $0x2, v5;
	v9 =	vshll.u32 v9, $0x3;
	s2 =	simm.s32 $0xA0;
	s25 =	simm.s32 $0xE0;
	v8 =	vmov s26;
	v4 =	vld.idx.msk [tilespmem:v4+s20+$0x0], $0xffff  }
0xfa: {  	s7 =	sand.u32 $0xA0, s17;
	s9 =	sand.u32 $0xB0, s18;
	s12 =	sand.u32 $0xF0, s28;
	v11 =	vmov s2;
	v10 =	vmov s25;
	v6 =	vld.idx.msk [tilespmem:v6+s20+$0x0], $0xffff;
	v8 =	vshll.u32 v8, $0x3  }
0xfb: {  	s28 =	simm.s32 $0x170;
	s18 =	simm.s32 $0xD0;
	s31 =	simm.s32 $0x90;
	v2 =	vld.idx.msk [tilespmem:v2+s20+$0x0], $0xffff;
	v10 =	vshll.u32 v10, $0x3;
	v61 =	vor.u32 v0, v8;
	v8 =	vor.u32 v0, v9  }
0xfc: {  	s11 =	sand.u32 $0xD0, s24;
	s10 =	sand.u32 $0xC0, s23;
	s13 =	sand.u32 $0xF00, s8;
	v9 =	vmov s31;
	v10 =	vor.u32 v0, v10;
	v16 =	vld.idx.msk [tilespmem:v3+s20+$0x0], $0xffff;
	v3 =	vmov s18  }
0xfd: {  	s17 =	sand.u32 $0xE0, s5;
	s5 =	simm.s32 $0x8;
	s13 =	sor.u32 $0x15000, s13;
	v15 =	vor.u32 $0x2, v10;
	v9 =	vshll.u32 v9, $0x3;
	v10 =	vshll.u32 v11, $0x3  }
0xfe: {  	s6 =	sand.u32 $0xB0, s14;
	s0 =	sand.u32 $0xC0, s15;
	s16 =	sor.u32 s17, s13;
	v11 =	vshll.u32 v14, $0x3;
	v62 =	vshll.u32 v3, $0x3;
	v3 =	vld.idx.msk [tilespmem:v1+s20+$0x0], $0xffff;
	v1 =	vor.u32 v0, v9  }
0xff: {  	s4 =	sor.u32 s4, s13;
	s30 =	sor.u32 s12, s13;
	s3 =	sand.u32 $0x80, s8;
	v9 =	vor.u32 v0, v10;
	v17 =	vor.u32 v0, v11;
	[tilespmem:s16+$0x0] =	vst v4;
	v4 =	vshll.u32 v13, $0x3  }
0x100: {  	s23 =	sand.u32 $0xA0, s2;
	v10 =	vor.u32 $0x2, v8;
	s16 =	sand.u32 $0xD0, s18;
	s18 =	sor.u32 s7, s13;
	v13 =	vor.u32 v0, v62;
	[tilespmem:s4+$0x0] =	vst v6;
	v63 =	vor.u32 v0, v4;
	v4 =	vld.idx.msk [tilespmem:v5+s20+$0x0], $0xffff  }
0x101: {  	s24 =	sand.u32 $0x90, s31;
	s8 =	sand.u32 $0xF0, s26;
	v7 =	vld.idx.msk [tilespmem:v7+s20+$0x0], $0xffff;
	s31 =	sor.u32 s9, s13;
	v11 =	vor.u32 $0x2, v1;
	v8 =	vor.u32 $0x2, v9;
	v6 =	vor.u32 $0x2, v17;
	[tilespmem:s18+$0x0] =	vst v2  }
0x102: {  	s26 =	sor.u32 s3, s13;
	s9 =	sor.u32 s10, s13;
	s7 =	sor.u32 s11, s13;
	v1 =	vor.u32 $0x2, v61;
	v2 =	vor.u32 $0x2, v13;
	v5 =	vor.u32 $0x2, v63;
	[tilespmem:s31+$0x0] =	vst v16;
	v9 =	vld.idx.msk [tilespmem:v15+s20+$0x0], $0xffff  }
.LBB2_11:
0x103: {  	s31 =	sadd.s32 $0xFFFFFFF0, s28  }
0x104: {  	v12 =	vmov s28;
	s5 =	sadd.s32 $0x8, s5;
	v13 =	vmov s29;
	s3 =	sand.u32 $0xF00, s29;
	[tilespmem:s9+$0x0] =	vst v3;
	s4 =	sand.u32 $0xE0, s25  }
0x105: {  	s9 =	sadd.s32 $0xFFFFFFB0, s28;
	v3 =	vmov s31;
	v12 =	vshll.u32 v12, $0x3;
	p0 =	slt.u32 s5, $0xF8;
	v13 =	vshll.u32 v13, $0x3;
	s3 =	sor.u32 $0x15000, s3;
	v14 =	vld.idx.msk [tilespmem:v10+s20+$0x0], $0xffff;
	[tilespmem:s7+$0x0] =	vst v4  }
0x106: {  	s10 =	sadd.s32 $0xFFFFFFC0, s28;
	s7 =	sadd.s32 $0xFFFFFFA0, s28;
	v3 =	vshll.u32 v3, $0x3;
	v12 =	vor.u32 v0, v12;
	v10 =	vor.u32 v0, v13;
	v13 =	vld.idx.msk [tilespmem:v11+s20+$0x0], $0xffff;
	s4 =	sor.u32 s4, s3;
	[tilespmem:s30+$0x0] =	vst v7  }
0x107: {  	s11 =	sadd.s32 $0xFFFFFFD0, s28;
	s12 =	sadd.s32 $0xFFFFFFE0, s28;
	s14 =	sand.u32 $0xF0, s28;
	v4 =	vmov s7;
	v7 =	vmov s9;
	v3 =	vor.u32 v0, v3;
	v15 =	vld.idx.msk [tilespmem:v8+s20+$0x0], $0xffff;
	[tilespmem:s4+$0x0] =	vst v9  }
0x108: {  	s13 =	sand.u32 $0xA0, s9;
	s4 =	sand.u32 $0x90, s7;
	v8 =	vmov s10;
	v9 =	vmov s11;
	s7 =	sand.u32 $0x80, s29;
	v16 =	vor.u32 $0x2, v3;
	v17 =	vld.idx.msk [tilespmem:v5+s20+$0x0], $0xffff  }
0x109: {  	v7 =	vshll.u32 v7, $0x3;
	s10 =	sand.u32 $0xB0, s10;
	s11 =	sand.u32 $0xC0, s11;
	v5 =	vshll.u32 v4, $0x3;
	v4 =	vmov s12;
	s12 =	sand.u32 $0xD0, s12;
	v3 =	vld.idx.msk [tilespmem:v6+s20+$0x0], $0xffff  }
0x10a: {  	s18 =	sor.u32 s24, s3;
	s17 =	sor.u32 s6, s3;
	s15 =	sor.u32 s7, s3;
	v6 =	vshll.u32 v8, $0x3;
	v8 =	vshll.u32 v9, $0x3;
	v9 =	vshll.u32 v4, $0x3;
	v4 =	vld.idx.msk [tilespmem:v2+s20+$0x0], $0xffff  }
.Ltmp5:
0x10b: {  	s9 =	sor.u32 s0, s3;
	s29 =	sor.u32 s23, s3;
	v2 =	vor.u32 v0, v5;
	v5 =	vor.u32 v0, v7;
	v6 =	vor.u32 v0, v6;
	v7 =	vld.idx.msk [tilespmem:v1+s20+$0x0], $0xffff;
	(pc) =	sbr.rel @p0 .LBB2_11-.Ltmp5, $4  }
0x10c: {  	s25 =	smov.u32 s31;
	s30 =	sor.u32 s8, s3;
	v10 =	vor.u32 $0x2, v10;
	s7 =	sor.u32 s16, s3;
	v18 =	vor.u32 v0, v9;
	v1 =	vor.u32 v0, v8;
	[tilespmem:s26+$0x0] =	vst v14  }
0x10d: {  	s23 =	smov.u32 s13;
	s24 =	smov.u32 s4;
	s6 =	smov.u32 s10;
	v11 =	vor.u32 $0x2, v2;
	v8 =	vor.u32 $0x2, v5;
	v5 =	vor.u32 $0x2, v6;
	v9 =	vld.idx.msk [tilespmem:v16+s20+$0x0], $0xffff;
	[tilespmem:s18+$0x0] =	vst v13  }
0x10e: {  	s8 =	smov.u32 s14;
	s0 =	smov.u32 s11;
	s16 =	smov.u32 s12;
	v2 =	vor.u32 $0x2, v18;
	v6 =	vor.u32 $0x2, v1;
	v1 =	vor.u32 $0x2, v12;
	[tilespmem:s29+$0x0] =	vst v15  }
0x10f: {  	s26 =	smov.u32 s15;
	s29 =	sadd.s32 $0xFFFFFF90, s28;
	s28 =	sadd.s32 $0x80, s28;
	[tilespmem:s17+$0x0] =	vst v17  }
0x110: {  	_ =	sdelay $0x2  }
0x111: {  	v12 =	vmov s29  }
0x112: {  	v10 =	vld.idx.msk [tilespmem:v10+s20+$0x0], $0xffff;
	v12 =	vshll.u32 v12, $0x3  }
0x113: {  	s3 =	sand.u32 $0xF00, s29;
	[tilespmem:s9+$0x0] =	vst v3;
	v11 =	vld.idx.msk [tilespmem:v11+s20+$0x0], $0xffff;
	v3 =	vor.u32 v0, v12  }
0x114: {  	s4 =	sand.u32 $0xE0, s25;
	[tilespmem:s7+$0x0] =	vst v4;
	v4 =	vld.idx.msk [tilespmem:v8+s20+$0x0], $0xffff;
	s3 =	sor.u32 $0x15000, s3;
	v3 =	vor.u32 $0x2, v3  }
0x115: {  	[tilespmem:s30+$0x0] =	vst v7;
	v5 =	vld.idx.msk [tilespmem:v5+s20+$0x0], $0xffff;
	s4 =	sor.u32 s4, s3  }
0x116: {  	v6 =	vld.idx.msk [tilespmem:v6+s20+$0x0], $0xffff;
	s28 =	simm.s32 $0x70;
	[tilespmem:s4+$0x0] =	vst v9  }
0x117: {  	v2 =	vld.idx.msk [tilespmem:v2+s20+$0x0], $0xffff;
	s17 =	simm.s32 $0x30;
	v7 =	vmov s28;
	s12 =	sor.u32 s24, s3;
	[tilespmem:s26+$0x0] =	vst v10  }
0x118: {  	s5 =	simm.s32 $0x60;
	v1 =	vld.idx.msk [tilespmem:v1+s20+$0x0], $0xffff;
	s14 =	simm.s32 $0x10;
	s13 =	sor.u32 s23, s3;
	v7 =	vshll.u32 v7, $0x3;
	v9 =	vmov s17;
	[tilespmem:s12+$0x0] =	vst v11  }
0x119: {  	s15 =	simm.s32 $0x20;
	s11 =	sand.u32 $0x80, s29;
	v8 =	vmov s5;
	s6 =	sor.u32 s6, s3;
	v7 =	vor.u32 v0, v7;
	v9 =	vshll.u32 v9, $0x3;
	[tilespmem:s13+$0x0] =	vst v4;
	v3 =	vld.idx.msk [tilespmem:v3+s20+$0x0], $0xffff  }
0x11a: {  	s7 =	sand.u32 $0xA0, s15;
	s0 =	sor.u32 s0, s3;
	s23 =	simm.s32 $0x40;
	v7 =	vor.u32 $0x3, v7;
	v4 =	vshll.u32 v8, $0x3;
	v8 =	vmov s14;
	[tilespmem:s6+$0x0] =	vst v5  }
0x11b: {  	s10 =	sor.u32 s16, s3;
	s24 =	simm.s32 $0x50;
	s8 =	sor.u32 s8, s3;
	v5 =	vmov s15;
	[tilespmem:s0+$0x0] =	vst v6;
	v6 =	vmov s23;
	v4 =	vor.u32 v0, v4  }
0x11c: {  	s4 =	sand.u32 $0x90, s14;
	[tilespmem:s10+$0x0] =	vst v2;
	s14 =	simm.s32 $0xB0;
	s15 =	simm.s32 $0xC0;
	v8 =	vshll.u32 v8, $0x3;
	v2 =	vshll.u32 v5, $0x3;
	v5 =	vmov s24  }
0x11d: {  	s3 =	sor.u32 s11, s3;
	[tilespmem:s8+$0x0] =	vst v1;
	v1 =	vshll.u32 v6, $0x3;
	v13 =	vmov s14;
	v14 =	vmov s15  }
0x11e: {  	v4 =	vor.u32 $0x3, v4;
	v5 =	vshll.u32 v5, $0x3;
	v6 =	vor.u32 v0, v8;
	[tilespmem:s3+$0x0] =	vst v3  }
0x11f: {  	s31 =	simm.s32 $0x15000;
	s18 =	simm.s32 $0xF0;
	v2 =	vor.u32 v0, v2;
	v1 =	vor.u32 v0, v1;
	v6 =	vor.u32 $0x3, v6;
	s2 =	rddreg [dreg:$0x9]  }
0x120: {  	s26 =	simm.s32 $0x0;
	s8 =	simm.s32 $0x0;
	v8 =	vmov s18;
	v2 =	vor.u32 $0x3, v2;
	v3 =	vor.u32 v0, v9;
	s25 =	sadd.s32 s21, s2  }
0x121: {  	v5 =	vor.u32 v0, v5;
	v1 =	vor.u32 $0x3, v1;
	v3 =	vor.u32 $0x3, v3;
	[hbm4b:s25+s26] =	stream.linear.scatter [tilespmem:s31], [sflag:$0x3], $0x1000, $0x38;
	[tilespmem:$0x1B000] =	vst v63  }
0x122: {  	s29 =	simm.s32 $0x80;
	v8 =	vshll.u32 v8, $0x3;
	v5 =	vor.u32 $0x3, v5;
	v9 =	vmov s8;
	s25 =	simm.s32 $0xE0  }
0x123: {  	s9 =	sand.u32 $0xB0, s17;
	s11 =	sand.u32 $0xD0, s24;
	v61 =	vor.u32 v0, v8;
	v9 =	vshll.u32 v9, $0x3;
	s26 =	simm.s32 $0x90;
	v4 =	vld.idx.msk [tilespmem:v4+s20+$0x0], $0xffff;
	v10 =	vmov s25  }
0x124: {  	s17 =	simm.s32 $0xD0;
	s10 =	sand.u32 $0xC0, s23;
	v8 =	vor.u32 v0, v9;
	s31 =	simm.s32 $0xA0;
	v6 =	vld.idx.msk [tilespmem:v6+s20+$0x0], $0xffff;
	v9 =	vmov s26;
	v10 =	vshll.u32 v10, $0x3  }
0x125: {  	s12 =	sand.u32 $0xF0, s28;
	s28 =	simm.s32 $0x170;
	s13 =	sand.u32 $0xF00, s8;
	v11 =	vmov s31;
	v2 =	vld.idx.msk [tilespmem:v2+s20+$0x0], $0xffff;
	v9 =	vshll.u32 v9, $0x3;
	v10 =	vor.u32 v0, v10  }
0x126: {  	s6 =	sand.u32 $0xB0, s14;
	s13 =	sor.u32 $0x16000, s13;
	s2 =	sand.u32 $0xE0, s5;
	v16 =	vld.idx.msk [tilespmem:v3+s20+$0x0], $0xffff;
	v3 =	vmov s17;
	v15 =	vor.u32 $0x3, v10;
	v10 =	vshll.u32 v11, $0x3  }
0x127: {  	s0 =	sand.u32 $0xC0, s15;
	s4 =	sor.u32 s4, s13;
	s16 =	sor.u32 s2, s13;
	v11 =	vshll.u32 v14, $0x3;
	v62 =	vshll.u32 v3, $0x3;
	v3 =	vld.idx.msk [tilespmem:v1+s20+$0x0], $0xffff;
	v1 =	vor.u32 v0, v9  }
0x128: {  	s30 =	sor.u32 s12, s13;
	s3 =	sand.u32 $0x80, s8;
	s8 =	sand.u32 $0xF0, s18;
	v9 =	vor.u32 v0, v10;
	v17 =	vor.u32 v0, v11;
	[tilespmem:s16+$0x0] =	vst v4;
	v4 =	vshll.u32 v13, $0x3  }
0x129: {  	s18 =	sor.u32 s7, s13;
	s7 =	sor.u32 s11, s13;
	s5 =	simm.s32 $0x8;
	v10 =	vor.u32 $0x3, v8;
	v11 =	vor.u32 $0x3, v1;
	[tilespmem:s4+$0x0] =	vst v6;
	v63 =	vor.u32 v0, v4;
	v4 =	vld.idx.msk [tilespmem:v5+s20+$0x0], $0xffff  }
0x12a: {  	s24 =	sand.u32 $0x90, s26;
	s23 =	sand.u32 $0xA0, s31;
	s31 =	sor.u32 s9, s13;
	v7 =	vld.idx.msk [tilespmem:v7+s20+$0x0], $0xffff;
	v1 =	vor.u32 $0x3, v61;
	v13 =	vor.u32 v0, v62;
	v8 =	vor.u32 $0x3, v9;
	[tilespmem:s18+$0x0] =	vst v2  }
0x12b: {  	s26 =	sor.u32 s3, s13;
	s9 =	sor.u32 s10, s13;
	s16 =	sand.u32 $0xD0, s17;
	v6 =	vor.u32 $0x3, v17;
	v2 =	vor.u32 $0x3, v13;
	v5 =	vor.u32 $0x3, v63;
	[tilespmem:s31+$0x0] =	vst v16;
	v9 =	vld.idx.msk [tilespmem:v15+s20+$0x0], $0xffff  }
.LBB2_13:
0x12c: {  	s31 =	sadd.s32 $0xFFFFFFF0, s28  }
0x12d: {  	v12 =	vmov s28;
	s5 =	sadd.s32 $0x8, s5;
	v13 =	vmov s29;
	s3 =	sand.u32 $0xF00, s29;
	[tilespmem:s9+$0x0] =	vst v3;
	s4 =	sand.u32 $0xE0, s25  }
0x12e: {  	s9 =	sadd.s32 $0xFFFFFFB0, s28;
	v3 =	vmov s31;
	v12 =	vshll.u32 v12, $0x3;
	p0 =	slt.u32 s5, $0xF8;
	v13 =	vshll.u32 v13, $0x3;
	s3 =	sor.u32 $0x16000, s3;
	v14 =	vld.idx.msk [tilespmem:v10+s20+$0x0], $0xffff;
	[tilespmem:s7+$0x0] =	vst v4  }
0x12f: {  	s10 =	sadd.s32 $0xFFFFFFC0, s28;
	s7 =	sadd.s32 $0xFFFFFFA0, s28;
	v3 =	vshll.u32 v3, $0x3;
	v12 =	vor.u32 v0, v12;
	v10 =	vor.u32 v0, v13;
	v13 =	vld.idx.msk [tilespmem:v11+s20+$0x0], $0xffff;
	s4 =	sor.u32 s4, s3;
	[tilespmem:s30+$0x0] =	vst v7  }
0x130: {  	s11 =	sadd.s32 $0xFFFFFFD0, s28;
	s12 =	sadd.s32 $0xFFFFFFE0, s28;
	s14 =	sand.u32 $0xF0, s28;
	v4 =	vmov s7;
	v7 =	vmov s9;
	v3 =	vor.u32 v0, v3;
	v15 =	vld.idx.msk [tilespmem:v8+s20+$0x0], $0xffff;
	[tilespmem:s4+$0x0] =	vst v9  }
0x131: {  	s13 =	sand.u32 $0xA0, s9;
	s4 =	sand.u32 $0x90, s7;
	v8 =	vmov s10;
	v9 =	vmov s11;
	s7 =	sand.u32 $0x80, s29;
	v16 =	vor.u32 $0x3, v3;
	v17 =	vld.idx.msk [tilespmem:v5+s20+$0x0], $0xffff  }
0x132: {  	v7 =	vshll.u32 v7, $0x3;
	s10 =	sand.u32 $0xB0, s10;
	s11 =	sand.u32 $0xC0, s11;
	v5 =	vshll.u32 v4, $0x3;
	v4 =	vmov s12;
	s12 =	sand.u32 $0xD0, s12;
	v3 =	vld.idx.msk [tilespmem:v6+s20+$0x0], $0xffff  }
0x133: {  	s17 =	sor.u32 s24, s3;
	s18 =	sor.u32 s23, s3;
	s15 =	sor.u32 s7, s3;
	v6 =	vshll.u32 v8, $0x3;
	v8 =	vshll.u32 v9, $0x3;
	v9 =	vshll.u32 v4, $0x3;
	v4 =	vld.idx.msk [tilespmem:v2+s20+$0x0], $0xffff  }
.Ltmp6:
0x134: {  	s2 =	sor.u32 s6, s3;
	s9 =	sor.u32 s0, s3;
	v2 =	vor.u32 v0, v5;
	v5 =	vor.u32 v0, v7;
	v6 =	vor.u32 v0, v6;
	v7 =	vld.idx.msk [tilespmem:v1+s20+$0x0], $0xffff;
	(pc) =	sbr.rel @p0 .LBB2_13-.Ltmp6, $4  }
0x135: {  	s25 =	smov.u32 s31;
	s30 =	sor.u32 s8, s3;
	v10 =	vor.u32 $0x3, v10;
	s7 =	sor.u32 s16, s3;
	v18 =	vor.u32 v0, v9;
	v1 =	vor.u32 v0, v8;
	[tilespmem:s26+$0x0] =	vst v14  }
0x136: {  	s23 =	smov.u32 s13;
	s24 =	smov.u32 s4;
	s6 =	smov.u32 s10;
	v11 =	vor.u32 $0x3, v2;
	v8 =	vor.u32 $0x3, v5;
	v5 =	vor.u32 $0x3, v6;
	v9 =	vld.idx.msk [tilespmem:v16+s20+$0x0], $0xffff;
	[tilespmem:s17+$0x0] =	vst v13  }
0x137: {  	s8 =	smov.u32 s14;
	s0 =	smov.u32 s11;
	s16 =	smov.u32 s12;
	v2 =	vor.u32 $0x3, v18;
	v6 =	vor.u32 $0x3, v1;
	v1 =	vor.u32 $0x3, v12;
	[tilespmem:s18+$0x0] =	vst v15  }
0x138: {  	s29 =	sadd.s32 $0xFFFFFF90, s28;
	s28 =	sadd.s32 $0x80, s28;
	s26 =	smov.u32 s15;
	[tilespmem:s2+$0x0] =	vst v17  }
0x139: {  	_ =	sdelay $0x2  }
0x13a: {  	v12 =	vmov s29  }
0x13b: {  	v10 =	vld.idx.msk [tilespmem:v10+s20+$0x0], $0xffff;
	v12 =	vshll.u32 v12, $0x3  }
0x13c: {  	s2 =	sand.u32 $0xF00, s29;
	[tilespmem:s9+$0x0] =	vst v3;
	v11 =	vld.idx.msk [tilespmem:v11+s20+$0x0], $0xffff;
	v3 =	vor.u32 v0, v12  }
0x13d: {  	s3 =	sand.u32 $0xE0, s25;
	[tilespmem:s7+$0x0] =	vst v4;
	v4 =	vld.idx.msk [tilespmem:v8+s20+$0x0], $0xffff;
	s2 =	sor.u32 $0x16000, s2;
	v3 =	vor.u32 $0x3, v3  }
0x13e: {  	[tilespmem:s30+$0x0] =	vst v7;
	v5 =	vld.idx.msk [tilespmem:v5+s20+$0x0], $0xffff;
	s3 =	sor.u32 s3, s2  }
0x13f: {  	v6 =	vld.idx.msk [tilespmem:v6+s20+$0x0], $0xffff;
	s28 =	simm.s32 $0x70;
	[tilespmem:s3+$0x0] =	vst v9  }
0x140: {  	v2 =	vld.idx.msk [tilespmem:v2+s20+$0x0], $0xffff;
	s15 =	simm.s32 $0x30;
	v7 =	vmov s28;
	s12 =	sor.u32 s24, s2;
	[tilespmem:s26+$0x0] =	vst v10  }
0x141: {  	s5 =	simm.s32 $0x60;
	v1 =	vld.idx.msk [tilespmem:v1+s20+$0x0], $0xffff;
	s13 =	simm.s32 $0x10;
	s4 =	sor.u32 s23, s2;
	v7 =	vshll.u32 v7, $0x3;
	v9 =	vmov s15;
	[tilespmem:s12+$0x0] =	vst v11  }
0x142: {  	s14 =	simm.s32 $0x20;
	s17 =	simm.s32 $0x40;
	v8 =	vmov s5;
	s6 =	sor.u32 s6, s2;
	v7 =	vor.u32 v0, v7;
	v9 =	vshll.u32 v9, $0x3;
	[tilespmem:s4+$0x0] =	vst v4;
	v3 =	vld.idx.msk [tilespmem:v3+s20+$0x0], $0xffff  }
0x143: {  	s0 =	sor.u32 s0, s2;
	s18 =	sor.u32 s16, s2;
	s16 =	simm.s32 $0xA0;
	v7 =	vor.u32 $0x4, v7;
	v4 =	vshll.u32 v8, $0x3;
	v8 =	vmov s13;
	[tilespmem:s6+$0x0] =	vst v5  }
0x144: {  	s10 =	sand.u32 $0x80, s29;
	s23 =	simm.s32 $0x50;
	v5 =	vmov s14;
	[tilespmem:s0+$0x0] =	vst v6;
	v6 =	vmov s17;
	v11 =	vmov s16  }
0x145: {  	s8 =	sor.u32 s8, s2;
	s3 =	sand.u32 $0x90, s13;
	[tilespmem:s18+$0x0] =	vst v2;
	s13 =	simm.s32 $0xB0;
	v4 =	vor.u32 v0, v4;
	v8 =	vshll.u32 v8, $0x3;
	v2 =	vshll.u32 v5, $0x3  }
0x146: {  	s2 =	sor.u32 s10, s2;
	[tilespmem:s8+$0x0] =	vst v1;
	v5 =	vmov s23;
	v1 =	vshll.u32 v6, $0x3;
	v13 =	vmov s13  }
0x147: {  	v4 =	vor.u32 $0x4, v4;
	v5 =	vshll.u32 v5, $0x3;
	v6 =	vor.u32 v0, v8;
	[tilespmem:s2+$0x0] =	vst v3  }
0x148: {  	s25 =	simm.s32 $0x16000;
	s31 =	simm.s32 $0xF0;
	v2 =	vor.u32 v0, v2;
	v1 =	vor.u32 v0, v1;
	v6 =	vor.u32 $0x4, v6;
	s2 =	rddreg [dreg:$0xa]  }
0x149: {  	s24 =	simm.s32 $0x0;
	s26 =	simm.s32 $0x0;
	v8 =	vmov s31;
	v2 =	vor.u32 $0x4, v2;
	v3 =	vor.u32 v0, v9;
	s2 =	sadd.s32 s21, s2  }
0x14a: {  	v5 =	vor.u32 v0, v5;
	v1 =	vor.u32 $0x4, v1;
	v3 =	vor.u32 $0x4, v3;
	[hbm4b:s2+s24] =	stream.linear.scatter [tilespmem:s25], [sflag:$0x3], $0x1000, $0x38;
	[tilespmem:$0x1B000] =	vst v63  }
0x14b: {  	s29 =	simm.s32 $0x80;
	s7 =	sand.u32 $0xB0, s15;
	v8 =	vshll.u32 v8, $0x3;
	v5 =	vor.u32 $0x4, v5;
	v9 =	vmov s26;
	s25 =	simm.s32 $0xE0  }
0x14c: {  	s9 =	sand.u32 $0xC0, s17;
	s11 =	sand.u32 $0xF0, s28;
	s6 =	simm.s32 $0x90;
	v61 =	vor.u32 v0, v8;
	v9 =	vshll.u32 v9, $0x3;
	v4 =	vld.idx.msk [tilespmem:v4+s20+$0x0], $0xffff;
	v10 =	vmov s25  }
0x14d: {  	s28 =	simm.s32 $0x170;
	s4 =	sand.u32 $0xA0, s14;
	s14 =	simm.s32 $0xC0;
	v8 =	vor.u32 v0, v9;
	v9 =	vmov s6;
	v6 =	vld.idx.msk [tilespmem:v6+s20+$0x0], $0xffff;
	v10 =	vshll.u32 v10, $0x3  }
0x14e: {  	s10 =	sand.u32 $0xD0, s23;
	s17 =	simm.s32 $0xD0;
	s12 =	sand.u32 $0xF00, s26;
	v14 =	vmov s14;
	v9 =	vshll.u32 v9, $0x3;
	v2 =	vld.idx.msk [tilespmem:v2+s20+$0x0], $0xffff;
	v10 =	vor.u32 v0, v10  }
0x14f: {  	s15 =	sand.u32 $0xE0, s5;
	s5 =	simm.s32 $0x8;
	s12 =	sor.u32 $0x17000, s12;
	v16 =	vld.idx.msk [tilespmem:v3+s20+$0x0], $0xffff;
	v3 =	vmov s17;
	v15 =	vor.u32 $0x4, v10;
	v10 =	vshll.u32 v11, $0x3  }
0x150: {  	s8 =	sand.u32 $0xF0, s31;
	s23 =	sand.u32 $0xA0, s16;
	s15 =	sor.u32 s15, s12;
	v11 =	vshll.u32 v14, $0x3;
	v62 =	vshll.u32 v3, $0x3;
	v3 =	vld.idx.msk [tilespmem:v1+s20+$0x0], $0xffff;
	v1 =	vor.u32 v0, v9  }
0x151: {  	s0 =	sand.u32 $0xC0, s14;
	s16 =	sand.u32 $0xD0, s17;
	s3 =	sor.u32 s3, s12;
	v9 =	vor.u32 v0, v10;
	v17 =	vor.u32 v0, v11;
	[tilespmem:s15+$0x0] =	vst v4;
	v4 =	vshll.u32 v13, $0x3  }
0x152: {  	s18 =	sor.u32 s4, s12;
	s31 =	sor.u32 s7, s12;
	s9 =	sor.u32 s9, s12;
	v10 =	vor.u32 $0x4, v8;
	v11 =	vor.u32 $0x4, v1;
	[tilespmem:s3+$0x0] =	vst v6;
	v63 =	vor.u32 v0, v4;
	v4 =	vld.idx.msk [tilespmem:v5+s20+$0x0], $0xffff  }
0x153: {  	s7 =	sor.u32 s10, s12;
	s30 =	sor.u32 s11, s12;
	s2 =	sand.u32 $0x80, s26;
	v7 =	vld.idx.msk [tilespmem:v7+s20+$0x0], $0xffff;
	v1 =	vor.u32 $0x4, v61;
	v13 =	vor.u32 v0, v62;
	v8 =	vor.u32 $0x4, v9;
	[tilespmem:s18+$0x0] =	vst v2  }
0x154: {  	s24 =	sand.u32 $0x90, s6;
	s6 =	sand.u32 $0xB0, s13;
	s26 =	sor.u32 s2, s12;
	v6 =	vor.u32 $0x4, v17;
	v2 =	vor.u32 $0x4, v13;
	v5 =	vor.u32 $0x4, v63;
	[tilespmem:s31+$0x0] =	vst v16;
	v9 =	vld.idx.msk [tilespmem:v15+s20+$0x0], $0xffff  }
.LBB2_15:
0x155: {  	s31 =	sadd.s32 $0xFFFFFFF0, s28  }
0x156: {  	v12 =	vmov s28;
	s5 =	sadd.s32 $0x8, s5;
	v13 =	vmov s29;
	s2 =	sand.u32 $0xF00, s29;
	[tilespmem:s9+$0x0] =	vst v3;
	s3 =	sand.u32 $0xE0, s25  }
0x157: {  	s4 =	sadd.s32 $0xFFFFFFA0, s28;
	v3 =	vmov s31;
	v12 =	vshll.u32 v12, $0x3;
	p0 =	slt.u32 s5, $0xF8;
	v13 =	vshll.u32 v13, $0x3;
	s2 =	sor.u32 $0x17000, s2;
	v14 =	vld.idx.msk [tilespmem:v10+s20+$0x0], $0xffff;
	[tilespmem:s7+$0x0] =	vst v4  }
0x158: {  	s9 =	sadd.s32 $0xFFFFFFC0, s28;
	s7 =	sadd.s32 $0xFFFFFFB0, s28;
	v3 =	vshll.u32 v3, $0x3;
	v12 =	vor.u32 v0, v12;
	v10 =	vor.u32 v0, v13;
	v13 =	vld.idx.msk [tilespmem:v11+s20+$0x0], $0xffff;
	s3 =	sor.u32 s3, s2;
	[tilespmem:s30+$0x0] =	vst v7  }
0x159: {  	s10 =	sadd.s32 $0xFFFFFFD0, s28;
	s11 =	sadd.s32 $0xFFFFFFE0, s28;
	s13 =	sand.u32 $0xF0, s28;
	v4 =	vmov s4;
	v7 =	vmov s7;
	v3 =	vor.u32 v0, v3;
	v15 =	vld.idx.msk [tilespmem:v8+s20+$0x0], $0xffff;
	[tilespmem:s3+$0x0] =	vst v9  }
0x15a: {  	s3 =	sand.u32 $0x90, s4;
	s4 =	sand.u32 $0xA0, s7;
	v8 =	vmov s9;
	v9 =	vmov s10;
	s7 =	sand.u32 $0x80, s29;
	v16 =	vor.u32 $0x4, v3;
	v17 =	vld.idx.msk [tilespmem:v5+s20+$0x0], $0xffff  }
0x15b: {  	s12 =	sand.u32 $0xB0, s9;
	v7 =	vshll.u32 v7, $0x3;
	s10 =	sand.u32 $0xC0, s10;
	v5 =	vshll.u32 v4, $0x3;
	v4 =	vmov s11;
	s11 =	sand.u32 $0xD0, s11;
	v3 =	vld.idx.msk [tilespmem:v6+s20+$0x0], $0xffff  }
0x15c: {  	s15 =	sor.u32 s24, s2;
	s17 =	sor.u32 s23, s2;
	s14 =	sor.u32 s7, s2;
	v6 =	vshll.u32 v8, $0x3;
	v8 =	vshll.u32 v9, $0x3;
	v9 =	vshll.u32 v4, $0x3;
	v4 =	vld.idx.msk [tilespmem:v2+s20+$0x0], $0xffff  }
.Ltmp7:
0x15d: {  	s18 =	sor.u32 s6, s2;
	s9 =	sor.u32 s0, s2;
	v2 =	vor.u32 v0, v5;
	v5 =	vor.u32 v0, v7;
	v6 =	vor.u32 v0, v6;
	v7 =	vld.idx.msk [tilespmem:v1+s20+$0x0], $0xffff;
	(pc) =	sbr.rel @p0 .LBB2_15-.Ltmp7, $4  }
0x15e: {  	s25 =	smov.u32 s31;
	s30 =	sor.u32 s8, s2;
	v10 =	vor.u32 $0x4, v10;
	s7 =	sor.u32 s16, s2;
	v18 =	vor.u32 v0, v9;
	v1 =	vor.u32 v0, v8;
	[tilespmem:s26+$0x0] =	vst v14  }
0x15f: {  	s6 =	smov.u32 s12;
	s24 =	smov.u32 s3;
	s23 =	smov.u32 s4;
	v11 =	vor.u32 $0x4, v2;
	v8 =	vor.u32 $0x4, v5;
	v5 =	vor.u32 $0x4, v6;
	v9 =	vld.idx.msk [tilespmem:v16+s20+$0x0], $0xffff;
	[tilespmem:s15+$0x0] =	vst v13  }
0x160: {  	s8 =	smov.u32 s13;
	s0 =	smov.u32 s10;
	s16 =	smov.u32 s11;
	v2 =	vor.u32 $0x4, v18;
	v6 =	vor.u32 $0x4, v1;
	v1 =	vor.u32 $0x4, v12;
	[tilespmem:s17+$0x0] =	vst v15  }
0x161: {  	s29 =	sadd.s32 $0xFFFFFF90, s28;
	s28 =	sadd.s32 $0x80, s28;
	s26 =	smov.u32 s14;
	[tilespmem:s18+$0x0] =	vst v17  }
0x162: {  	_ =	sdelay $0x2  }
0x163: {  	v12 =	vmov s29  }
0x164: {  	v10 =	vld.idx.msk [tilespmem:v10+s20+$0x0], $0xffff;
	v12 =	vshll.u32 v12, $0x3  }
0x165: {  	s2 =	sand.u32 $0xF00, s29;
	[tilespmem:s9+$0x0] =	vst v3;
	v11 =	vld.idx.msk [tilespmem:v11+s20+$0x0], $0xffff;
	v3 =	vor.u32 v0, v12  }
0x166: {  	s3 =	sand.u32 $0xE0, s25;
	[tilespmem:s7+$0x0] =	vst v4;
	v4 =	vld.idx.msk [tilespmem:v8+s20+$0x0], $0xffff;
	s2 =	sor.u32 $0x17000, s2;
	v3 =	vor.u32 $0x4, v3  }
0x167: {  	[tilespmem:s30+$0x0] =	vst v7;
	v5 =	vld.idx.msk [tilespmem:v5+s20+$0x0], $0xffff;
	s3 =	sor.u32 s3, s2  }
0x168: {  	v6 =	vld.idx.msk [tilespmem:v6+s20+$0x0], $0xffff;
	s28 =	simm.s32 $0x70;
	[tilespmem:s3+$0x0] =	vst v9  }
0x169: {  	v2 =	vld.idx.msk [tilespmem:v2+s20+$0x0], $0xffff;
	s15 =	simm.s32 $0x30;
	v7 =	vmov s28;
	s12 =	sor.u32 s24, s2;
	[tilespmem:s26+$0x0] =	vst v10  }
0x16a: {  	s5 =	simm.s32 $0x60;
	v1 =	vld.idx.msk [tilespmem:v1+s20+$0x0], $0xffff;
	s13 =	simm.s32 $0x10;
	s4 =	sor.u32 s23, s2;
	v7 =	vshll.u32 v7, $0x3;
	v9 =	vmov s15;
	[tilespmem:s12+$0x0] =	vst v11  }
0x16b: {  	s14 =	simm.s32 $0x20;
	s17 =	simm.s32 $0x40;
	v8 =	vmov s5;
	s6 =	sor.u32 s6, s2;
	v7 =	vor.u32 v0, v7;
	v9 =	vshll.u32 v9, $0x3;
	[tilespmem:s4+$0x0] =	vst v4;
	v3 =	vld.idx.msk [tilespmem:v3+s20+$0x0], $0xffff  }
0x16c: {  	s0 =	sor.u32 s0, s2;
	s18 =	sor.u32 s16, s2;
	s16 =	simm.s32 $0xA0;
	v7 =	vor.u32 $0x5, v7;
	v4 =	vshll.u32 v8, $0x3;
	v8 =	vmov s13;
	[tilespmem:s6+$0x0] =	vst v5  }
0x16d: {  	s10 =	sand.u32 $0x80, s29;
	s23 =	simm.s32 $0x50;
	v5 =	vmov s14;
	[tilespmem:s0+$0x0] =	vst v6;
	v6 =	vmov s17;
	v11 =	vmov s16  }
0x16e: {  	s8 =	sor.u32 s8, s2;
	s3 =	sand.u32 $0x90, s13;
	[tilespmem:s18+$0x0] =	vst v2;
	s13 =	simm.s32 $0xB0;
	v4 =	vor.u32 v0, v4;
	v8 =	vshll.u32 v8, $0x3;
	v2 =	vshll.u32 v5, $0x3  }
0x16f: {  	s2 =	sor.u32 s10, s2;
	[tilespmem:s8+$0x0] =	vst v1;
	v5 =	vmov s23;
	v1 =	vshll.u32 v6, $0x3;
	v13 =	vmov s13  }
0x170: {  	v4 =	vor.u32 $0x5, v4;
	v5 =	vshll.u32 v5, $0x3;
	v6 =	vor.u32 v0, v8;
	[tilespmem:s2+$0x0] =	vst v3  }
0x171: {  	s25 =	simm.s32 $0x17000;
	s31 =	simm.s32 $0xF0;
	v2 =	vor.u32 v0, v2;
	v1 =	vor.u32 v0, v1;
	v6 =	vor.u32 $0x5, v6;
	s2 =	rddreg [dreg:$0xb]  }
0x172: {  	s24 =	simm.s32 $0x0;
	s26 =	simm.s32 $0x0;
	v8 =	vmov s31;
	v2 =	vor.u32 $0x5, v2;
	v3 =	vor.u32 v0, v9;
	s2 =	sadd.s32 s21, s2  }
0x173: {  	v5 =	vor.u32 v0, v5;
	v1 =	vor.u32 $0x5, v1;
	v3 =	vor.u32 $0x5, v3;
	[hbm4b:s2+s24] =	stream.linear.scatter [tilespmem:s25], [sflag:$0x3], $0x1000, $0x38;
	[tilespmem:$0x1B000] =	vst v63  }
0x174: {  	s29 =	simm.s32 $0x80;
	s7 =	sand.u32 $0xB0, s15;
	v8 =	vshll.u32 v8, $0x3;
	v5 =	vor.u32 $0x5, v5;
	v9 =	vmov s26;
	s25 =	simm.s32 $0xE0  }
0x175: {  	s9 =	sand.u32 $0xC0, s17;
	s11 =	sand.u32 $0xF0, s28;
	s6 =	simm.s32 $0x90;
	v61 =	vor.u32 v0, v8;
	v9 =	vshll.u32 v9, $0x3;
	v4 =	vld.idx.msk [tilespmem:v4+s20+$0x0], $0xffff;
	v10 =	vmov s25  }
0x176: {  	s28 =	simm.s32 $0x170;
	s4 =	sand.u32 $0xA0, s14;
	s14 =	simm.s32 $0xC0;
	v8 =	vor.u32 v0, v9;
	v9 =	vmov s6;
	v6 =	vld.idx.msk [tilespmem:v6+s20+$0x0], $0xffff;
	v10 =	vshll.u32 v10, $0x3  }
0x177: {  	s10 =	sand.u32 $0xD0, s23;
	s17 =	simm.s32 $0xD0;
	s12 =	sand.u32 $0xF00, s26;
	v14 =	vmov s14;
	v9 =	vshll.u32 v9, $0x3;
	v2 =	vld.idx.msk [tilespmem:v2+s20+$0x0], $0xffff;
	v10 =	vor.u32 v0, v10  }
0x178: {  	s15 =	sand.u32 $0xE0, s5;
	s5 =	simm.s32 $0x8;
	s12 =	sor.u32 $0x18000, s12;
	v16 =	vld.idx.msk [tilespmem:v3+s20+$0x0], $0xffff;
	v3 =	vmov s17;
	v15 =	vor.u32 $0x5, v10;
	v10 =	vshll.u32 v11, $0x3  }
0x179: {  	s8 =	sand.u32 $0xF0, s31;
	s23 =	sand.u32 $0xA0, s16;
	s15 =	sor.u32 s15, s12;
	v11 =	vshll.u32 v14, $0x3;
	v62 =	vshll.u32 v3, $0x3;
	v3 =	vld.idx.msk [tilespmem:v1+s20+$0x0], $0xffff;
	v1 =	vor.u32 v0, v9  }
0x17a: {  	s0 =	sand.u32 $0xC0, s14;
	s16 =	sand.u32 $0xD0, s17;
	s3 =	sor.u32 s3, s12;
	v9 =	vor.u32 v0, v10;
	v17 =	vor.u32 v0, v11;
	[tilespmem:s15+$0x0] =	vst v4;
	v4 =	vshll.u32 v13, $0x3  }
0x17b: {  	s18 =	sor.u32 s4, s12;
	s31 =	sor.u32 s7, s12;
	s9 =	sor.u32 s9, s12;
	v10 =	vor.u32 $0x5, v8;
	v11 =	vor.u32 $0x5, v1;
	[tilespmem:s3+$0x0] =	vst v6;
	v63 =	vor.u32 v0, v4;
	v4 =	vld.idx.msk [tilespmem:v5+s20+$0x0], $0xffff  }
0x17c: {  	s7 =	sor.u32 s10, s12;
	s30 =	sor.u32 s11, s12;
	s2 =	sand.u32 $0x80, s26;
	v7 =	vld.idx.msk [tilespmem:v7+s20+$0x0], $0xffff;
	v1 =	vor.u32 $0x5, v61;
	v13 =	vor.u32 v0, v62;
	v8 =	vor.u32 $0x5, v9;
	[tilespmem:s18+$0x0] =	vst v2  }
0x17d: {  	s24 =	sand.u32 $0x90, s6;
	s6 =	sand.u32 $0xB0, s13;
	s26 =	sor.u32 s2, s12;
	v6 =	vor.u32 $0x5, v17;
	v2 =	vor.u32 $0x5, v13;
	v5 =	vor.u32 $0x5, v63;
	[tilespmem:s31+$0x0] =	vst v16;
	v9 =	vld.idx.msk [tilespmem:v15+s20+$0x0], $0xffff  }
.LBB2_17:
0x17e: {  	s31 =	sadd.s32 $0xFFFFFFF0, s28  }
0x17f: {  	v12 =	vmov s28;
	s5 =	sadd.s32 $0x8, s5;
	v13 =	vmov s29;
	s2 =	sand.u32 $0xF00, s29;
	[tilespmem:s9+$0x0] =	vst v3;
	s3 =	sand.u32 $0xE0, s25  }
0x180: {  	s4 =	sadd.s32 $0xFFFFFFA0, s28;
	v3 =	vmov s31;
	v12 =	vshll.u32 v12, $0x3;
	p0 =	slt.u32 s5, $0xF8;
	v13 =	vshll.u32 v13, $0x3;
	s2 =	sor.u32 $0x18000, s2;
	v14 =	vld.idx.msk [tilespmem:v10+s20+$0x0], $0xffff;
	[tilespmem:s7+$0x0] =	vst v4  }
0x181: {  	s9 =	sadd.s32 $0xFFFFFFC0, s28;
	s7 =	sadd.s32 $0xFFFFFFB0, s28;
	v3 =	vshll.u32 v3, $0x3;
	v12 =	vor.u32 v0, v12;
	v10 =	vor.u32 v0, v13;
	v13 =	vld.idx.msk [tilespmem:v11+s20+$0x0], $0xffff;
	s3 =	sor.u32 s3, s2;
	[tilespmem:s30+$0x0] =	vst v7  }
0x182: {  	s10 =	sadd.s32 $0xFFFFFFD0, s28;
	s11 =	sadd.s32 $0xFFFFFFE0, s28;
	s13 =	sand.u32 $0xF0, s28;
	v4 =	vmov s4;
	v7 =	vmov s7;
	v3 =	vor.u32 v0, v3;
	v15 =	vld.idx.msk [tilespmem:v8+s20+$0x0], $0xffff;
	[tilespmem:s3+$0x0] =	vst v9  }
0x183: {  	s3 =	sand.u32 $0x90, s4;
	s4 =	sand.u32 $0xA0, s7;
	v8 =	vmov s9;
	v9 =	vmov s10;
	s7 =	sand.u32 $0x80, s29;
	v16 =	vor.u32 $0x5, v3;
	v17 =	vld.idx.msk [tilespmem:v5+s20+$0x0], $0xffff  }
0x184: {  	s12 =	sand.u32 $0xB0, s9;
	v7 =	vshll.u32 v7, $0x3;
	s10 =	sand.u32 $0xC0, s10;
	v5 =	vshll.u32 v4, $0x3;
	v4 =	vmov s11;
	s11 =	sand.u32 $0xD0, s11;
	v3 =	vld.idx.msk [tilespmem:v6+s20+$0x0], $0xffff  }
0x185: {  	s15 =	sor.u32 s24, s2;
	s17 =	sor.u32 s23, s2;
	s14 =	sor.u32 s7, s2;
	v6 =	vshll.u32 v8, $0x3;
	v8 =	vshll.u32 v9, $0x3;
	v9 =	vshll.u32 v4, $0x3;
	v4 =	vld.idx.msk [tilespmem:v2+s20+$0x0], $0xffff  }
.Ltmp8:
0x186: {  	s18 =	sor.u32 s6, s2;
	s9 =	sor.u32 s0, s2;
	v2 =	vor.u32 v0, v5;
	v5 =	vor.u32 v0, v7;
	v6 =	vor.u32 v0, v6;
	v7 =	vld.idx.msk [tilespmem:v1+s20+$0x0], $0xffff;
	(pc) =	sbr.rel @p0 .LBB2_17-.Ltmp8, $4  }
0x187: {  	s25 =	smov.u32 s31;
	s30 =	sor.u32 s8, s2;
	v10 =	vor.u32 $0x5, v10;
	s7 =	sor.u32 s16, s2;
	v18 =	vor.u32 v0, v9;
	v1 =	vor.u32 v0, v8;
	[tilespmem:s26+$0x0] =	vst v14  }
0x188: {  	s6 =	smov.u32 s12;
	s24 =	smov.u32 s3;
	s23 =	smov.u32 s4;
	v11 =	vor.u32 $0x5, v2;
	v8 =	vor.u32 $0x5, v5;
	v5 =	vor.u32 $0x5, v6;
	v9 =	vld.idx.msk [tilespmem:v16+s20+$0x0], $0xffff;
	[tilespmem:s15+$0x0] =	vst v13  }
0x189: {  	s8 =	smov.u32 s13;
	s0 =	smov.u32 s10;
	s16 =	smov.u32 s11;
	v2 =	vor.u32 $0x5, v18;
	v6 =	vor.u32 $0x5, v1;
	v1 =	vor.u32 $0x5, v12;
	[tilespmem:s17+$0x0] =	vst v15  }
0x18a: {  	s29 =	sadd.s32 $0xFFFFFF90, s28;
	s28 =	sadd.s32 $0x80, s28;
	s26 =	smov.u32 s14;
	[tilespmem:s18+$0x0] =	vst v17  }
0x18b: {  	_ =	sdelay $0x2  }
0x18c: {  	v12 =	vmov s29  }
0x18d: {  	v10 =	vld.idx.msk [tilespmem:v10+s20+$0x0], $0xffff;
	v12 =	vshll.u32 v12, $0x3  }
0x18e: {  	s2 =	sand.u32 $0xF00, s29;
	[tilespmem:s9+$0x0] =	vst v3;
	v11 =	vld.idx.msk [tilespmem:v11+s20+$0x0], $0xffff;
	v3 =	vor.u32 v0, v12  }
0x18f: {  	s3 =	sand.u32 $0xE0, s25;
	[tilespmem:s7+$0x0] =	vst v4;
	v4 =	vld.idx.msk [tilespmem:v8+s20+$0x0], $0xffff;
	s2 =	sor.u32 $0x18000, s2;
	v3 =	vor.u32 $0x5, v3  }
0x190: {  	[tilespmem:s30+$0x0] =	vst v7;
	v5 =	vld.idx.msk [tilespmem:v5+s20+$0x0], $0xffff;
	s3 =	sor.u32 s3, s2  }
0x191: {  	v6 =	vld.idx.msk [tilespmem:v6+s20+$0x0], $0xffff;
	s28 =	simm.s32 $0x70;
	[tilespmem:s3+$0x0] =	vst v9  }
0x192: {  	v2 =	vld.idx.msk [tilespmem:v2+s20+$0x0], $0xffff;
	s15 =	simm.s32 $0x30;
	v7 =	vmov s28;
	s12 =	sor.u32 s24, s2;
	[tilespmem:s26+$0x0] =	vst v10  }
0x193: {  	s5 =	simm.s32 $0x60;
	v1 =	vld.idx.msk [tilespmem:v1+s20+$0x0], $0xffff;
	s13 =	simm.s32 $0x10;
	s4 =	sor.u32 s23, s2;
	v7 =	vshll.u32 v7, $0x3;
	v9 =	vmov s15;
	[tilespmem:s12+$0x0] =	vst v11  }
0x194: {  	s14 =	simm.s32 $0x20;
	s17 =	simm.s32 $0x40;
	v8 =	vmov s5;
	s6 =	sor.u32 s6, s2;
	v7 =	vor.u32 v0, v7;
	v9 =	vshll.u32 v9, $0x3;
	[tilespmem:s4+$0x0] =	vst v4;
	v3 =	vld.idx.msk [tilespmem:v3+s20+$0x0], $0xffff  }
0x195: {  	s0 =	sor.u32 s0, s2;
	s18 =	sor.u32 s16, s2;
	s16 =	simm.s32 $0xA0;
	v7 =	vor.u32 $0x6, v7;
	v4 =	vshll.u32 v8, $0x3;
	v8 =	vmov s13;
	[tilespmem:s6+$0x0] =	vst v5  }
0x196: {  	s10 =	sand.u32 $0x80, s29;
	s23 =	simm.s32 $0x50;
	v5 =	vmov s14;
	[tilespmem:s0+$0x0] =	vst v6;
	v6 =	vmov s17;
	v11 =	vmov s16  }
0x197: {  	s8 =	sor.u32 s8, s2;
	s3 =	sand.u32 $0x90, s13;
	[tilespmem:s18+$0x0] =	vst v2;
	s13 =	simm.s32 $0xB0;
	v4 =	vor.u32 v0, v4;
	v8 =	vshll.u32 v8, $0x3;
	v2 =	vshll.u32 v5, $0x3  }
0x198: {  	s2 =	sor.u32 s10, s2;
	[tilespmem:s8+$0x0] =	vst v1;
	v5 =	vmov s23;
	v1 =	vshll.u32 v6, $0x3;
	v13 =	vmov s13  }
0x199: {  	v4 =	vor.u32 $0x6, v4;
	v5 =	vshll.u32 v5, $0x3;
	v6 =	vor.u32 v0, v8;
	[tilespmem:s2+$0x0] =	vst v3  }
0x19a: {  	s25 =	simm.s32 $0x18000;
	s31 =	simm.s32 $0xF0;
	v2 =	vor.u32 v0, v2;
	v1 =	vor.u32 v0, v1;
	v6 =	vor.u32 $0x6, v6;
	s2 =	rddreg [dreg:$0xc]  }
0x19b: {  	s24 =	simm.s32 $0x0;
	s26 =	simm.s32 $0x0;
	v8 =	vmov s31;
	v2 =	vor.u32 $0x6, v2;
	v3 =	vor.u32 v0, v9;
	s2 =	sadd.s32 s21, s2  }
0x19c: {  	v5 =	vor.u32 v0, v5;
	v1 =	vor.u32 $0x6, v1;
	v3 =	vor.u32 $0x6, v3;
	[hbm4b:s2+s24] =	stream.linear.scatter [tilespmem:s25], [sflag:$0x3], $0x1000, $0x38;
	[tilespmem:$0x1B000] =	vst v63  }
0x19d: {  	s29 =	simm.s32 $0x80;
	s7 =	sand.u32 $0xB0, s15;
	v8 =	vshll.u32 v8, $0x3;
	v5 =	vor.u32 $0x6, v5;
	v9 =	vmov s26;
	s25 =	simm.s32 $0xE0  }
0x19e: {  	s9 =	sand.u32 $0xC0, s17;
	s11 =	sand.u32 $0xF0, s28;
	s6 =	simm.s32 $0x90;
	v61 =	vor.u32 v0, v8;
	v9 =	vshll.u32 v9, $0x3;
	v4 =	vld.idx.msk [tilespmem:v4+s20+$0x0], $0xffff;
	v10 =	vmov s25  }
0x19f: {  	s28 =	simm.s32 $0x170;
	s4 =	sand.u32 $0xA0, s14;
	s14 =	simm.s32 $0xC0;
	v8 =	vor.u32 v0, v9;
	v9 =	vmov s6;
	v6 =	vld.idx.msk [tilespmem:v6+s20+$0x0], $0xffff;
	v10 =	vshll.u32 v10, $0x3  }
0x1a0: {  	s10 =	sand.u32 $0xD0, s23;
	s17 =	simm.s32 $0xD0;
	s12 =	sand.u32 $0xF00, s26;
	v14 =	vmov s14;
	v9 =	vshll.u32 v9, $0x3;
	v2 =	vld.idx.msk [tilespmem:v2+s20+$0x0], $0xffff;
	v10 =	vor.u32 v0, v10  }
0x1a1: {  	s15 =	sand.u32 $0xE0, s5;
	s5 =	simm.s32 $0x8;
	s12 =	sor.u32 $0x19000, s12;
	v16 =	vld.idx.msk [tilespmem:v3+s20+$0x0], $0xffff;
	v3 =	vmov s17;
	v15 =	vor.u32 $0x6, v10;
	v10 =	vshll.u32 v11, $0x3  }
0x1a2: {  	s8 =	sand.u32 $0xF0, s31;
	s23 =	sand.u32 $0xA0, s16;
	s15 =	sor.u32 s15, s12;
	v11 =	vshll.u32 v14, $0x3;
	v62 =	vshll.u32 v3, $0x3;
	v3 =	vld.idx.msk [tilespmem:v1+s20+$0x0], $0xffff;
	v1 =	vor.u32 v0, v9  }
0x1a3: {  	s0 =	sand.u32 $0xC0, s14;
	s16 =	sand.u32 $0xD0, s17;
	s3 =	sor.u32 s3, s12;
	v9 =	vor.u32 v0, v10;
	v17 =	vor.u32 v0, v11;
	[tilespmem:s15+$0x0] =	vst v4;
	v4 =	vshll.u32 v13, $0x3  }
0x1a4: {  	s18 =	sor.u32 s4, s12;
	s31 =	sor.u32 s7, s12;
	s9 =	sor.u32 s9, s12;
	v10 =	vor.u32 $0x6, v8;
	v11 =	vor.u32 $0x6, v1;
	[tilespmem:s3+$0x0] =	vst v6;
	v63 =	vor.u32 v0, v4;
	v4 =	vld.idx.msk [tilespmem:v5+s20+$0x0], $0xffff  }
0x1a5: {  	s7 =	sor.u32 s10, s12;
	s30 =	sor.u32 s11, s12;
	s2 =	sand.u32 $0x80, s26;
	v7 =	vld.idx.msk [tilespmem:v7+s20+$0x0], $0xffff;
	v1 =	vor.u32 $0x6, v61;
	v13 =	vor.u32 v0, v62;
	v8 =	vor.u32 $0x6, v9;
	[tilespmem:s18+$0x0] =	vst v2  }
0x1a6: {  	s24 =	sand.u32 $0x90, s6;
	s6 =	sand.u32 $0xB0, s13;
	s26 =	sor.u32 s2, s12;
	v6 =	vor.u32 $0x6, v17;
	v2 =	vor.u32 $0x6, v13;
	v5 =	vor.u32 $0x6, v63;
	[tilespmem:s31+$0x0] =	vst v16;
	v9 =	vld.idx.msk [tilespmem:v15+s20+$0x0], $0xffff  }
.LBB2_19:
0x1a7: {  	s31 =	sadd.s32 $0xFFFFFFF0, s28  }
0x1a8: {  	v12 =	vmov s28;
	s5 =	sadd.s32 $0x8, s5;
	v13 =	vmov s29;
	s2 =	sand.u32 $0xF00, s29;
	[tilespmem:s9+$0x0] =	vst v3;
	s3 =	sand.u32 $0xE0, s25  }
0x1a9: {  	s4 =	sadd.s32 $0xFFFFFFA0, s28;
	v3 =	vmov s31;
	v12 =	vshll.u32 v12, $0x3;
	p0 =	slt.u32 s5, $0xF8;
	v13 =	vshll.u32 v13, $0x3;
	s2 =	sor.u32 $0x19000, s2;
	v14 =	vld.idx.msk [tilespmem:v10+s20+$0x0], $0xffff;
	[tilespmem:s7+$0x0] =	vst v4  }
0x1aa: {  	s9 =	sadd.s32 $0xFFFFFFC0, s28;
	s7 =	sadd.s32 $0xFFFFFFB0, s28;
	v3 =	vshll.u32 v3, $0x3;
	v12 =	vor.u32 v0, v12;
	v10 =	vor.u32 v0, v13;
	v13 =	vld.idx.msk [tilespmem:v11+s20+$0x0], $0xffff;
	s3 =	sor.u32 s3, s2;
	[tilespmem:s30+$0x0] =	vst v7  }
0x1ab: {  	s10 =	sadd.s32 $0xFFFFFFD0, s28;
	s11 =	sadd.s32 $0xFFFFFFE0, s28;
	s13 =	sand.u32 $0xF0, s28;
	v4 =	vmov s4;
	v7 =	vmov s7;
	v3 =	vor.u32 v0, v3;
	v15 =	vld.idx.msk [tilespmem:v8+s20+$0x0], $0xffff;
	[tilespmem:s3+$0x0] =	vst v9  }
0x1ac: {  	s3 =	sand.u32 $0x90, s4;
	s4 =	sand.u32 $0xA0, s7;
	v8 =	vmov s9;
	v9 =	vmov s10;
	s7 =	sand.u32 $0x80, s29;
	v16 =	vor.u32 $0x6, v3;
	v17 =	vld.idx.msk [tilespmem:v5+s20+$0x0], $0xffff  }
0x1ad: {  	s12 =	sand.u32 $0xB0, s9;
	v7 =	vshll.u32 v7, $0x3;
	s10 =	sand.u32 $0xC0, s10;
	v5 =	vshll.u32 v4, $0x3;
	v4 =	vmov s11;
	s11 =	sand.u32 $0xD0, s11;
	v3 =	vld.idx.msk [tilespmem:v6+s20+$0x0], $0xffff  }
0x1ae: {  	s15 =	sor.u32 s24, s2;
	s17 =	sor.u32 s23, s2;
	s14 =	sor.u32 s7, s2;
	v6 =	vshll.u32 v8, $0x3;
	v8 =	vshll.u32 v9, $0x3;
	v9 =	vshll.u32 v4, $0x3;
	v4 =	vld.idx.msk [tilespmem:v2+s20+$0x0], $0xffff  }
.Ltmp9:
0x1af: {  	s18 =	sor.u32 s6, s2;
	s9 =	sor.u32 s0, s2;
	v2 =	vor.u32 v0, v5;
	v5 =	vor.u32 v0, v7;
	v6 =	vor.u32 v0, v6;
	v7 =	vld.idx.msk [tilespmem:v1+s20+$0x0], $0xffff;
	(pc) =	sbr.rel @p0 .LBB2_19-.Ltmp9, $4  }
0x1b0: {  	s25 =	smov.u32 s31;
	s30 =	sor.u32 s8, s2;
	v10 =	vor.u32 $0x6, v10;
	s7 =	sor.u32 s16, s2;
	v18 =	vor.u32 v0, v9;
	v1 =	vor.u32 v0, v8;
	[tilespmem:s26+$0x0] =	vst v14  }
0x1b1: {  	s6 =	smov.u32 s12;
	s24 =	smov.u32 s3;
	s23 =	smov.u32 s4;
	v11 =	vor.u32 $0x6, v2;
	v8 =	vor.u32 $0x6, v5;
	v5 =	vor.u32 $0x6, v6;
	v9 =	vld.idx.msk [tilespmem:v16+s20+$0x0], $0xffff;
	[tilespmem:s15+$0x0] =	vst v13  }
0x1b2: {  	s8 =	smov.u32 s13;
	s0 =	smov.u32 s10;
	s16 =	smov.u32 s11;
	v2 =	vor.u32 $0x6, v18;
	v6 =	vor.u32 $0x6, v1;
	v1 =	vor.u32 $0x6, v12;
	[tilespmem:s17+$0x0] =	vst v15  }
0x1b3: {  	s29 =	sadd.s32 $0xFFFFFF90, s28;
	s28 =	sadd.s32 $0x80, s28;
	s26 =	smov.u32 s14;
	[tilespmem:s18+$0x0] =	vst v17  }
0x1b4: {  	_ =	sdelay $0x3  }
0x1b5: {  	v12 =	vmov s29;
	v10 =	vld.idx.msk [tilespmem:v10+s20+$0x0], $0xffff  }
0x1b6: {  	s2 =	sand.u32 $0xF00, s29;
	[tilespmem:s9+$0x0] =	vst v3;
	v11 =	vld.idx.msk [tilespmem:v11+s20+$0x0], $0xffff;
	v12 =	vshll.u32 v12, $0x3  }
0x1b7: {  	s3 =	sand.u32 $0xE0, s25;
	[tilespmem:s7+$0x0] =	vst v4;
	v4 =	vld.idx.msk [tilespmem:v8+s20+$0x0], $0xffff;
	s2 =	sor.u32 $0x19000, s2;
	v3 =	vor.u32 v0, v12  }
0x1b8: {  	[tilespmem:s30+$0x0] =	vst v7;
	v5 =	vld.idx.msk [tilespmem:v5+s20+$0x0], $0xffff;
	s3 =	sor.u32 s3, s2;
	v3 =	vor.u32 $0x6, v3  }
0x1b9: {  	v6 =	vld.idx.msk [tilespmem:v6+s20+$0x0], $0xffff;
	s28 =	simm.s32 $0x70;
	[tilespmem:s3+$0x0] =	vst v9  }
0x1ba: {  	v2 =	vld.idx.msk [tilespmem:v2+s20+$0x0], $0xffff;
	s12 =	simm.s32 $0x30;
	v7 =	vmov s28;
	s31 =	sor.u32 s24, s2;
	[tilespmem:s26+$0x0] =	vst v10  }
0x1bb: {  	s5 =	simm.s32 $0x60;
	v1 =	vld.idx.msk [tilespmem:v1+s20+$0x0], $0xffff;
	s4 =	sor.u32 s23, s2;
	v7 =	vshll.u32 v7, $0x3;
	v9 =	vmov s12;
	[tilespmem:s31+$0x0] =	vst v11  }
0x1bc: {  	s7 =	simm.s32 $0x10;
	s11 =	simm.s32 $0x20;
	v8 =	vmov s5;
	s6 =	sor.u32 s6, s2;
	v7 =	vor.u32 v0, v7;
	v9 =	vshll.u32 v9, $0x3;
	[tilespmem:s4+$0x0] =	vst v4  }
0x1bd: {  	s13 =	simm.s32 $0x40;
	s25 =	simm.s32 $0xE0;
	s0 =	sor.u32 s0, s2;
	v7 =	vor.u32 $0x7, v7;
	v4 =	vshll.u32 v8, $0x3;
	v8 =	vmov s7;
	[tilespmem:s6+$0x0] =	vst v5;
	v3 =	vld.idx.msk [tilespmem:v3+s20+$0x0], $0xffff  }
0x1be: {  	s14 =	sor.u32 s16, s2;
	v5 =	vmov s11;
	[tilespmem:s0+$0x0] =	vst v6;
	v6 =	vmov s13;
	v10 =	vmov s25  }
0x1bf: {  	s15 =	simm.s32 $0x50;
	s8 =	sor.u32 s8, s2;
	[tilespmem:s14+$0x0] =	vst v2;
	v4 =	vor.u32 v0, v4;
	v8 =	vshll.u32 v8, $0x3;
	v2 =	vshll.u32 v5, $0x3  }
0x1c0: {  	s10 =	sand.u32 $0x80, s29;
	[tilespmem:s8+$0x0] =	vst v1;
	s31 =	simm.s32 $0xA0;
	v5 =	vmov s15;
	v1 =	vshll.u32 v6, $0x3;
	v10 =	vshll.u32 v10, $0x3  }
0x1c1: {  	s2 =	sor.u32 s10, s2;
	s10 =	sand.u32 $0xC0, s13;
	s13 =	simm.s32 $0xB0;
	v11 =	vmov s31;
	v4 =	vor.u32 $0x7, v4;
	v6 =	vor.u32 v0, v8  }
0x1c2: {  	s17 =	simm.s32 $0x19000;
	s14 =	simm.s32 $0xC0;
	v13 =	vmov s13;
	v2 =	vor.u32 v0, v2;
	v6 =	vor.u32 $0x7, v6;
	[tilespmem:s2+$0x0] =	vst v3  }
0x1c3: {  	s18 =	simm.s32 $0x0;
	s29 =	simm.s32 $0x80;
	v14 =	vmov s14;
	v2 =	vor.u32 $0x7, v2;
	v3 =	vor.u32 v0, v9;
	s2 =	rddreg [dreg:$0xd]  }
0x1c4: {  	s16 =	simm.s32 $0x0;
	s23 =	simm.s32 $0xF0;
	v5 =	vshll.u32 v5, $0x3;
	v1 =	vor.u32 v0, v1;
	v3 =	vor.u32 $0x7, v3;
	s2 =	sadd.s32 s21, s2  }
0x1c5: {  	v8 =	vmov s23;
	v10 =	vor.u32 v0, v10;
	v5 =	vor.u32 v0, v5;
	[hbm4b:s2+s16] =	stream.linear.scatter [tilespmem:s17], [sflag:$0x3], $0x1000, $0x38;
	[tilespmem:$0x1B000] =	vst v63  }
0x1c6: {  	s5 =	sand.u32 $0xE0, s5;
	s3 =	sand.u32 $0x90, s7;
	s4 =	sand.u32 $0xA0, s11;
	v1 =	vor.u32 $0x7, v1;
	v8 =	vshll.u32 v8, $0x3;
	v15 =	vor.u32 $0x7, v10;
	v4 =	vld.idx.msk [tilespmem:v4+s20+$0x0], $0xffff  }
0x1c7: {  	s7 =	sand.u32 $0xB0, s12;
	s11 =	sand.u32 $0xD0, s15;
	v10 =	vshll.u32 v11, $0x3;
	v5 =	vor.u32 $0x7, v5;
	v9 =	vmov s18;
	s17 =	sand.u32 $0xF00, s18;
	v6 =	vld.idx.msk [tilespmem:v6+s20+$0x0], $0xffff  }
0x1c8: {  	s26 =	simm.s32 $0x90;
	v11 =	vshll.u32 v14, $0x3;
	v61 =	vor.u32 v0, v8;
	v9 =	vshll.u32 v9, $0x3;
	s15 =	sor.u32 $0x1A000, s17;
	s17 =	simm.s32 $0xD0;
	v2 =	vld.idx.msk [tilespmem:v2+s20+$0x0], $0xffff  }
0x1c9: {  	s12 =	sand.u32 $0xF0, s28;
	s0 =	simm.s32 $0x8;
	s28 =	simm.s32 $0x170;
	v8 =	vor.u32 v0, v9;
	v9 =	vmov s26;
	v16 =	vld.idx.msk [tilespmem:v3+s20+$0x0], $0xffff;
	v3 =	vmov s17  }
0x1ca: {  	s8 =	sand.u32 $0xA0, s31;
	s24 =	sand.u32 $0xC0, s14;
	v17 =	vor.u32 v0, v11;
	v9 =	vshll.u32 v9, $0x3;
	s5 =	sor.u32 s5, s15;
	v62 =	vshll.u32 v3, $0x3  }
0x1cb: {  	s23 =	sand.u32 $0xF0, s23;
	s16 =	sand.u32 $0x90, s26;
	s3 =	sor.u32 s3, s15;
	v3 =	vld.idx.msk [tilespmem:v1+s20+$0x0], $0xffff;
	v1 =	vor.u32 v0, v9;
	v9 =	vor.u32 v0, v10;
	[tilespmem:s5+$0x0] =	vst v4;
	v4 =	vshll.u32 v13, $0x3  }
0x1cc: {  	s2 =	sand.u32 $0x80, s18;
	s6 =	sand.u32 $0xD0, s17;
	s18 =	sor.u32 s4, s15;
	v10 =	vor.u32 $0x7, v8;
	v11 =	vor.u32 $0x7, v1;
	[tilespmem:s3+$0x0] =	vst v6;
	v63 =	vor.u32 v0, v4;
	v4 =	vld.idx.msk [tilespmem:v5+s20+$0x0], $0xffff  }
0x1cd: {  	v7 =	vld.idx.msk [tilespmem:v7+s20+$0x0], $0xffff;
	s26 =	sor.u32 s2, s15;
	s31 =	sor.u32 s7, s15;
	s9 =	sor.u32 s10, s15;
	v8 =	vor.u32 $0x7, v9;
	v1 =	vor.u32 $0x7, v61;
	v13 =	vor.u32 v0, v62;
	[tilespmem:s18+$0x0] =	vst v2  }
0x1ce: {  	s7 =	sor.u32 s11, s15;
	s30 =	sor.u32 s12, s15;
	v9 =	vld.idx.msk [tilespmem:v15+s20+$0x0], $0xffff;
	s5 =	sand.u32 $0xB0, s13;
	v6 =	vor.u32 $0x7, v17;
	v2 =	vor.u32 $0x7, v13;
	v5 =	vor.u32 $0x7, v63;
	[tilespmem:s31+$0x0] =	vst v16  }
.LBB2_21:
0x1cf: {  	s31 =	sadd.s32 $0xFFFFFFF0, s28  }
0x1d0: {  	v12 =	vmov s28;
	s0 =	sadd.s32 $0x8, s0;
	v13 =	vmov s29;
	s2 =	sand.u32 $0xF00, s29;
	[tilespmem:s9+$0x0] =	vst v3;
	s3 =	sand.u32 $0xE0, s25  }
0x1d1: {  	s4 =	sadd.s32 $0xFFFFFFA0, s28;
	v3 =	vmov s31;
	v12 =	vshll.u32 v12, $0x3;
	p0 =	slt.u32 s0, $0xF8;
	v13 =	vshll.u32 v13, $0x3;
	s2 =	sor.u32 $0x1A000, s2;
	v14 =	vld.idx.msk [tilespmem:v10+s20+$0x0], $0xffff;
	[tilespmem:s7+$0x0] =	vst v4  }
0x1d2: {  	s9 =	sadd.s32 $0xFFFFFFC0, s28;
	s7 =	sadd.s32 $0xFFFFFFB0, s28;
	v3 =	vshll.u32 v3, $0x3;
	v12 =	vor.u32 v0, v12;
	v10 =	vor.u32 v0, v13;
	v13 =	vld.idx.msk [tilespmem:v11+s20+$0x0], $0xffff;
	s3 =	sor.u32 s3, s2;
	[tilespmem:s30+$0x0] =	vst v7  }
0x1d3: {  	s10 =	sadd.s32 $0xFFFFFFD0, s28;
	s11 =	sadd.s32 $0xFFFFFFE0, s28;
	s13 =	sand.u32 $0xF0, s28;
	v4 =	vmov s4;
	v7 =	vmov s7;
	v3 =	vor.u32 v0, v3;
	v15 =	vld.idx.msk [tilespmem:v8+s20+$0x0], $0xffff;
	[tilespmem:s3+$0x0] =	vst v9  }
0x1d4: {  	s3 =	sand.u32 $0x90, s4;
	s4 =	sand.u32 $0xA0, s7;
	v8 =	vmov s9;
	v9 =	vmov s10;
	s7 =	sand.u32 $0x80, s29;
	v16 =	vor.u32 $0x7, v3;
	v17 =	vld.idx.msk [tilespmem:v5+s20+$0x0], $0xffff  }
0x1d5: {  	s12 =	sand.u32 $0xB0, s9;
	v7 =	vshll.u32 v7, $0x3;
	s10 =	sand.u32 $0xC0, s10;
	v5 =	vshll.u32 v4, $0x3;
	v4 =	vmov s11;
	s11 =	sand.u32 $0xD0, s11;
	v3 =	vld.idx.msk [tilespmem:v6+s20+$0x0], $0xffff  }
0x1d6: {  	s15 =	sor.u32 s16, s2;
	s17 =	sor.u32 s8, s2;
	s14 =	sor.u32 s7, s2;
	v6 =	vshll.u32 v8, $0x3;
	v8 =	vshll.u32 v9, $0x3;
	v9 =	vshll.u32 v4, $0x3;
	v4 =	vld.idx.msk [tilespmem:v2+s20+$0x0], $0xffff  }
.Ltmp10:
0x1d7: {  	s18 =	sor.u32 s5, s2;
	s9 =	sor.u32 s24, s2;
	v2 =	vor.u32 v0, v5;
	v5 =	vor.u32 v0, v7;
	v6 =	vor.u32 v0, v6;
	v7 =	vld.idx.msk [tilespmem:v1+s20+$0x0], $0xffff;
	(pc) =	sbr.rel @p0 .LBB2_21-.Ltmp10, $4  }
0x1d8: {  	s25 =	smov.u32 s31;
	s30 =	sor.u32 s23, s2;
	v10 =	vor.u32 $0x7, v10;
	s7 =	sor.u32 s6, s2;
	v18 =	vor.u32 v0, v9;
	v1 =	vor.u32 v0, v8;
	[tilespmem:s26+$0x0] =	vst v14  }
0x1d9: {  	s5 =	smov.u32 s12;
	s16 =	smov.u32 s3;
	s8 =	smov.u32 s4;
	v11 =	vor.u32 $0x7, v2;
	v8 =	vor.u32 $0x7, v5;
	v5 =	vor.u32 $0x7, v6;
	v9 =	vld.idx.msk [tilespmem:v16+s20+$0x0], $0xffff;
	[tilespmem:s15+$0x0] =	vst v13  }
0x1da: {  	s23 =	smov.u32 s13;
	s24 =	smov.u32 s10;
	s6 =	smov.u32 s11;
	v2 =	vor.u32 $0x7, v18;
	v6 =	vor.u32 $0x7, v1;
	v1 =	vor.u32 $0x7, v12;
	[tilespmem:s17+$0x0] =	vst v15  }
0x1db: {  	s29 =	sadd.s32 $0xFFFFFF90, s28;
	s28 =	sadd.s32 $0x80, s28;
	s26 =	smov.u32 s14;
	[tilespmem:s18+$0x0] =	vst v17  }
0x1dc: {  	_ =	sdelay $0x2  }
0x1dd: {  	v12 =	vmov s29  }
0x1de: {  	v10 =	vld.idx.msk [tilespmem:v10+s20+$0x0], $0xffff;
	v12 =	vshll.u32 v12, $0x3  }
0x1df: {  	s0 =	sand.u32 $0xF00, s29;
	[tilespmem:s9+$0x0] =	vst v3;
	v11 =	vld.idx.msk [tilespmem:v11+s20+$0x0], $0xffff;
	v3 =	vor.u32 v0, v12  }
0x1e0: {  	s2 =	sand.u32 $0xE0, s25;
	[tilespmem:s7+$0x0] =	vst v4;
	v63 =	vld.idx.msk [tilespmem:v8+s20+$0x0], $0xffff;
	s0 =	sor.u32 $0x1A000, s0;
	v3 =	vor.u32 $0x7, v3  }
0x1e1: {  	[tilespmem:s30+$0x0] =	vst v7;
	v5 =	vld.idx.msk [tilespmem:v5+s20+$0x0], $0xffff;
	s2 =	sor.u32 s2, s0  }
0x1e2: {  	v2 =	vld.idx.msk [tilespmem:v2+s20+$0x0], $0xffff;
	[tilespmem:s2+$0x0] =	vst v9  }
0x1e3: {  	v1 =	vld.idx.msk [tilespmem:v1+s20+$0x0], $0xffff;
	s18 =	sor.u32 s16, s0;
	[tilespmem:s26+$0x0] =	vst v10  }
0x1e4: {  	v6 =	vld.idx.msk [tilespmem:v6+s20+$0x0], $0xffff;
	s3 =	sor.u32 s8, s0;
	[tilespmem:s18+$0x0] =	vst v11  }
0x1e5: {  	s25 =	sor.u32 s5, s0;
	[tilespmem:s3+$0x0] =	vst v63;
	v3 =	vld.idx.msk [tilespmem:v3+s20+$0x0], $0xffff  }
0x1e6: {  	s28 =	sor.u32 s6, s0;
	[tilespmem:s25+$0x0] =	vst v5  }
0x1e7: {  	s4 =	sor.u32 s23, s0;
	[tilespmem:s28+$0x0] =	vst v2  }
0x1e8: {  	s29 =	sand.u32 $0x80, s29;
	s26 =	sor.u32 s24, s0;
	[tilespmem:s4+$0x0] =	vst v1  }
0x1e9: {  	s0 =	sor.u32 s29, s0;
	[tilespmem:s26+$0x0] =	vst v6  }
0x1ea: {  	[tilespmem:s0+$0x0] =	vst v3  }
0x1eb: {  	s0 =	rddreg [dreg:$0xe]  }
0x1ec: {  	s30 =	simm.s32 $0x0;
	s31 =	simm.s32 $0x1A000;
	s0 =	sadd.s32 s21, s0  }
0x1ed: {  	[hbm4b:s0+s30] =	stream.linear.scatter [tilespmem:s31], [sflag:$0x3], $0x1000, $0x38;
	[tilespmem:$0x1B000] =	vst v63  }
0x1ee: {  	_ =	swait.ge [sflag:s1], $0x1000  }
0x1ef: {  	[sflag:s1] =	ssyncset.done $0x0  }
0x1f0: {  	[sflag:s1] =	ssyncadd.s32 $0xFFFFF000  }
0x1f1: {  	_ =	swait.ge [sflag:s1], $0x1000  }
0x1f2: {  	[sflag:s1] =	ssyncset.done $0x0  }
0x1f3: {  	[sflag:s1] =	ssyncadd.s32 $0xFFFFF000  }
0x1f4: {  	_ =	swait.ge [sflag:s1], $0x1000  }
0x1f5: {  	[sflag:s1] =	ssyncset.done $0x0  }
0x1f6: {  	[sflag:s1] =	ssyncadd.s32 $0xFFFFF000  }
0x1f7: {  	_ =	swait.ge [sflag:s1], $0x1000  }
0x1f8: {  	[sflag:s1] =	ssyncset.done $0x0  }
0x1f9: {  	[sflag:s1] =	ssyncadd.s32 $0xFFFFF000  }
0x1fa: {  	_ =	swait.ge [sflag:s1], $0x1000  }
0x1fb: {  	[sflag:s1] =	ssyncset.done $0x0  }
0x1fc: {  	[sflag:s1] =	ssyncadd.s32 $0xFFFFF000  }
0x1fd: {  	_ =	swait.ge [sflag:s1], $0x1000  }
0x1fe: {  	[sflag:s1] =	ssyncset.done $0x0  }
0x1ff: {  	[sflag:s1] =	ssyncadd.s32 $0xFFFFF000  }
0x200: {  	_ =	swait.ge [sflag:s1], $0x1000  }
0x201: {  	[sflag:s1] =	ssyncset.done $0x0  }
0x202: {  	[sflag:s1] =	ssyncadd.s32 $0xFFFFF000  }
0x203: {  	_ =	swait.ge [sflag:s1], $0x1000  }
0x204: {  	s21 =	rddreg [dreg:$0x11]  }
0x205: {  	p0 =	slt.u32 s21, $0x10  }
.Ltmp11:
0x206: {  	_ = 	snop;
	(pc) =	sbr.rel @p0 .LBB2_2-.Ltmp11, $3  }
0x207: {  	_ =	sdelay $0x1  }
0x208: {  	[sflag:s1] =	ssyncset.done $0x0  }
0x209: {  	[sflag:s1] =	ssyncadd.s32 $0xFFFFF000  }
0x20a: {  	s2 =	rddreg [dreg:$0x10]  }
0x20b: {  	s0 =	rddreg [dreg:$0xf];
	s2 =	sadd.s32 $0x1, s2  }
0x20c: {  	p0 =	sne.s32 s2, s0  }
.Ltmp12:
0x20d: {  	_ = 	snop;
	(pc) =	sbr.rel @p0 .LBB2_1-.Ltmp12, $1  }
0x20e: {  	_ =	sdelay $0x3  }
0x20f: {  	_ =	sfence.sel $0x180000  }
0x210: {  	[bflag:$0x0] =	sbarrier.arrive $0xFFFF  }
0x211: {  	_ =	strace $0x9000004D  }
0x212: {  	s0 =	stileid.u32;
	[bflag:$0x2] =	sbarrier.arrive $0xFFFF  }
0x213: {  	p0 =	sne.s32 s0, $0x0;
	s0 =	rddreg [dreg:$0x2]  }
0x214: {  	s0 =	sadd.s32 @!p0 $0x100000, s0  }
0x215: {  	[sflag:s0] =	ssyncadd.tile.s32 @!p0 $0x1;
	_ =	shalt  }
.Lfunc_end2:
_tile_overlayer_lowered:
.L_overlay_start_2:
0x216: {  	(tag) =	ssettag $0x2  }
0x217: {  	s0 =	rddreg [dreg:$0x0];
	s2 =	stileid.u32  }
0x218: {  	s1 =	rddreg [dreg:$0x1];
	p0 =	sne.s32 s2, $0x0  }
0x219: {  	s3 =	rddreg [dreg:$0x2];
	[bflag:$0x3] =	sbarrier.arrive $0xFFFF;
	s2 =	simm.s32 @!p0 $0x1C04  }
0x21a: {  	[timem:s3], [sflag:s2] =	dma.local @!p0 [hbm:s0], s1  }
0x21b: {  	s0 =	simm.s32 @!p0 $0x4  }
0x21c: {  	_ =	swait.ge @!p0 [sflag:s0], s1  }
0x21d: {  	s1 =	ssub.s32 @!p0 $0x0, s1;
	[sflag:s0] =	ssyncset.done @!p0 $0x0  }
0x21e: {  	[sflag:s0] =	ssyncadd.s32 @!p0 s1  }
0x21f: {  	[bflag:$0x3] =	sbarrier.arrive $0xFFFF  }
0x220: {  	_ =	shalt  }

// kernel: sparse-core-data-format-call.cloned.1.call-start
scs
called_computation_lowered:
.L_overlay_start_0:
0x0: {  	s2 =	sld [smem:$0x3FD9]  }
0x1: {  	s3 =	sld [smem:$0x3FFE];
	_ =	sdelay $0x1  }
0x2: {  	s1 =	srdreg.scid  }
0x3: {  	s0 =	sand.u32 $0x1, s1  }
0x4: {  	s18 =	sshll.u32 s0, $0xA;
	s2 =	sadd.s32 s3, s2  }
0x5: {  	s2 =	sadd.s32 s2, s18  }
0x6: {  	[smem:$0x3FC4] =	sst s2  }
0x7: {  	_ = 	snop  }
0x8: {  	s2 =	sld [smem:$0x3FC9];
	(tm) =	ssettm $0x1  }
0x9: {  	s19 =	sld [smem:$0x3FFB];
	_ =	sdelay $0x3  }
0xa: {  	_ =	strace s19  }
0xb: {  	s3 =	sld [smem:$0x3FFC];
	_ =	sdelay $0x3  }
0xc: {  	_ =	strace s3  }
0xd: {  	s3 =	sld [smem:$0x3FFD];
	_ =	sdelay $0x3  }
0xe: {  	_ =	strace s3  }
0xf: {  	_ =	strace $0x8FFFFFFF  }
0x10: {  	s20 =	sld [smem:$0x3FDB];
	_ =	sdelay $0x1  }
0x11: {  	s4 =	simm.s32 $_scs_section_size  }
0x12: {  	s5 =	simm.s32 $_size__tile_overlayer_lowered;
	s6 =	simm.s32 $_tile_overlayer_lowered  }
0x13: {  	s23 =	simm.s32 $0x1BFF;
	s22 =	sshll.u32 s6, $0x1;
	s3 =	sadd.s32 s4, s20  }
0x14: {  	s7 =	simm.s32 $0x0;
	s21 =	sshll.u32 s5, $0x1;
	s5 =	sadd.s32 s22, s3  }
0x15: {  	[timem:s7], [sflag:s23] =	dma.local [hbm:s5], s21  }
0x16: {  	_ =	swait.ge [sflag:s23], s21  }
0x17: {  	s4 =	ssub.s32 $0x0, s21;
	[sflag:s23] =	ssyncset.done $0x0  }
0x18: {  	[sflag:s23] =	ssyncadd.s32 s4;
	_ =	sdelay $0x1  }
0x19: {  	s24 =	simm.s32 $0x1B8B  }
0x1a: {  	_ =	swait.ge [sflag:s24], $0x1  }
0x1b: {  	[sflag:s24] =	ssyncset.done $0x0  }
0x1c: {  	s26 =	simm.s32 $0x1B8E;
	s25 =	sld [smem:$0x3FFE];
	[sflag:s24] =	ssyncadd.s32 $0xFFFFFFFF  }
0x1d: {  	s27 =	simm.s32 $execute0_lowered;
	[smem:$0x3FD2] =	sst s26  }
0x1e: {  	s5 =	sshll.u32 s27, $0x1;
	_ =	strace $0x80000046;
	[dreg:$0x1] =	wrdreg $0xFFFFFFFF  }
0x1f: {  	s28 =	simm.s32 $_size_execute0_lowered;
	s3 =	sadd.s32 s3, s5;
	[dreg:$0x0] =	wrdreg $0x0  }
0x20: {  	s5 =	sshll.u32 s28, $0x1;
	[dreg:$0x2] =	wrdreg s3  }
0x21: {  	[dreg:$0x3] =	wrdreg s5  }
0x22: {  	[dreg:$0x4] =	wrdreg $0xC0  }
0x23: {  	_ =	task [dreg:s7], $0x5FFFF  }
0x24: {  	[dreg:$0x1] =	wrdreg $0xFFFFFFFF  }
0x25: {  	[dreg:$0x0] =	wrdreg $0x60  }
0x26: {  	[dreg:$0x2] =	wrdreg s2  }
0x27: {  	[dreg:$0x3] =	wrdreg s25  }
0x28: {  	[dreg:$0x4] =	wrdreg $0x9  }
0x29: {  	_ =	task.clear_ibuf [dreg:s7], $0x5FFFF;
	_ =	strace $0x90000046  }
0x2a: {  	s29 =	simm.s32 $0x9;
	_ =	strace $0x80000048  }
0x2b: {  	_ =	swait.ge [sflag:s29], $0x1  }
0x2c: {  	[sflag:s29] =	ssyncadd.s32 $0xFFFFFFFF  }
0x2d: {  	_ =	strace $0x90000048  }
0x2e: {  	_ =	sfence  }
0x2f: {  	s30 =	sld [smem:$0x0];
	_ =	sdelay $0x2  }
0x30: {  	s31 =	sshll.u32 s1, $0xD;
	s1 =	sshrl.u32 s1, $0x2  }
0x31: {  	s3 =	sand.u32 $0x4000, s31;
	s1 =	sadd.s32 s1, s30  }
0x32: {  	s0 =	sor.u32 s3, s0;
	s1 =	sshll.u32 s1, $0x11  }
0x33: {  	s0 =	sor.u32 s1, s0  }
0x34: {  	s0 =	sadd.s32 $0x8F2B, s0  }
0x35: {  	[sflag:s0] =	ssyncadd.remote.s32 $0x1  }
0x36: {  	_ =	sfence.sel $0xFFFF  }
0x37: {  	[dreg:$0x0] =	wrdreg $0xFFFFFFFF;
	(pc) =	sbr.abs _section_cstart, $3  }
0x38: {  	[dreg:$0x1] =	wrdreg $0xFFFFFFFF  }
0x39: {  	_ =	task.clear_ibuf [dreg:s7], $0x2FFFF;
	_ =	strace $0x9FFFFFFF  }
0x3a: {  	(tm) =	ssettm $0x7FFFFFFF  }
0x3b: {  	_ =	shalt  }
tec
execute0_lowered:
.L_overlay_start_1:
0x0: {  	(tag) =	ssettag $0x1  }
0x1: {  	s0 =	srdreg.scid  }
0x2: {  	s1 =	sshll.u32 s0, $0x4  }
0x3: {  	s2 =	rddreg [dreg:$0x0];
	s0 =	stileid.u32;
	s1 =	sand.u32 $0x10, s1  }
0x4: {  	s4 =	rddreg [dreg:$0x1];
	s7 =	simm.s32 $0x1;
	s1 =	sor.u32 s0, s1  }
0x5: {  	s8 =	simm.s32 $0x2;
	s9 =	simm.s32 $0x0;
	s3 =	sshll.u32 s1, $0x3  }
0x6: {  	s12 =	simm.s32 $0x0;
	s11 =	simm.s32 $0x0;
	s6 =	ssub.s32 $0x2000, s3  }
.Ltmp0:
0x7: {  	s4 =	sadd.s32 $0xE00, s4;
	s5 =	sand.u32 $0xF8, s6;
	(pc) =	sbr.rel .LBB1_1-.Ltmp0, $4  }
0x8: {  	s1 =	rddreg [dreg:$0x2];
	_ =	strace $0x80000047;
	p0 =	sne.s32 s5, $0x0  }
0x9: {  	s6 =	sshrl.u32 s6, $0x8;
	s5 =	simm.s32 $0x1;
	s7 =	simm.s32 @!p0 $0x0  }
0xa: {  	s10 =	smov.u32 s3;
	[sflag:s5] =	ssyncpa.u1 $0x0;
	s6 =	sadd.s32 s7, s6  }
0xb: {  	[sflag:s8] =	ssyncpa.u1 $0x0;
	s8 =	simm.s32 $0x0;
	s7 =	sadd.s32 $0x1, s6  }
.LBB1_9:
0xc: {  	s14 =	sadd.s32 $0x100, s10  }
0xd: {  	p1 =	sgt.s32 s14, $0x1FFF  }
0xe: {  	s14 =	smov.u32 @p1 s3;
	p1 =	sne.s32 s11, s7  }
.Ltmp1:
0xf: {  	p0 =	slt.u32 s11, $0x2;
	(pc) =	sbr.rel @!p1 .LBB1_10-.Ltmp1, $4  }
0x10: {  	s13 =	simm.s32 @!p0 $0x2  }
0x11: {  	s15 =	sadd.s32 $0x1, s11;
	_ =	swait.ge @!p0 [sflag:s13], $0x4000  }
0x12: {  	s12 =	smov.u32 s10;
	s9 =	sadd.s32 $0x4000, s9;
	[sflag:s13] =	ssyncset.done @!p0 $0x0  }
0x13: {  	s11 =	smov.u32 s15;
	s10 =	smov.u32 s14;
	[sflag:s13] =	ssyncadd.s32 @!p0 $0xFFFFC000  }
.LBB1_1:
0x14: {  	p0 =	sge.u32 s11, s6  }
0x15: {  	s13 =	sxor.u32 @!p0 $0xFFFFFFFF, s11  }
0x16: {  	s31 =	sadd.s32 $0xFFFFFFFF, s11;
	s14 =	sshll.u32 @!p0 s10, $0x8;
	s13 =	sshll.u32 @!p0 s13, $0xE  }
0x17: {  	s15 =	simm.s32 @!p0 $0x0;
	s14 =	sadd.s32 @!p0 s2, s14;
	s13 =	sand.u32 @!p0 $0x4000, s13  }
0x18: {  	[tilespmem:s13], [sflag:$0x1] =	stream.linear.gather @!p0 [hbm4b:s14+s15], $0x4000, $0x38;
	[tilespmem:$0x10000] =	vst v63  }
0x19: {  	p0 =	sge.u32 s31, s6  }
.Ltmp2:
0x1a: {  	_ = 	snop;
	(pc) =	sbr.rel @p0 .LBB1_9-.Ltmp2, $1  }
0x1b: {  	_ =	sdelay $0x3  }
0x1c: {  	s13 =	sshll.u32 s9, $0x2;
	_ =	swait.ge [sflag:s5], $0x4000;
	s14 =	sshll.u32 s11, $0xE  }
0x1d: {  	s16 =	simm.s32 $0x0;
	s17 =	simm.s32 $0x0;
	s15 =	sand.u32 $0x10000, s13  }
0x1e: {  	[sflag:s5] =	ssyncset.done $0x0;
	s31 =	sand.u32 $0x4000, s14;
	s14 =	sshrl.u32 s15, $0x2  }
0x1f: {  	[sflag:s5] =	ssyncadd.s32 $0xFFFFC000;
	s13 =	sor.u32 $0x8000, s31;
	s15 =	sor.u32 $0x8000, s14  }
.LBB1_3:
0x20: {  	s18 =	sshra.s32 s16, $0x2  }
0x21: {  	v0 =	vmov s18;
	_ =	sdelay $0x3  }
0x22: {  	p1 =	por $0x1, $0x1;
	s18 =	simm.s32 $0x0  }
.LBB1_4:
0x23: {  	_ = 	snop  }
0x24: {  	s19 =	sshll.u32 s18, $0xA  }
0x25: {  	s19 =	sand.u32 $0x3FFFFC00, s19  }
0x26: {  	s19 =	sadd.s32 s19, s14  }
0x27: {  	v5 =	vld.idx.msk [tilespmem:v0+s19+$0x70 ss:$0x1], $0xffff  }
0x28: {  	v6 =	vld.idx.msk [tilespmem:v0+s19+$0x10 ss:$0x1], $0xffff  }
0x29: {  	v7 =	vld.idx.msk [tilespmem:v0+s19+$0x20 ss:$0x1], $0xffff  }
0x2a: {  	s31 =	sshll.u32 s18, $0x7;
	v1 =	vld.idx.msk [tilespmem:v0+s19+$0x30 ss:$0x1], $0xffff  }
0x2b: {  	s18 =	sand.u32 $0x3FFFFF80, s31;
	v2 =	vld.idx.msk [tilespmem:v0+s19+$0x40 ss:$0x1], $0xffff  }
0x2c: {  	s18 =	sadd.s32 s18, s15;
	v3 =	vld.idx.msk [tilespmem:v0+s19+$0x50 ss:$0x1], $0xffff  }
0x2d: {  	v4 =	vld.idx.msk [tilespmem:v0+s19+$0x60 ss:$0x1], $0xffff;
	[tilespmem:v0+s18+$0x70 ss:$0x1] =	vst.idx.msk $0xffff, v5  }
0x2e: {  	v5 =	vld.idx.msk [tilespmem:v0+s19+$0x0 ss:$0x1], $0xffff;
	[tilespmem:v0+s18+$0x10 ss:$0x1] =	vst.idx.msk $0xffff, v6;
	s19 =	sadd.s32 $0x80, s19  }
0x2f: {  	p0 =	por p1, p1;
	s20 =	simm.s32 $0x6;
	[tilespmem:v0+s18+$0x20 ss:$0x1] =	vst.idx.msk $0xffff, v7;
	v6 =	vld.idx.msk [tilespmem:v0+s19+$0x70 ss:$0x1], $0xffff  }
.LBB1_5:
0x30: {  	p1 =	sne.s32 s20, $0x1;
	v7 =	vld.idx.msk [tilespmem:v0+s19+$0x10 ss:$0x1], $0xffff;
	[tilespmem:v0+s18+$0x30 ss:$0x1] =	vst.idx.msk $0xffff, v1  }
0x31: {  	v8 =	vld.idx.msk [tilespmem:v0+s19+$0x20 ss:$0x1], $0xffff;
	[tilespmem:v0+s18+$0x40 ss:$0x1] =	vst.idx.msk $0xffff, v2  }
0x32: {  	v1 =	vld.idx.msk [tilespmem:v0+s19+$0x30 ss:$0x1], $0xffff;
	[tilespmem:v0+s18+$0x50 ss:$0x1] =	vst.idx.msk $0xffff, v3  }
.Ltmp3:
0x33: {  	v2 =	vld.idx.msk [tilespmem:v0+s19+$0x40 ss:$0x1], $0xffff;
	[tilespmem:v0+s18+$0x60 ss:$0x1] =	vst.idx.msk $0xffff, v4;
	(pc) =	sbr.rel @p1 .LBB1_5-.Ltmp3, $4  }
0x34: {  	v3 =	vld.idx.msk [tilespmem:v0+s19+$0x50 ss:$0x1], $0xffff;
	[tilespmem:v0+s18+$0x0 ss:$0x1] =	vst.idx.msk $0xffff, v5;
	s18 =	sadd.s32 $0x100, s18  }
0x35: {  	v4 =	vld.idx.msk [tilespmem:v0+s19+$0x60 ss:$0x1], $0xffff;
	[tilespmem:v0+s18+$0x70 ss:$0x1] =	vst.idx.msk $0xffff, v6  }
0x36: {  	v5 =	vld.idx.msk [tilespmem:v0+s19+$0x0 ss:$0x1], $0xffff;
	[tilespmem:v0+s18+$0x10 ss:$0x1] =	vst.idx.msk $0xffff, v7;
	s19 =	sadd.s32 $0x80, s19  }
0x37: {  	s20 =	sadd.s32 $0xFFFFFFFF, s20;
	v6 =	vld.idx.msk [tilespmem:v0+s19+$0x70 ss:$0x1], $0xffff;
	[tilespmem:v0+s18+$0x20 ss:$0x1] =	vst.idx.msk $0xffff, v8  }
0x38: {  	_ =	sdelay $0x3  }
0x39: {  	[tilespmem:v0+s18+$0x30 ss:$0x1] =	vst.idx.msk $0xffff, v1  }
0x3a: {  	v1 =	vld.idx.msk [tilespmem:v0+s19+$0x10 ss:$0x1], $0xffff;
	[tilespmem:v0+s18+$0x40 ss:$0x1] =	vst.idx.msk $0xffff, v2  }
0x3b: {  	v2 =	vld.idx.msk [tilespmem:v0+s19+$0x20 ss:$0x1], $0xffff;
	[tilespmem:v0+s18+$0x50 ss:$0x1] =	vst.idx.msk $0xffff, v3  }
0x3c: {  	v61 =	vld.idx.msk [tilespmem:v0+s19+$0x40 ss:$0x1], $0xffff;
	[tilespmem:v0+s18+$0x60 ss:$0x1] =	vst.idx.msk $0xffff, v4  }
0x3d: {  	s31 =	sadd.s32 $0x100, s18;
	v62 =	vld.idx.msk [tilespmem:v0+s19+$0x50 ss:$0x1], $0xffff;
	[tilespmem:v0+s18+$0x0 ss:$0x1] =	vst.idx.msk $0xffff, v5  }
0x3e: {  	v63 =	vld.idx.msk [tilespmem:v0+s19+$0x60 ss:$0x1], $0xffff;
	[tilespmem:v0+s31+$0x70 ss:$0x1] =	vst.idx.msk $0xffff, v6  }
0x3f: {  	v3 =	vld.idx.msk [tilespmem:v0+s19+$0x30 ss:$0x1], $0xffff;
	[tilespmem:v0+s31+$0x10 ss:$0x1] =	vst.idx.msk $0xffff, v1  }
0x40: {  	v1 =	vld.idx.msk [tilespmem:v0+s19+$0x0 ss:$0x1], $0xffff;
	[tilespmem:v0+s31+$0x20 ss:$0x1] =	vst.idx.msk $0xffff, v2  }
.Ltmp4:
0x41: {  	[tilespmem:v0+s31+$0x40 ss:$0x1] =	vst.idx.msk $0xffff, v61;
	(pc) =	sbr.rel @p0 .LBB1_4-.Ltmp4, $4  }
0x42: {  	[tilespmem:v0+s31+$0x50 ss:$0x1] =	vst.idx.msk $0xffff, v62  }
0x43: {  	[tilespmem:v0+s31+$0x60 ss:$0x1] =	vst.idx.msk $0xffff, v63  }
0x44: {  	[tilespmem:v0+s31+$0x30 ss:$0x1] =	vst.idx.msk $0xffff, v3  }
0x45: {  	p1 =	por $0x0, $0x0;
	s18 =	simm.s32 $0x1;
	[tilespmem:v0+s31+$0x0 ss:$0x1] =	vst.idx.msk $0xffff, v1  }
0x46: {  	s17 =	sadd.s32 $0x1, s17  }
0x47: {  	p0 =	sne.s32 s17, $0x8  }
.Ltmp5:
0x48: {  	_ = 	snop;
	(pc) =	sbr.rel @p0 .LBB1_3-.Ltmp5, $2  }
0x49: {  	_ =	sdelay $0x2  }
0x4a: {  	s16 =	sadd.s32 $0x2000, s16  }
.Ltmp6:
0x4b: {  	(pc) =	sbr.rel .LBB1_9-.Ltmp6, $4  }
0x4c: {  	_ = 	snop  }
0x4d: {  	s12 =	sshll.u32 s12, $0x8  }
0x4e: {  	s12 =	sadd.s32 s4, s12  }
0x4f: {  	[hbm4b:s12+s8] =	stream.linear.scatter [tilespmem:s13], [sflag:$0x2], $0x4000, $0x38;
	[tilespmem:$0x10000] =	vst v63  }
.LBB1_10:
0x50: {  	_ =	sfence.sel $0x180000  }
0x51: {  	s2 =	simm.s32 $0x1;
	[bflag:$0x0] =	sbarrier.arrive $0xFFFF  }
0x52: {  	s31 =	simm.s32 $0x2;
	[sflag:s2] =	ssyncpa.u1 $0x1  }
0x53: {  	[sflag:s31] =	ssyncpa.u1 $0x1  }
0x54: {  	p0 =	sne.s32 s0, $0x0;
	_ =	strace $0x90000047  }
0x55: {  	s0 =	sadd.s32 @!p0 $0x100000, s1;
	[bflag:$0x2] =	sbarrier.arrive $0xFFFF  }
0x56: {  	[sflag:s0] =	ssyncadd.tile.s32 @!p0 $0x1;
	_ =	shalt  }
.Lfunc_end1:
_tile_overlayer_lowered:
.L_overlay_start_2:
0x57: {  	(tag) =	ssettag $0x2  }
0x58: {  	s0 =	rddreg [dreg:$0x0];
	s2 =	stileid.u32  }
0x59: {  	s1 =	rddreg [dreg:$0x1];
	p0 =	sne.s32 s2, $0x0  }
0x5a: {  	s3 =	rddreg [dreg:$0x2];
	[bflag:$0x3] =	sbarrier.arrive $0xFFFF;
	s2 =	simm.s32 @!p0 $0x1C01  }
0x5b: {  	[timem:s3], [sflag:s2] =	dma.local @!p0 [hbm:s0], s1  }
0x5c: {  	s0 =	simm.s32 @!p0 $0x1  }
0x5d: {  	_ =	swait.ge @!p0 [sflag:s0], s1  }
0x5e: {  	s1 =	ssub.s32 @!p0 $0x0, s1;
	[sflag:s0] =	ssyncset.done @!p0 $0x0  }
0x5f: {  	[sflag:s0] =	ssyncadd.s32 @!p0 s1  }
0x60: {  	[bflag:$0x3] =	sbarrier.arrive $0xFFFF  }
0x61: {  	_ =	shalt  }

</sc_bundles>
